<compile_context>
chip_gen: v7x
topology: tpu7x:2x2x1
jax: 0.10.2.dev20260603
libtpu: 0.0.44.dev20260713+nightly
codegen_flags: <defaults>
</compile_context>

<pallas_src>
import functools

import jax
import jax.numpy as jnp
from jax import lax
from jax.experimental import pallas as pl
from jax.experimental.pallas import tpu as pltpu
from jax.experimental.pallas import tpu_sc as plsc

N = 10000
E = 320000
H = 64
RADIUS = 0.015
INV_R = 1.0 / RADIUS

NC = 2
NS = 16
NW = NC * NS
CHI = 128
NCHUNK = E // CHI
ITER_T = -(-NCHUNK // NS)
ITER_W = -(-NCHUNK // NW)
SHARE = 624
TAIL0 = NS * SHARE
TAIL = N - TAIL0


def _copy_shared(src, dst, sid):
    sl = pl.ds(sid * SHARE, SHARE)
    pltpu.sync_copy(src.at[sl], dst.at[sl])

    @pl.when(sid == 0)
    def _tail():
        tl = pl.ds(TAIL0, TAIL)
        pltpu.sync_copy(src.at[tl], dst.at[tl])

def _relu(x):
    return jnp.maximum(x, 0.0)


def _dot(x, w):
    return jnp.dot(x, w, preferred_element_type=jnp.float32)



def _row_gather_loop(idx_hbm, out_hbm, tbl_sh, idx_v, rows_v, sem, sid):

    def chunk(i, carry):
        c = i * NS + sid

        @pl.when(c < NCHUNK)
        def _go():
            base = c * CHI
            pltpu.sync_copy(idx_hbm.at[pl.ds(base, CHI)], idx_v)
            pltpu.async_copy(tbl_sh.at[idx_v], rows_v, sem).wait()
            pltpu.sync_copy(rows_v, out_hbm.at[pl.ds(base, CHI)])

        return carry

    lax.fori_loop(0, ITER_T, chunk, 0)


def _gather1_body(pt, qt, px, py, snd, rcv, gs, gr, rx_o, ry_o, d2_o,
                  idx_v, idx_s, idx_r, rows_v, px_v, py_v, fx, fy, fd,
                  tbl_sh, sem):
    cid = lax.axis_index("c")
    sid = lax.axis_index("s")

    @pl.when(cid == 0)
    def _stage_p():
        _copy_shared(pt, tbl_sh, sid)

    @pl.when(cid == 1)
    def _stage_q():
        _copy_shared(qt, tbl_sh, sid)

    pltpu.sync_copy(px, px_v)
    pltpu.sync_copy(py, py_v)
    plsc.subcore_barrier()

    @pl.when(cid == 0)
    def _go_s():
        _row_gather_loop(snd, gs, tbl_sh, idx_v, rows_v, sem, sid)

    @pl.when(cid == 1)
    def _go_r():
        _row_gather_loop(rcv, gr, tbl_sh, idx_v, rows_v, sem, sid)

    wid = cid * NS + sid

    def chunk(i, carry):
        c = i * NW + wid

        @pl.when(c < NCHUNK)
        def _go():
            base = c * CHI
            pltpu.sync_copy(snd.at[pl.ds(base, CHI)], idx_s)
            pltpu.sync_copy(rcv.at[pl.ds(base, CHI)], idx_r)

            def vec(k, carry2):
                s = pl.ds(k * 16, 16)
                ivs = idx_s[s]
                ivr = idx_r[s]
                ax = (plsc.load_gather(px_v, [ivs])
                      - plsc.load_gather(px_v, [ivr])) * INV_R
                ay = (plsc.load_gather(py_v, [ivs])
                      - plsc.load_gather(py_v, [ivr])) * INV_R
                fx[s] = ax
                fy[s] = ay
                fd[s] = ax * ax + ay * ay
                return carry2

            lax.fori_loop(0, CHI // 16, vec, 0)
            pltpu.sync_copy(fx, rx_o.at[pl.ds(base, CHI)])
            pltpu.sync_copy(fy, ry_o.at[pl.ds(base, CHI)])
            pltpu.sync_copy(fd, d2_o.at[pl.ds(base, CHI)])

        return carry

    lax.fori_loop(0, ITER_W, chunk, 0)


def _gather2_body(pt, qt, snd, rcv, gs, gr, idx_v, rows_v, tbl_sh, sem):
    cid = lax.axis_index("c")
    sid = lax.axis_index("s")

    @pl.when(cid == 0)
    def _stage_p():
        _copy_shared(pt, tbl_sh, sid)

    @pl.when(cid == 1)
    def _stage_q():
        _copy_shared(qt, tbl_sh, sid)

    plsc.subcore_barrier()

    @pl.when(cid == 0)
    def _go_s():
        _row_gather_loop(snd, gs, tbl_sh, idx_v, rows_v, sem, sid)

    @pl.when(cid == 1)
    def _go_r():
        _row_gather_loop(rcv, gr, tbl_sh, idx_v, rows_v, sem, sid)


def _scatter_body(edge, rcv, zeros, out, idx_v, rows_v, acc):
    cid = lax.axis_index("c")
    sid = lax.axis_index("s")
    _copy_shared(zeros, acc, sid)
    plsc.subcore_barrier()

    wid = cid * NS + sid

    def chunk(i, carry):
        c = i * NW + wid

        @pl.when(c < NCHUNK)
        def _go():
            base = c * CHI
            pltpu.sync_copy(rcv.at[pl.ds(base, CHI)], idx_v)
            pltpu.sync_copy(edge.at[pl.ds(base, CHI)], rows_v)
            pltpu.sync_copy(rows_v, acc.at[idx_v], add=True)

        return carry

    lax.fori_loop(0, ITER_W, chunk, 0)
    plsc.subcore_barrier()
    _copy_shared(acc, out.at[cid], sid)


_f32 = jnp.float32


@functools.lru_cache(maxsize=None)
def _sc_calls():
    mesh = plsc.VectorSubcoreMesh(core_axis_name="c", subcore_axis_name="s")
    gather1 = pl.kernel(
        _gather1_body, mesh=mesh,
        out_type=[jax.ShapeDtypeStruct((E, H), _f32),
                  jax.ShapeDtypeStruct((E, H), _f32),
                  jax.ShapeDtypeStruct((E,), _f32),
                  jax.ShapeDtypeStruct((E,), _f32),
                  jax.ShapeDtypeStruct((E,), _f32)],
        scratch_types=[pltpu.VMEM((CHI,), jnp.int32),
                       pltpu.VMEM((CHI,), jnp.int32),
                       pltpu.VMEM((CHI,), jnp.int32),
                       pltpu.VMEM((CHI, H), _f32),
                       pltpu.VMEM((N,), _f32),
                       pltpu.VMEM((N,), _f32),
                       pltpu.VMEM((CHI,), _f32),
                       pltpu.VMEM((CHI,), _f32),
                       pltpu.VMEM((CHI,), _f32),
                       pltpu.VMEM_SHARED((N, H), _f32),
                       pltpu.SemaphoreType.DMA],
        compiler_params=pltpu.CompilerParams(needs_layout_passes=False),
    )
    gather2 = pl.kernel(
        _gather2_body, mesh=mesh,
        out_type=[jax.ShapeDtypeStruct((E, H), _f32),
                  jax.ShapeDtypeStruct((E, H), _f32)],
        scratch_types=[pltpu.VMEM((CHI,), jnp.int32),
                       pltpu.VMEM((CHI, H), _f32),
                       pltpu.VMEM_SHARED((N, H), _f32),
                       pltpu.SemaphoreType.DMA],
    )
    scatter = pl.kernel(
        _scatter_body, mesh=mesh,
        out_type=[jax.ShapeDtypeStruct((NC, N, H), _f32)],
        scratch_types=[pltpu.VMEM((CHI,), jnp.int32),
                       pltpu.VMEM((CHI, H), _f32),
                       pltpu.VMEM_SHARED((N, H), _f32)],
    )
    return gather1, gather2, scatter



BN = 2000
BE = 4000


def _node_enc_kern(pos12, types, emb, w1, b1, w2, b2, w3, b3, ws, wr,
                   node_o, p_o, q_o):
    p = pos12[...]
    vel = p[:, 2:12] - p[:, 0:10]
    cur = p[:, 10:12]
    db = jnp.concatenate([cur, 1.0 - cur], axis=1) * INV_R
    db = jnp.minimum(db, 1.0)
    t = types[...]
    one = (t == lax.broadcasted_iota(jnp.int32, (BN, 16), 1)).astype(_f32)
    te = _dot(one, emb[...])
    nf = jnp.concatenate([vel, db, te, jnp.zeros((BN, 2), _f32)], axis=1)
    h = _relu(_dot(nf, w1[...]) + b1[...])
    h = _relu(_dot(h, w2[...]) + b2[...])
    node = _dot(h, w3[...]) + b3[...]
    node_o[...] = node
    p_o[...] = _dot(node, ws[...])
    q_o[...] = _dot(node, wr[...])


def _edge1_kern(gs, gr, rx, ry, d2, ew1, eb1, ew2, eb2, ew3, eb3,
                pw1e, pb1, pw2, pb2, pw3, pb3, out):
    d = jnp.sqrt(d2[...])
    w1 = ew1[...]
    h = (rx[...] * w1[0:1, :] + ry[...] * w1[1:2, :]
         + d * w1[2:3, :] + eb1[...])
    h = _relu(h)
    h = _relu(_dot(h, ew2[...]) + eb2[...])
    e0 = _dot(h, ew3[...]) + eb3[...]
    h = _relu(_dot(e0, pw1e[...]) + gs[...] + gr[...] + pb1[...])
    h = _relu(_dot(h, pw2[...]) + pb2[...])
    out[...] = e0 + _dot(h, pw3[...]) + pb3[...]


def _edge2_kern(edge, gs, gr, pw1e, pb1, pw2, pb2, pw3, pb3, out):
    e = edge[...]
    h = _relu(_dot(e, pw1e[...]) + gs[...] + gr[...] + pb1[...])
    h = _relu(_dot(h, pw2[...]) + pb2[...])
    out[...] = e + _dot(h, pw3[...]) + pb3[...]


def _node_upd_kern(node, agg_a, agg_b, wn, wa, b1, w2, b2, w3, b3, ws, wr,
                   node_o, p_o, q_o):
    nd = node[...]
    agg = agg_a[...] + agg_b[...]
    h = _relu(_dot(nd, wn[...]) + _dot(agg, wa[...]) + b1[...])
    h = _relu(_dot(h, w2[...]) + b2[...])
    n1 = nd + _dot(h, w3[...]) + b3[...]
    node_o[...] = n1
    p_o[...] = _dot(n1, ws[...])
    q_o[...] = _dot(n1, wr[...])


def _final_kern(node, agg_a, agg_b, pos12, wn, wa, b1, w2, b2, w3, b3,
                d1, db1, d2, db2, d3t, db3, out):
    nd = node[...]
    agg = agg_a[...] + agg_b[...]
    h = _relu(_dot(nd, wn[...]) + _dot(agg, wa[...]) + b1[...])
    h = _relu(_dot(h, w2[...]) + b2[...])
    n2 = nd + _dot(h, w3[...]) + b3[...]
    h = _relu(_dot(n2, d1[...]) + db1[...])
    h = _relu(_dot(h, d2[...]) + db2[...])
    d3 = d3t[...]
    acc = jnp.concatenate(
        [jnp.sum(h * d3[0:1, :], axis=1, keepdims=True),
         jnp.sum(h * d3[1:2, :], axis=1, keepdims=True)], axis=1) + db3[...]
    p = pos12[...]
    cur = p[:, 10:12]
    prev = p[:, 8:10]
    out[...] = 2.0 * cur - prev + acc


def _full(shape):
    nd = len(shape)
    return pl.BlockSpec(shape, lambda i, _n=nd: (0,) * _n)


def _blk(bs, width):
    return pl.BlockSpec((bs, width), lambda i: (i, 0))


def _tc_call(kern, grid, in_specs, out_specs, out_shape):
    return pl.pallas_call(kern, grid=grid, in_specs=in_specs,
                          out_specs=out_specs, out_shape=out_shape)



def kernel(position_sequence, particle_types, edge_index, params):
    pos12 = position_sequence.reshape(N, 12)
    types = particle_types.astype(jnp.int32).reshape(N, 1)
    receivers = edge_index[0].astype(jnp.int32)
    senders = edge_index[1].astype(jnp.int32)

    emb16 = jnp.zeros((16, 16), _f32).at[:9].set(params["type_embedding"])
    (nw1, nb1), (nw2, nb2), (nw3, nb3) = params["enc_node"]
    nw1p = jnp.zeros((32, H), _f32).at[:30].set(nw1)
    (ew1, eb1), (ew2, eb2), (ew3, eb3) = params["enc_edge"]
    pe = []
    for s in range(2):
        (w1, b1), (w2, b2), (w3, b3) = params["proc_edge"][s]
        pe.append((w1[:H], w1[H:2 * H], w1[2 * H:], b1.reshape(1, H),
                   w2, b2.reshape(1, H), w3, b3.reshape(1, H)))
    pn = []
    for s in range(2):
        (w1, b1), (w2, b2), (w3, b3) = params["proc_node"][s]
        pn.append((w1[:H], w1[H:], b1.reshape(1, H),
                   w2, b2.reshape(1, H), w3, b3.reshape(1, H)))
    (dw1, dbias1), (dw2, dbias2), (dw3, dbias3) = params["dec"]
    d3t = dw3.T

    r1 = lambda b: b.reshape(1, H)

    gridN = (N // BN,)
    node0, p1t, q1t = _tc_call(
        _node_enc_kern, gridN,
        [_blk(BN, 12), _blk(BN, 1), _full((16, 16)),
         _full((32, H)), _full((1, H)), _full((H, H)), _full((1, H)),
         _full((H, H)), _full((1, H)), _full((H, H)), _full((H, H))],
        [_blk(BN, H), _blk(BN, H), _blk(BN, H)],
        [jax.ShapeDtypeStruct((N, H), _f32)] * 3,
    )(pos12, types, emb16, nw1p, r1(nb1), nw2, r1(nb2), nw3, r1(nb3),
      pe[0][1], pe[0][2])

    _gather1_call, _gather2_call, _scatter_call = _sc_calls()
    posx = pos12[:, 10]
    posy = pos12[:, 11]
    gs1, gr1, relx, rely, d2 = _gather1_call(p1t, q1t, posx, posy,
                                             senders, receivers)

    gridE = (E // BE,)
    w1e, _, _, pb1, pw2, pb2, pw3, pb3 = pe[0]
    edge1 = _tc_call(
        _edge1_kern, gridE,
        [_blk(BE, H), _blk(BE, H), _blk(BE, 1), _blk(BE, 1), _blk(BE, 1),
         _full((3, H)), _full((1, H)), _full((H, H)), _full((1, H)),
         _full((H, H)), _full((1, H)),
         _full((H, H)), _full((1, H)), _full((H, H)), _full((1, H)),
         _full((H, H)), _full((1, H))],
        _blk(BE, H), jax.ShapeDtypeStruct((E, H), _f32),
    )(gs1, gr1, relx.reshape(E, 1), rely.reshape(E, 1), d2.reshape(E, 1),
      ew1, r1(eb1), ew2, r1(eb2), ew3, r1(eb3),
      w1e, pb1, pw2, pb2, pw3, pb3)

    zeros_n = jnp.zeros((N, H), _f32)

    agg1 = _scatter_call(edge1, receivers, zeros_n)[0]

    wn, wa, b1, w2, b2, w3, b3 = pn[0]
    node1, p2t, q2t = _tc_call(
        _node_upd_kern, gridN,
        [_blk(BN, H)] * 3
        + [_full((H, H)), _full((H, H)), _full((1, H)), _full((H, H)),
           _full((1, H)), _full((H, H)), _full((1, H)),
           _full((H, H)), _full((H, H))],
        [_blk(BN, H)] * 3,
        [jax.ShapeDtypeStruct((N, H), _f32)] * 3,
    )(node0, agg1[0], agg1[1], wn, wa, b1, w2, b2, w3, b3,
      pe[1][1], pe[1][2])

    gs2, gr2 = _gather2_call(p2t, q2t, senders, receivers)

    w1e2, _, _, pb12, pw22, pb22, pw32, pb32 = pe[1]
    edge2 = _tc_call(
        _edge2_kern, gridE,
        [_blk(BE, H)] * 3
        + [_full((H, H)), _full((1, H)), _full((H, H)), _full((1, H)),
           _full((H, H)), _full((1, H))],
        _blk(BE, H), jax.ShapeDtypeStruct((E, H), _f32),
    )(edge1, gs2, gr2, w1e2, pb12, pw22, pb22, pw32, pb32)

    agg2 = _scatter_call(edge2, receivers, zeros_n)[0]

    wn2, wa2, b12, w22, b22, w32, b32 = pn[1]
    out = _tc_call(
        _final_kern, gridN,
        [_blk(BN, H)] * 3 + [_blk(BN, 12)]
        + [_full((H, H)), _full((H, H)), _full((1, H)), _full((H, H)),
           _full((1, H)), _full((H, H)), _full((1, H)),
           _full((H, H)), _full((1, H)), _full((H, H)), _full((1, H)),
           _full((2, H)), _full((1, 2))],
        _blk(BN, 2), jax.ShapeDtypeStruct((N, 2), _f32),
    )(node1, agg2[0], agg2[1], pos12, wn2, wa2, b12, w22, b22, w32, b32,
      dw1, r1(dbias1), dw2, r1(dbias2), d3t, dbias3.reshape(1, 2))

    return out

# --- scband reference (transcript-rebuilt; emitter-appended) ---
"""Pipeline reference for scband-learned-simulator-24824910971472 (READ-ONLY COPY).

The authoritative reference and input builder live on the scoring server;
editing this copy changes nothing except your own understanding.
"""

import jax, jax.numpy as jnp
import numpy as np

N = 10000
E = 320000
C = 6
D = 2
H = 64
K_TYPES = 9
EMB = 16
STEPS = 2
NODE_IN = (C - 1) * D + 2 * D + EMB
EDGE_IN = D + 1
RADIUS = 0.015
BOUNDARIES = jnp.array([[0.0, 1.0], [0.0, 1.0]], dtype=jnp.float32)
VEL_MEAN = jnp.zeros((D,), dtype=jnp.float32)
VEL_STD = jnp.ones((D,), dtype=jnp.float32)
ACC_MEAN = jnp.zeros((D,), dtype=jnp.float32)
ACC_STD = jnp.ones((D,), dtype=jnp.float32)


def _mlp_params(key, sizes):
    params = []
    for i in range(len(sizes) - 1):
        key, k1 = jax.random.split(key)
        w = jax.random.normal(k1, (sizes[i], sizes[i + 1]), dtype=jnp.float32) * (1.0 / np.sqrt(sizes[i]))
        b = jnp.zeros((sizes[i + 1],), dtype=jnp.float32)
        params.append((w, b))
    return params


def _mlp(params, x):
    n = len(params)
    for i, (w, b) in enumerate(params):
        x = x @ w + b
        if i < n - 1:
            x = jax.nn.relu(x)
    return x


def setup_inputs(seed: int = 0):
    key = jax.random.key(seed)
    ks = jax.random.split(key, 9)
    position_sequence = jax.random.uniform(ks[0], (N, C, D), dtype=jnp.float32)
    particle_types = jax.random.randint(ks[1], (N,), 0, K_TYPES)
    edge_index = jax.random.randint(ks[2], (2, E), 0, N)
    params = {
        "type_embedding": jax.random.normal(ks[3], (K_TYPES, EMB), dtype=jnp.float32) * 0.05,
        "enc_node": _mlp_params(ks[4], [NODE_IN, H, H, H]),
        "enc_edge": _mlp_params(ks[5], [EDGE_IN, H, H, H]),
        "proc_edge": [_mlp_params(jax.random.fold_in(ks[6], s), [3 * H, H, H, H]) for s in range(STEPS)],
        "proc_node": [_mlp_params(jax.random.fold_in(ks[7], s), [2 * H, H, H, H]) for s in range(STEPS)],
        "dec": _mlp_params(ks[8], [H, H, H, D]),
    }
    return {"position_sequence": position_sequence, "particle_types": particle_types, "edge_index": edge_index, "params": params}


def _forward(position_sequence, params, particle_types, edge_index):
    num_particles = position_sequence.shape[0]
    # encoder_preprocessor
    current_position = position_sequence[:, -1, :]
    last_velocities = position_sequence[:, 1:] - position_sequence[:, :-1]
    normalized_velocities = (last_velocities - VEL_MEAN) / VEL_STD
    flat_nv = normalized_velocities.reshape(num_particles, -1)
    dist_lower = current_position - BOUNDARIES[:, 0]
    dist_upper = BOUNDARIES[:, 1] - current_position
    dist_b = jnp.concatenate([dist_lower, dist_upper], axis=-1) / RADIUS
    dist_b = jnp.minimum(dist_b, 1.0)
    type_emb = params["type_embedding"][particle_types]
    node_features = jnp.concatenate([flat_nv, dist_b, type_emb], axis=-1)
    # connectivity is precomputed (radius_graph replaced by supplied edge_index)
    receivers = edge_index[0]
    senders = edge_index[1]
    rel = (current_position[senders] - current_position[receivers]) / RADIUS
    dists = jnp.linalg.norm(rel, axis=-1, keepdims=True)
    edge_features = jnp.concatenate([rel, dists], axis=-1)
    # encoder-processor-decoder (GNS interaction network)
    node = _mlp(params["enc_node"], node_features)
    edge = _mlp(params["enc_edge"], edge_features)
    for s in range(STEPS):
        e_in = jnp.concatenate([edge, node[senders], node[receivers]], axis=-1)
        edge = edge + _mlp(params["proc_edge"][s], e_in)
        agg = jax.ops.segment_sum(edge, receivers, num_segments=num_particles)
        n_in = jnp.concatenate([node, agg], axis=-1)
        node = node + _mlp(params["proc_node"][s], n_in)
    normalized_acceleration = _mlp(params["dec"], node)
    # decoder_postprocessor
    acceleration = normalized_acceleration * ACC_STD + ACC_MEAN
    most_recent_position = position_sequence[:, -1, :]
    most_recent_velocity = position_sequence[:, -1, :] - position_sequence[:, -2, :]
    new_velocity = most_recent_velocity + acceleration
    new_position = most_recent_position + new_velocity
    return new_position


def reference(position_sequence, particle_types, edge_index, params):
    return _forward(position_sequence, params, particle_types, edge_index)

if __name__ == "__main__":
    import jax
    _d = setup_inputs()
    print(jax.jit(kernel)(*tuple(_d.values())))

</pallas_src>

<mosaic_0001>
#map = affine_map<(d0, d1) -> (0, 0)>
#map1 = affine_map<(d0, d1) -> (0)>
module attributes {stable_mosaic.version = 14 : i64} {
  func.func @_gather1_body(%arg0: i32, %arg1: i32, %arg2: memref<10000x64xf32, #tpu.memory_space<hbm>>, %arg3: memref<10000x64xf32, #tpu.memory_space<hbm>>, %arg4: memref<10000xf32, #tpu.memory_space<hbm>>, %arg5: memref<10000xf32, #tpu.memory_space<hbm>>, %arg6: memref<320000xi32, #tpu.memory_space<hbm>>, %arg7: memref<320000xi32, #tpu.memory_space<hbm>>, %arg8: memref<320000x64xf32, #tpu.memory_space<hbm>>, %arg9: memref<320000x64xf32, #tpu.memory_space<hbm>>, %arg10: memref<320000xf32, #tpu.memory_space<hbm>>, %arg11: memref<320000xf32, #tpu.memory_space<hbm>>, %arg12: memref<320000xf32, #tpu.memory_space<hbm>>, %arg13: memref<128xi32, #tpu.memory_space<vmem>>, %arg14: memref<128xi32, #tpu.memory_space<vmem>>, %arg15: memref<128xi32, #tpu.memory_space<vmem>>, %arg16: memref<128x64xf32, #tpu.memory_space<vmem>>, %arg17: memref<10000xf32, #tpu.memory_space<vmem>>, %arg18: memref<10000xf32, #tpu.memory_space<vmem>>, %arg19: memref<128xf32, #tpu.memory_space<vmem>>, %arg20: memref<128xf32, #tpu.memory_space<vmem>>, %arg21: memref<128xf32, #tpu.memory_space<vmem>>, %arg22: memref<10000x64xf32, #tpu.memory_space<vmem_shared>>, %arg23: memref<!tpu.dma_semaphore, #tpu.memory_space<semaphore_mem>>) attributes {dimension_semantics = [#tpu.dimension_semantics<core_parallel>, #tpu.dimension_semantics<subcore_parallel>], iteration_bounds = array<i64: 2, 16>, scalar_prefetch = 0 : i64, scratch_operands = 11 : i64, tpu.core_type = #tpu.core_type<sc_vector_subcore>, window_params = [{transform_indices = #map}, {transform_indices = #map}, {transform_indices = #map1}, {transform_indices = #map1}, {transform_indices = #map1}, {transform_indices = #map1}, {transform_indices = #map}, {transform_indices = #map}, {transform_indices = #map1}, {transform_indices = #map1}, {transform_indices = #map1}]} {
    %eq3A = arith.constant 0 : i32
    %eq3A_0 = arith.cmpi eq, %arg0, %eq3A : i32
    %convert_element_type3A = arith.extui %eq3A_0 : i1 to i32
    %cond3A = arith.constant 0 : i32
    %cond3A_1 = arith.cmpi ne, %convert_element_type3A, %cond3A : i32
    scf.if %cond3A_1 {
      %mul3A_23 = arith.constant 624 : i32
      %mul3A_24 = arith.muli %arg1, %mul3A_23 : i32
      "tpu.region"() ({
        %run_scoped3A = tpu.sem_alloc : memref<!tpu.dma_semaphore, #tpu.memory_space<semaphore_mem>>
        %dma_start3A = arith.constant 0 : i32
        %dma_start3A_30 = tpu.memref_slice %arg22[%mul3A_24, %dma_start3A] : memref<10000x64xf32, #tpu.memory_space<vmem_shared>> -> memref<624x64xf32, #tpu.memory_space<vmem_shared>>
        %dma_start3A_31 = arith.constant 0 : i32
        %dma_start3A_32 = tpu.memref_slice %arg2[%mul3A_24, %dma_start3A_31] : memref<10000x64xf32, #tpu.memory_space<hbm>> -> memref<624x64xf32, #tpu.memory_space<hbm>>
        tpu.enqueue_dma source(%dma_start3A_32 : memref<624x64xf32, #tpu.memory_space<hbm>>) target(%dma_start3A_30 : memref<624x64xf32, #tpu.memory_space<vmem_shared>>) target_semaphore(%run_scoped3A : memref<!tpu.dma_semaphore, #tpu.memory_space<semaphore_mem>>)
        %dma_wait3A = arith.constant 0 : i32
        %dma_wait3A_33 = tpu.memref_slice %arg22[%mul3A_24, %dma_wait3A] : memref<10000x64xf32, #tpu.memory_space<vmem_shared>> -> memref<624x64xf32, #tpu.memory_space<vmem_shared>>
        %dma_wait3A_34 = arith.constant 0 : i32
        %dma_wait3A_35 = tpu.memref_slice %arg2[%mul3A_24, %dma_wait3A_34] : memref<10000x64xf32, #tpu.memory_space<hbm>> -> memref<624x64xf32, #tpu.memory_space<hbm>>
        tpu.wait_dma2 semaphore(%run_scoped3A : memref<!tpu.dma_semaphore, #tpu.memory_space<semaphore_mem>>) src(%dma_wait3A_35 : memref<624x64xf32, #tpu.memory_space<hbm>>) dst(%dma_wait3A_33 : memref<624x64xf32, #tpu.memory_space<vmem_shared>>)
        tpu.yield
      }) : () -> ()
      %eq3A_25 = arith.constant 0 : i32
      %eq3A_26 = arith.cmpi eq, %arg1, %eq3A_25 : i32
      %convert_element_type3A_27 = arith.extui %eq3A_26 : i1 to i32
      %cond3A_28 = arith.constant 0 : i32
      %cond3A_29 = arith.cmpi ne, %convert_element_type3A_27, %cond3A_28 : i32
      scf.if %cond3A_29 {
        "tpu.region"() ({
          %run_scoped3A = tpu.sem_alloc : memref<!tpu.dma_semaphore, #tpu.memory_space<semaphore_mem>>
          %dma_start3A = arith.constant 9984 : i32
          %dma_start3A_30 = arith.constant 0 : i32
          %dma_start3A_31 = tpu.memref_slice %arg22[%dma_start3A, %dma_start3A_30] : memref<10000x64xf32, #tpu.memory_space<vmem_shared>> -> memref<16x64xf32, #tpu.memory_space<vmem_shared>>
          %dma_start3A_32 = arith.constant 9984 : i32
          %dma_start3A_33 = arith.constant 0 : i32
          %dma_start3A_34 = tpu.memref_slice %arg2[%dma_start3A_32, %dma_start3A_33] : memref<10000x64xf32, #tpu.memory_space<hbm>> -> memref<16x64xf32, #tpu.memory_space<hbm>>
          tpu.enqueue_dma source(%dma_start3A_34 : memref<16x64xf32, #tpu.memory_space<hbm>>) target(%dma_start3A_31 : memref<16x64xf32, #tpu.memory_space<vmem_shared>>) target_semaphore(%run_scoped3A : memref<!tpu.dma_semaphore, #tpu.memory_space<semaphore_mem>>)
          %dma_wait3A = arith.constant 9984 : i32
          %dma_wait3A_35 = arith.constant 0 : i32
          %dma_wait3A_36 = tpu.memref_slice %arg22[%dma_wait3A, %dma_wait3A_35] : memref<10000x64xf32, #tpu.memory_space<vmem_shared>> -> memref<16x64xf32, #tpu.memory_space<vmem_shared>>
          %dma_wait3A_37 = arith.constant 9984 : i32
          %dma_wait3A_38 = arith.constant 0 : i32
          %dma_wait3A_39 = tpu.memref_slice %arg2[%dma_wait3A_37, %dma_wait3A_38] : memref<10000x64xf32, #tpu.memory_space<hbm>> -> memref<16x64xf32, #tpu.memory_space<hbm>>
          tpu.wait_dma2 semaphore(%run_scoped3A : memref<!tpu.dma_semaphore, #tpu.memory_space<semaphore_mem>>) src(%dma_wait3A_39 : memref<16x64xf32, #tpu.memory_space<hbm>>) dst(%dma_wait3A_36 : memref<16x64xf32, #tpu.memory_space<vmem_shared>>)
          tpu.yield
        }) : () -> ()
      } else {
      }
    } else {
    }
    %eq3A_2 = arith.constant 1 : i32
    %eq3A_3 = arith.cmpi eq, %arg0, %eq3A_2 : i32
    %convert_element_type3A_4 = arith.extui %eq3A_3 : i1 to i32
    %cond3A_5 = arith.constant 0 : i32
    %cond3A_6 = arith.cmpi ne, %convert_element_type3A_4, %cond3A_5 : i32
    scf.if %cond3A_6 {
      %mul3A_23 = arith.constant 624 : i32
      %mul3A_24 = arith.muli %arg1, %mul3A_23 : i32
      "tpu.region"() ({
        %run_scoped3A = tpu.sem_alloc : memref<!tpu.dma_semaphore, #tpu.memory_space<semaphore_mem>>
        %dma_start3A = arith.constant 0 : i32
        %dma_start3A_30 = tpu.memref_slice %arg22[%mul3A_24, %dma_start3A] : memref<10000x64xf32, #tpu.memory_space<vmem_shared>> -> memref<624x64xf32, #tpu.memory_space<vmem_shared>>
        %dma_start3A_31 = arith.constant 0 : i32
        %dma_start3A_32 = tpu.memref_slice %arg3[%mul3A_24, %dma_start3A_31] : memref<10000x64xf32, #tpu.memory_space<hbm>> -> memref<624x64xf32, #tpu.memory_space<hbm>>
        tpu.enqueue_dma source(%dma_start3A_32 : memref<624x64xf32, #tpu.memory_space<hbm>>) target(%dma_start3A_30 : memref<624x64xf32, #tpu.memory_space<vmem_shared>>) target_semaphore(%run_scoped3A : memref<!tpu.dma_semaphore, #tpu.memory_space<semaphore_mem>>)
        %dma_wait3A = arith.constant 0 : i32
        %dma_wait3A_33 = tpu.memref_slice %arg22[%mul3A_24, %dma_wait3A] : memref<10000x64xf32, #tpu.memory_space<vmem_shared>> -> memref<624x64xf32, #tpu.memory_space<vmem_shared>>
        %dma_wait3A_34 = arith.constant 0 : i32
        %dma_wait3A_35 = tpu.memref_slice %arg3[%mul3A_24, %dma_wait3A_34] : memref<10000x64xf32, #tpu.memory_space<hbm>> -> memref<624x64xf32, #tpu.memory_space<hbm>>
        tpu.wait_dma2 semaphore(%run_scoped3A : memref<!tpu.dma_semaphore, #tpu.memory_space<semaphore_mem>>) src(%dma_wait3A_35 : memref<624x64xf32, #tpu.memory_space<hbm>>) dst(%dma_wait3A_33 : memref<624x64xf32, #tpu.memory_space<vmem_shared>>)
        tpu.yield
      }) : () -> ()
      %eq3A_25 = arith.constant 0 : i32
      %eq3A_26 = arith.cmpi eq, %arg1, %eq3A_25 : i32
      %convert_element_type3A_27 = arith.extui %eq3A_26 : i1 to i32
      %cond3A_28 = arith.constant 0 : i32
      %cond3A_29 = arith.cmpi ne, %convert_element_type3A_27, %cond3A_28 : i32
      scf.if %cond3A_29 {
        "tpu.region"() ({
          %run_scoped3A = tpu.sem_alloc : memref<!tpu.dma_semaphore, #tpu.memory_space<semaphore_mem>>
          %dma_start3A = arith.constant 9984 : i32
          %dma_start3A_30 = arith.constant 0 : i32
          %dma_start3A_31 = tpu.memref_slice %arg22[%dma_start3A, %dma_start3A_30] : memref<10000x64xf32, #tpu.memory_space<vmem_shared>> -> memref<16x64xf32, #tpu.memory_space<vmem_shared>>
          %dma_start3A_32 = arith.constant 9984 : i32
          %dma_start3A_33 = arith.constant 0 : i32
          %dma_start3A_34 = tpu.memref_slice %arg3[%dma_start3A_32, %dma_start3A_33] : memref<10000x64xf32, #tpu.memory_space<hbm>> -> memref<16x64xf32, #tpu.memory_space<hbm>>
          tpu.enqueue_dma source(%dma_start3A_34 : memref<16x64xf32, #tpu.memory_space<hbm>>) target(%dma_start3A_31 : memref<16x64xf32, #tpu.memory_space<vmem_shared>>) target_semaphore(%run_scoped3A : memref<!tpu.dma_semaphore, #tpu.memory_space<semaphore_mem>>)
          %dma_wait3A = arith.constant 9984 : i32
          %dma_wait3A_35 = arith.constant 0 : i32
          %dma_wait3A_36 = tpu.memref_slice %arg22[%dma_wait3A, %dma_wait3A_35] : memref<10000x64xf32, #tpu.memory_space<vmem_shared>> -> memref<16x64xf32, #tpu.memory_space<vmem_shared>>
          %dma_wait3A_37 = arith.constant 9984 : i32
          %dma_wait3A_38 = arith.constant 0 : i32
          %dma_wait3A_39 = tpu.memref_slice %arg3[%dma_wait3A_37, %dma_wait3A_38] : memref<10000x64xf32, #tpu.memory_space<hbm>> -> memref<16x64xf32, #tpu.memory_space<hbm>>
          tpu.wait_dma2 semaphore(%run_scoped3A : memref<!tpu.dma_semaphore, #tpu.memory_space<semaphore_mem>>) src(%dma_wait3A_39 : memref<16x64xf32, #tpu.memory_space<hbm>>) dst(%dma_wait3A_36 : memref<16x64xf32, #tpu.memory_space<vmem_shared>>)
          tpu.yield
        }) : () -> ()
      } else {
      }
    } else {
    }
    "tpu.region"() ({
      %run_scoped3A = tpu.sem_alloc : memref<!tpu.dma_semaphore, #tpu.memory_space<semaphore_mem>>
      tpu.enqueue_dma source(%arg4 : memref<10000xf32, #tpu.memory_space<hbm>>) target(%arg17 : memref<10000xf32, #tpu.memory_space<vmem>>) target_semaphore(%run_scoped3A : memref<!tpu.dma_semaphore, #tpu.memory_space<semaphore_mem>>)
      tpu.wait_dma2 semaphore(%run_scoped3A : memref<!tpu.dma_semaphore, #tpu.memory_space<semaphore_mem>>) src(%arg4 : memref<10000xf32, #tpu.memory_space<hbm>>) dst(%arg17 : memref<10000xf32, #tpu.memory_space<vmem>>)
      tpu.yield
    }) : () -> ()
    "tpu.region"() ({
      %run_scoped3A = tpu.sem_alloc : memref<!tpu.dma_semaphore, #tpu.memory_space<semaphore_mem>>
      tpu.enqueue_dma source(%arg5 : memref<10000xf32, #tpu.memory_space<hbm>>) target(%arg18 : memref<10000xf32, #tpu.memory_space<vmem>>) target_semaphore(%run_scoped3A : memref<!tpu.dma_semaphore, #tpu.memory_space<semaphore_mem>>)
      tpu.wait_dma2 semaphore(%run_scoped3A : memref<!tpu.dma_semaphore, #tpu.memory_space<semaphore_mem>>) src(%arg5 : memref<10000xf32, #tpu.memory_space<hbm>>) dst(%arg18 : memref<10000xf32, #tpu.memory_space<vmem>>)
      tpu.yield
    }) : () -> ()
    %barrier3A = arith.constant 0 : index
    tpu.barrier barrier_id(%barrier3A)
    %eq3A_7 = arith.constant 0 : i32
    %eq3A_8 = arith.cmpi eq, %arg0, %eq3A_7 : i32
    %convert_element_type3A_9 = arith.extui %eq3A_8 : i1 to i32
    %cond3A_10 = arith.constant 0 : i32
    %cond3A_11 = arith.cmpi ne, %convert_element_type3A_9, %cond3A_10 : i32
    scf.if %cond3A_11 {
      %scan3A_23 = arith.constant 0 : i32
      %scan3A_24 = arith.constant 0 : i32
      %scan3A_25 = arith.constant 157 : i32
      %scan3A_26 = arith.addi %scan3A_24, %scan3A_25 : i32
      %scan3A_27 = arith.constant 1 : i32
      scf.for %scan3A_29 = %scan3A_24 to %scan3A_26 step %scan3A_27  : i32 {
        %mul3A_30 = arith.constant 16 : i32
        %mul3A_31 = arith.muli %scan3A_29, %mul3A_30 : i32
        %add3A_32 = arith.addi %mul3A_31, %arg1 : i32
        %lt3A = arith.constant 2500 : i32
        %lt3A_33 = arith.cmpi slt, %add3A_32, %lt3A : i32
        %convert_element_type3A_34 = arith.extui %lt3A_33 : i1 to i32
        %cond3A_35 = arith.constant 0 : i32
        %cond3A_36 = arith.cmpi ne, %convert_element_type3A_34, %cond3A_35 : i32
        scf.if %cond3A_36 {
          %mul3A_37 = arith.constant 128 : i32
          %mul3A_38 = arith.muli %add3A_32, %mul3A_37 : i32
          "tpu.region"() ({
            %run_scoped3A = tpu.sem_alloc : memref<!tpu.dma_semaphore, #tpu.memory_space<semaphore_mem>>
            %dma_start3A_43 = tpu.memref_slice %arg6[%mul3A_38] : memref<320000xi32, #tpu.memory_space<hbm>> -> memref<128xi32, #tpu.memory_space<hbm>>
            %dma_start3A_44 = tpu.memref_slice %arg6[%mul3A_38] : memref<320000xi32, #tpu.memory_space<hbm>> -> memref<128xi32, #tpu.memory_space<hbm>>
            tpu.enqueue_dma source(%dma_start3A_44 : memref<128xi32, #tpu.memory_space<hbm>>) target(%arg13 : memref<128xi32, #tpu.memory_space<vmem>>) target_semaphore(%run_scoped3A : memref<!tpu.dma_semaphore, #tpu.memory_space<semaphore_mem>>)
            %dma_wait3A_45 = tpu.memref_slice %arg6[%mul3A_38] : memref<320000xi32, #tpu.memory_space<hbm>> -> memref<128xi32, #tpu.memory_space<hbm>>
            %dma_wait3A_46 = tpu.memref_slice %arg6[%mul3A_38] : memref<320000xi32, #tpu.memory_space<hbm>> -> memref<128xi32, #tpu.memory_space<hbm>>
            tpu.wait_dma2 semaphore(%run_scoped3A : memref<!tpu.dma_semaphore, #tpu.memory_space<semaphore_mem>>) src(%dma_wait3A_46 : memref<128xi32, #tpu.memory_space<hbm>>) dst(%arg13 : memref<128xi32, #tpu.memory_space<vmem>>)
            tpu.yield
          }) : () -> ()
          %dma_start3A = arith.constant 0 : i32
          %dma_start3A_39 = arith.constant 0 : i32
          %dma_start3A_40 = tpu.memref_slice %arg22[%dma_start3A, %dma_start3A_39] : memref<10000x64xf32, #tpu.memory_space<vmem_shared>> -> memref<10000x64xf32, #tpu.memory_space<vmem_shared>>
          tpu.enqueue_indirect_dma source(%dma_start3A_40 : memref<10000x64xf32, #tpu.memory_space<vmem_shared>>) target(%arg16 : memref<128x64xf32, #tpu.memory_space<vmem>>) offsets(%arg13 : memref<128xi32, #tpu.memory_space<vmem>>) semaphore(%arg23 : memref<!tpu.dma_semaphore, #tpu.memory_space<semaphore_mem>>)
          %dma_wait3A = arith.constant 0 : i32
          %dma_wait3A_41 = arith.constant 0 : i32
          %dma_wait3A_42 = tpu.memref_slice %arg22[%dma_wait3A, %dma_wait3A_41] : memref<10000x64xf32, #tpu.memory_space<vmem_shared>> -> memref<10000x64xf32, #tpu.memory_space<vmem_shared>>
          tpu.wait_indirect_dma semaphore(%arg23 : memref<!tpu.dma_semaphore, #tpu.memory_space<semaphore_mem>>) src(%dma_wait3A_42 : memref<10000x64xf32, #tpu.memory_space<vmem_shared>>) dst(%arg16 : memref<128x64xf32, #tpu.memory_space<vmem>>)
          "tpu.region"() ({
            %run_scoped3A = tpu.sem_alloc : memref<!tpu.dma_semaphore, #tpu.memory_space<semaphore_mem>>
            %dma_start3A_43 = arith.constant 0 : i32
            %dma_start3A_44 = tpu.memref_slice %arg8[%mul3A_38, %dma_start3A_43] : memref<320000x64xf32, #tpu.memory_space<hbm>> -> memref<128x64xf32, #tpu.memory_space<hbm>>
            %dma_start3A_45 = arith.constant 0 : i32
            %dma_start3A_46 = tpu.memref_slice %arg8[%mul3A_38, %dma_start3A_45] : memref<320000x64xf32, #tpu.memory_space<hbm>> -> memref<128x64xf32, #tpu.memory_space<hbm>>
            tpu.enqueue_dma source(%arg16 : memref<128x64xf32, #tpu.memory_space<vmem>>) target(%dma_start3A_46 : memref<128x64xf32, #tpu.memory_space<hbm>>) target_semaphore(%run_scoped3A : memref<!tpu.dma_semaphore, #tpu.memory_space<semaphore_mem>>)
            %dma_wait3A_47 = arith.constant 0 : i32
            %dma_wait3A_48 = tpu.memref_slice %arg8[%mul3A_38, %dma_wait3A_47] : memref<320000x64xf32, #tpu.memory_space<hbm>> -> memref<128x64xf32, #tpu.memory_space<hbm>>
            %dma_wait3A_49 = arith.constant 0 : i32
            %dma_wait3A_50 = tpu.memref_slice %arg8[%mul3A_38, %dma_wait3A_49] : memref<320000x64xf32, #tpu.memory_space<hbm>> -> memref<128x64xf32, #tpu.memory_space<hbm>>
            tpu.wait_dma2 semaphore(%run_scoped3A : memref<!tpu.dma_semaphore, #tpu.memory_space<semaphore_mem>>) src(%arg16 : memref<128x64xf32, #tpu.memory_space<vmem>>) dst(%dma_wait3A_50 : memref<128x64xf32, #tpu.memory_space<hbm>>)
            tpu.yield
          }) : () -> ()
        } else {
        }
      }
      %scan3A_28 = arith.constant 157 : i32
    } else {
    }
    %eq3A_12 = arith.constant 1 : i32
    %eq3A_13 = arith.cmpi eq, %arg0, %eq3A_12 : i32
    %convert_element_type3A_14 = arith.extui %eq3A_13 : i1 to i32
    %cond3A_15 = arith.constant 0 : i32
    %cond3A_16 = arith.cmpi ne, %convert_element_type3A_14, %cond3A_15 : i32
    scf.if %cond3A_16 {
      %scan3A_23 = arith.constant 0 : i32
      %scan3A_24 = arith.constant 0 : i32
      %scan3A_25 = arith.constant 157 : i32
      %scan3A_26 = arith.addi %scan3A_24, %scan3A_25 : i32
      %scan3A_27 = arith.constant 1 : i32
      scf.for %scan3A_29 = %scan3A_24 to %scan3A_26 step %scan3A_27  : i32 {
        %mul3A_30 = arith.constant 16 : i32
        %mul3A_31 = arith.muli %scan3A_29, %mul3A_30 : i32
        %add3A_32 = arith.addi %mul3A_31, %arg1 : i32
        %lt3A = arith.constant 2500 : i32
        %lt3A_33 = arith.cmpi slt, %add3A_32, %lt3A : i32
        %convert_element_type3A_34 = arith.extui %lt3A_33 : i1 to i32
        %cond3A_35 = arith.constant 0 : i32
        %cond3A_36 = arith.cmpi ne, %convert_element_type3A_34, %cond3A_35 : i32
        scf.if %cond3A_36 {
          %mul3A_37 = arith.constant 128 : i32
          %mul3A_38 = arith.muli %add3A_32, %mul3A_37 : i32
          "tpu.region"() ({
            %run_scoped3A = tpu.sem_alloc : memref<!tpu.dma_semaphore, #tpu.memory_space<semaphore_mem>>
            %dma_start3A_43 = tpu.memref_slice %arg7[%mul3A_38] : memref<320000xi32, #tpu.memory_space<hbm>> -> memref<128xi32, #tpu.memory_space<hbm>>
            %dma_start3A_44 = tpu.memref_slice %arg7[%mul3A_38] : memref<320000xi32, #tpu.memory_space<hbm>> -> memref<128xi32, #tpu.memory_space<hbm>>
            tpu.enqueue_dma source(%dma_start3A_44 : memref<128xi32, #tpu.memory_space<hbm>>) target(%arg13 : memref<128xi32, #tpu.memory_space<vmem>>) target_semaphore(%run_scoped3A : memref<!tpu.dma_semaphore, #tpu.memory_space<semaphore_mem>>)
            %dma_wait3A_45 = tpu.memref_slice %arg7[%mul3A_38] : memref<320000xi32, #tpu.memory_space<hbm>> -> memref<128xi32, #tpu.memory_space<hbm>>
            %dma_wait3A_46 = tpu.memref_slice %arg7[%mul3A_38] : memref<320000xi32, #tpu.memory_space<hbm>> -> memref<128xi32, #tpu.memory_space<hbm>>
            tpu.wait_dma2 semaphore(%run_scoped3A : memref<!tpu.dma_semaphore, #tpu.memory_space<semaphore_mem>>) src(%dma_wait3A_46 : memref<128xi32, #tpu.memory_space<hbm>>) dst(%arg13 : memref<128xi32, #tpu.memory_space<vmem>>)
            tpu.yield
          }) : () -> ()
          %dma_start3A = arith.constant 0 : i32
          %dma_start3A_39 = arith.constant 0 : i32
          %dma_start3A_40 = tpu.memref_slice %arg22[%dma_start3A, %dma_start3A_39] : memref<10000x64xf32, #tpu.memory_space<vmem_shared>> -> memref<10000x64xf32, #tpu.memory_space<vmem_shared>>
          tpu.enqueue_indirect_dma source(%dma_start3A_40 : memref<10000x64xf32, #tpu.memory_space<vmem_shared>>) target(%arg16 : memref<128x64xf32, #tpu.memory_space<vmem>>) offsets(%arg13 : memref<128xi32, #tpu.memory_space<vmem>>) semaphore(%arg23 : memref<!tpu.dma_semaphore, #tpu.memory_space<semaphore_mem>>)
          %dma_wait3A = arith.constant 0 : i32
          %dma_wait3A_41 = arith.constant 0 : i32
          %dma_wait3A_42 = tpu.memref_slice %arg22[%dma_wait3A, %dma_wait3A_41] : memref<10000x64xf32, #tpu.memory_space<vmem_shared>> -> memref<10000x64xf32, #tpu.memory_space<vmem_shared>>
          tpu.wait_indirect_dma semaphore(%arg23 : memref<!tpu.dma_semaphore, #tpu.memory_space<semaphore_mem>>) src(%dma_wait3A_42 : memref<10000x64xf32, #tpu.memory_space<vmem_shared>>) dst(%arg16 : memref<128x64xf32, #tpu.memory_space<vmem>>)
          "tpu.region"() ({
            %run_scoped3A = tpu.sem_alloc : memref<!tpu.dma_semaphore, #tpu.memory_space<semaphore_mem>>
            %dma_start3A_43 = arith.constant 0 : i32
            %dma_start3A_44 = tpu.memref_slice %arg9[%mul3A_38, %dma_start3A_43] : memref<320000x64xf32, #tpu.memory_space<hbm>> -> memref<128x64xf32, #tpu.memory_space<hbm>>
            %dma_start3A_45 = arith.constant 0 : i32
            %dma_start3A_46 = tpu.memref_slice %arg9[%mul3A_38, %dma_start3A_45] : memref<320000x64xf32, #tpu.memory_space<hbm>> -> memref<128x64xf32, #tpu.memory_space<hbm>>
            tpu.enqueue_dma source(%arg16 : memref<128x64xf32, #tpu.memory_space<vmem>>) target(%dma_start3A_46 : memref<128x64xf32, #tpu.memory_space<hbm>>) target_semaphore(%run_scoped3A : memref<!tpu.dma_semaphore, #tpu.memory_space<semaphore_mem>>)
            %dma_wait3A_47 = arith.constant 0 : i32
            %dma_wait3A_48 = tpu.memref_slice %arg9[%mul3A_38, %dma_wait3A_47] : memref<320000x64xf32, #tpu.memory_space<hbm>> -> memref<128x64xf32, #tpu.memory_space<hbm>>
            %dma_wait3A_49 = arith.constant 0 : i32
            %dma_wait3A_50 = tpu.memref_slice %arg9[%mul3A_38, %dma_wait3A_49] : memref<320000x64xf32, #tpu.memory_space<hbm>> -> memref<128x64xf32, #tpu.memory_space<hbm>>
            tpu.wait_dma2 semaphore(%run_scoped3A : memref<!tpu.dma_semaphore, #tpu.memory_space<semaphore_mem>>) src(%arg16 : memref<128x64xf32, #tpu.memory_space<vmem>>) dst(%dma_wait3A_50 : memref<128x64xf32, #tpu.memory_space<hbm>>)
            tpu.yield
          }) : () -> ()
        } else {
        }
      }
      %scan3A_28 = arith.constant 157 : i32
    } else {
    }
    %mul3A = arith.constant 16 : i32
    %mul3A_17 = arith.muli %arg0, %mul3A : i32
    %add3A = arith.addi %mul3A_17, %arg1 : i32
    %scan3A = arith.constant 0 : i32
    %scan3A_18 = arith.constant 0 : i32
    %scan3A_19 = arith.constant 79 : i32
    %scan3A_20 = arith.addi %scan3A_18, %scan3A_19 : i32
    %scan3A_21 = arith.constant 1 : i32
    scf.for %scan3A_23 = %scan3A_18 to %scan3A_20 step %scan3A_21  : i32 {
      %mul3A_24 = arith.constant 32 : i32
      %mul3A_25 = arith.muli %scan3A_23, %mul3A_24 : i32
      %add3A_26 = arith.addi %mul3A_25, %add3A : i32
      %lt3A = arith.constant 2500 : i32
      %lt3A_27 = arith.cmpi slt, %add3A_26, %lt3A : i32
      %convert_element_type3A_28 = arith.extui %lt3A_27 : i1 to i32
      %cond3A_29 = arith.constant 0 : i32
      %cond3A_30 = arith.cmpi ne, %convert_element_type3A_28, %cond3A_29 : i32
      scf.if %cond3A_30 {
        %mul3A_31 = arith.constant 128 : i32
        %mul3A_32 = arith.muli %add3A_26, %mul3A_31 : i32
        "tpu.region"() ({
          %run_scoped3A = tpu.sem_alloc : memref<!tpu.dma_semaphore, #tpu.memory_space<semaphore_mem>>
          %dma_start3A = tpu.memref_slice %arg6[%mul3A_32] : memref<320000xi32, #tpu.memory_space<hbm>> -> memref<128xi32, #tpu.memory_space<hbm>>
          %dma_start3A_39 = tpu.memref_slice %arg6[%mul3A_32] : memref<320000xi32, #tpu.memory_space<hbm>> -> memref<128xi32, #tpu.memory_space<hbm>>
          tpu.enqueue_dma source(%dma_start3A_39 : memref<128xi32, #tpu.memory_space<hbm>>) target(%arg14 : memref<128xi32, #tpu.memory_space<vmem>>) target_semaphore(%run_scoped3A : memref<!tpu.dma_semaphore, #tpu.memory_space<semaphore_mem>>)
          %dma_wait3A = tpu.memref_slice %arg6[%mul3A_32] : memref<320000xi32, #tpu.memory_space<hbm>> -> memref<128xi32, #tpu.memory_space<hbm>>
          %dma_wait3A_40 = tpu.memref_slice %arg6[%mul3A_32] : memref<320000xi32, #tpu.memory_space<hbm>> -> memref<128xi32, #tpu.memory_space<hbm>>
          tpu.wait_dma2 semaphore(%run_scoped3A : memref<!tpu.dma_semaphore, #tpu.memory_space<semaphore_mem>>) src(%dma_wait3A_40 : memref<128xi32, #tpu.memory_space<hbm>>) dst(%arg14 : memref<128xi32, #tpu.memory_space<vmem>>)
          tpu.yield
        }) : () -> ()
        "tpu.region"() ({
          %run_scoped3A = tpu.sem_alloc : memref<!tpu.dma_semaphore, #tpu.memory_space<semaphore_mem>>
          %dma_start3A = tpu.memref_slice %arg7[%mul3A_32] : memref<320000xi32, #tpu.memory_space<hbm>> -> memref<128xi32, #tpu.memory_space<hbm>>
          %dma_start3A_39 = tpu.memref_slice %arg7[%mul3A_32] : memref<320000xi32, #tpu.memory_space<hbm>> -> memref<128xi32, #tpu.memory_space<hbm>>
          tpu.enqueue_dma source(%dma_start3A_39 : memref<128xi32, #tpu.memory_space<hbm>>) target(%arg15 : memref<128xi32, #tpu.memory_space<vmem>>) target_semaphore(%run_scoped3A : memref<!tpu.dma_semaphore, #tpu.memory_space<semaphore_mem>>)
          %dma_wait3A = tpu.memref_slice %arg7[%mul3A_32] : memref<320000xi32, #tpu.memory_space<hbm>> -> memref<128xi32, #tpu.memory_space<hbm>>
          %dma_wait3A_40 = tpu.memref_slice %arg7[%mul3A_32] : memref<320000xi32, #tpu.memory_space<hbm>> -> memref<128xi32, #tpu.memory_space<hbm>>
          tpu.wait_dma2 semaphore(%run_scoped3A : memref<!tpu.dma_semaphore, #tpu.memory_space<semaphore_mem>>) src(%dma_wait3A_40 : memref<128xi32, #tpu.memory_space<hbm>>) dst(%arg15 : memref<128xi32, #tpu.memory_space<vmem>>)
          tpu.yield
        }) : () -> ()
        %scan3A_33 = arith.constant 0 : i32
        %scan3A_34 = arith.constant 0 : i32
        %scan3A_35 = arith.constant 8 : i32
        %scan3A_36 = arith.addi %scan3A_34, %scan3A_35 : i32
        %scan3A_37 = arith.constant 1 : i32
        scf.for %scan3A_39 = %scan3A_34 to %scan3A_36 step %scan3A_37  : i32 {
          %mul3A_40 = arith.constant 16 : i32
          %mul3A_41 = arith.muli %scan3A_39, %mul3A_40 : i32
          %get3A = arith.index_cast %mul3A_41 : i32 to index
          %get3A_42 = tpu.vector_load %arg14[%get3A] {strides = array<i32>} : memref<128xi32, #tpu.memory_space<vmem>>, vector<16xi32>,
          %get3A_43 = arith.index_cast %mul3A_41 : i32 to index
          %get3A_44 = tpu.vector_load %arg15[%get3A_43] {strides = array<i32>} : memref<128xi32, #tpu.memory_space<vmem>>, vector<16xi32>,
          %gather3A = tpu.vector_load_idx %arg17[%get3A_42] : memref<10000xf32, #tpu.memory_space<vmem>>[vector<16xi32>], vector<16xf32>,
          %gather3A_45 = tpu.vector_load_idx %arg17[%get3A_44] : memref<10000xf32, #tpu.memory_space<vmem>>[vector<16xi32>], vector<16xf32>,
          %sub3A = arith.subf %gather3A, %gather3A_45 : vector<16xf32>
          %mul3A_46 = arith.constant 66.6666641 : f32
          %mul3A_47 = vector.broadcast %mul3A_46 : f32 to vector<16xf32>
          %mul3A_48 = arith.mulf %sub3A, %mul3A_47 : vector<16xf32>
          %gather3A_49 = tpu.vector_load_idx %arg18[%get3A_42] : memref<10000xf32, #tpu.memory_space<vmem>>[vector<16xi32>], vector<16xf32>,
          %gather3A_50 = tpu.vector_load_idx %arg18[%get3A_44] : memref<10000xf32, #tpu.memory_space<vmem>>[vector<16xi32>], vector<16xf32>,
          %sub3A_51 = arith.subf %gather3A_49, %gather3A_50 : vector<16xf32>
          %mul3A_52 = arith.constant 66.6666641 : f32
          %mul3A_53 = vector.broadcast %mul3A_52 : f32 to vector<16xf32>
          %mul3A_54 = arith.mulf %sub3A_51, %mul3A_53 : vector<16xf32>
          %swap3A = arith.index_cast %mul3A_41 : i32 to index
          %swap3A_55 = tpu.vector_load %arg19[%swap3A] {strides = array<i32>} : memref<128xf32, #tpu.memory_space<vmem>>, vector<16xf32>,
          tpu.vector_store %arg19[%swap3A], %mul3A_48 {strides = array<i32>} : memref<128xf32, #tpu.memory_space<vmem>>, vector<16xf32>,
          %swap3A_56 = arith.index_cast %mul3A_41 : i32 to index
          %swap3A_57 = tpu.vector_load %arg20[%swap3A_56] {strides = array<i32>} : memref<128xf32, #tpu.memory_space<vmem>>, vector<16xf32>,
          tpu.vector_store %arg20[%swap3A_56], %mul3A_54 {strides = array<i32>} : memref<128xf32, #tpu.memory_space<vmem>>, vector<16xf32>,
          %mul3A_58 = arith.mulf %mul3A_48, %mul3A_48 : vector<16xf32>
          %mul3A_59 = arith.mulf %mul3A_54, %mul3A_54 : vector<16xf32>
          %add3A_60 = arith.addf %mul3A_58, %mul3A_59 : vector<16xf32>
          %swap3A_61 = arith.index_cast %mul3A_41 : i32 to index
          %swap3A_62 = tpu.vector_load %arg21[%swap3A_61] {strides = array<i32>} : memref<128xf32, #tpu.memory_space<vmem>>, vector<16xf32>,
          tpu.vector_store %arg21[%swap3A_61], %add3A_60 {strides = array<i32>} : memref<128xf32, #tpu.memory_space<vmem>>, vector<16xf32>,
        }
        %scan3A_38 = arith.constant 8 : i32
        "tpu.region"() ({
          %run_scoped3A = tpu.sem_alloc : memref<!tpu.dma_semaphore, #tpu.memory_space<semaphore_mem>>
          %dma_start3A = tpu.memref_slice %arg10[%mul3A_32] : memref<320000xf32, #tpu.memory_space<hbm>> -> memref<128xf32, #tpu.memory_space<hbm>>
          %dma_start3A_39 = tpu.memref_slice %arg10[%mul3A_32] : memref<320000xf32, #tpu.memory_space<hbm>> -> memref<128xf32, #tpu.memory_space<hbm>>
          tpu.enqueue_dma source(%arg19 : memref<128xf32, #tpu.memory_space<vmem>>) target(%dma_start3A_39 : memref<128xf32, #tpu.memory_space<hbm>>) target_semaphore(%run_scoped3A : memref<!tpu.dma_semaphore, #tpu.memory_space<semaphore_mem>>)
          %dma_wait3A = tpu.memref_slice %arg10[%mul3A_32] : memref<320000xf32, #tpu.memory_space<hbm>> -> memref<128xf32, #tpu.memory_space<hbm>>
          %dma_wait3A_40 = tpu.memref_slice %arg10[%mul3A_32] : memref<320000xf32, #tpu.memory_space<hbm>> -> memref<128xf32, #tpu.memory_space<hbm>>
          tpu.wait_dma2 semaphore(%run_scoped3A : memref<!tpu.dma_semaphore, #tpu.memory_space<semaphore_mem>>) src(%arg19 : memref<128xf32, #tpu.memory_space<vmem>>) dst(%dma_wait3A_40 : memref<128xf32, #tpu.memory_space<hbm>>)
          tpu.yield
        }) : () -> ()
        "tpu.region"() ({
          %run_scoped3A = tpu.sem_alloc : memref<!tpu.dma_semaphore, #tpu.memory_space<semaphore_mem>>
          %dma_start3A = tpu.memref_slice %arg11[%mul3A_32] : memref<320000xf32, #tpu.memory_space<hbm>> -> memref<128xf32, #tpu.memory_space<hbm>>
          %dma_start3A_39 = tpu.memref_slice %arg11[%mul3A_32] : memref<320000xf32, #tpu.memory_space<hbm>> -> memref<128xf32, #tpu.memory_space<hbm>>
          tpu.enqueue_dma source(%arg20 : memref<128xf32, #tpu.memory_space<vmem>>) target(%dma_start3A_39 : memref<128xf32, #tpu.memory_space<hbm>>) target_semaphore(%run_scoped3A : memref<!tpu.dma_semaphore, #tpu.memory_space<semaphore_mem>>)
          %dma_wait3A = tpu.memref_slice %arg11[%mul3A_32] : memref<320000xf32, #tpu.memory_space<hbm>> -> memref<128xf32, #tpu.memory_space<hbm>>
          %dma_wait3A_40 = tpu.memref_slice %arg11[%mul3A_32] : memref<320000xf32, #tpu.memory_space<hbm>> -> memref<128xf32, #tpu.memory_space<hbm>>
          tpu.wait_dma2 semaphore(%run_scoped3A : memref<!tpu.dma_semaphore, #tpu.memory_space<semaphore_mem>>) src(%arg20 : memref<128xf32, #tpu.memory_space<vmem>>) dst(%dma_wait3A_40 : memref<128xf32, #tpu.memory_space<hbm>>)
          tpu.yield
        }) : () -> ()
        "tpu.region"() ({
          %run_scoped3A = tpu.sem_alloc : memref<!tpu.dma_semaphore, #tpu.memory_space<semaphore_mem>>
          %dma_start3A = tpu.memref_slice %arg12[%mul3A_32] : memref<320000xf32, #tpu.memory_space<hbm>> -> memref<128xf32, #tpu.memory_space<hbm>>
          %dma_start3A_39 = tpu.memref_slice %arg12[%mul3A_32] : memref<320000xf32, #tpu.memory_space<hbm>> -> memref<128xf32, #tpu.memory_space<hbm>>
          tpu.enqueue_dma source(%arg21 : memref<128xf32, #tpu.memory_space<vmem>>) target(%dma_start3A_39 : memref<128xf32, #tpu.memory_space<hbm>>) target_semaphore(%run_scoped3A : memref<!tpu.dma_semaphore, #tpu.memory_space<semaphore_mem>>)
          %dma_wait3A = tpu.memref_slice %arg12[%mul3A_32] : memref<320000xf32, #tpu.memory_space<hbm>> -> memref<128xf32, #tpu.memory_space<hbm>>
          %dma_wait3A_40 = tpu.memref_slice %arg12[%mul3A_32] : memref<320000xf32, #tpu.memory_space<hbm>> -> memref<128xf32, #tpu.memory_space<hbm>>
          tpu.wait_dma2 semaphore(%run_scoped3A : memref<!tpu.dma_semaphore, #tpu.memory_space<semaphore_mem>>) src(%arg21 : memref<128xf32, #tpu.memory_space<vmem>>) dst(%dma_wait3A_40 : memref<128xf32, #tpu.memory_space<hbm>>)
          tpu.yield
        }) : () -> ()
      } else {
      }
    }
    %scan3A_22 = arith.constant 79 : i32
    return
  }
}

#map = affine_map<(d0, d1) -> (0, 0)>
#map1 = affine_map<(d0, d1) -> (0)>
#map2 = affine_map<(d0, d1) -> (0, 0, 0)>
module attributes {stable_mosaic.version = 14 : i64} {
  func.func @_scatter_body(%arg0: i32, %arg1: i32, %arg2: memref<320000x64xf32, #tpu.memory_space<hbm>>, %arg3: memref<320000xi32, #tpu.memory_space<hbm>>, %arg4: memref<10000x64xf32, #tpu.memory_space<hbm>>, %arg5: memref<2x10000x64xf32, #tpu.memory_space<hbm>>, %arg6: memref<128xi32, #tpu.memory_space<vmem>>, %arg7: memref<128x64xf32, #tpu.memory_space<vmem>>, %arg8: memref<10000x64xf32, #tpu.memory_space<vmem_shared>>) attributes {dimension_semantics = [#tpu.dimension_semantics<core_parallel>, #tpu.dimension_semantics<subcore_parallel>], iteration_bounds = array<i64: 2, 16>, scalar_prefetch = 0 : i64, scratch_operands = 3 : i64, tpu.core_type = #tpu.core_type<sc_vector_subcore>, window_params = [{transform_indices = #map}, {transform_indices = #map1}, {transform_indices = #map}, {transform_indices = #map2}]} {
    %mul3A = arith.constant 624 : i32
    %mul3A_0 = arith.muli %arg1, %mul3A : i32
    "tpu.region"() ({
      %run_scoped3A = tpu.sem_alloc : memref<!tpu.dma_semaphore, #tpu.memory_space<semaphore_mem>>
      %dma_start3A = arith.constant 0 : i32
      %dma_start3A_18 = tpu.memref_slice %arg8[%mul3A_0, %dma_start3A] : memref<10000x64xf32, #tpu.memory_space<vmem_shared>> -> memref<624x64xf32, #tpu.memory_space<vmem_shared>>
      %dma_start3A_19 = arith.constant 0 : i32
      %dma_start3A_20 = tpu.memref_slice %arg4[%mul3A_0, %dma_start3A_19] : memref<10000x64xf32, #tpu.memory_space<hbm>> -> memref<624x64xf32, #tpu.memory_space<hbm>>
      tpu.enqueue_dma source(%dma_start3A_20 : memref<624x64xf32, #tpu.memory_space<hbm>>) target(%dma_start3A_18 : memref<624x64xf32, #tpu.memory_space<vmem_shared>>) target_semaphore(%run_scoped3A : memref<!tpu.dma_semaphore, #tpu.memory_space<semaphore_mem>>)
      %dma_wait3A = arith.constant 0 : i32
      %dma_wait3A_21 = tpu.memref_slice %arg8[%mul3A_0, %dma_wait3A] : memref<10000x64xf32, #tpu.memory_space<vmem_shared>> -> memref<624x64xf32, #tpu.memory_space<vmem_shared>>
      %dma_wait3A_22 = arith.constant 0 : i32
      %dma_wait3A_23 = tpu.memref_slice %arg4[%mul3A_0, %dma_wait3A_22] : memref<10000x64xf32, #tpu.memory_space<hbm>> -> memref<624x64xf32, #tpu.memory_space<hbm>>
      tpu.wait_dma2 semaphore(%run_scoped3A : memref<!tpu.dma_semaphore, #tpu.memory_space<semaphore_mem>>) src(%dma_wait3A_23 : memref<624x64xf32, #tpu.memory_space<hbm>>) dst(%dma_wait3A_21 : memref<624x64xf32, #tpu.memory_space<vmem_shared>>)
      tpu.yield
    }) : () -> ()
    %eq3A = arith.constant 0 : i32
    %eq3A_1 = arith.cmpi eq, %arg1, %eq3A : i32
    %convert_element_type3A = arith.extui %eq3A_1 : i1 to i32
    %cond3A = arith.constant 0 : i32
    %cond3A_2 = arith.cmpi ne, %convert_element_type3A, %cond3A : i32
    scf.if %cond3A_2 {
      "tpu.region"() ({
        %run_scoped3A = tpu.sem_alloc : memref<!tpu.dma_semaphore, #tpu.memory_space<semaphore_mem>>
        %dma_start3A = arith.constant 9984 : i32
        %dma_start3A_18 = arith.constant 0 : i32
        %dma_start3A_19 = tpu.memref_slice %arg8[%dma_start3A, %dma_start3A_18] : memref<10000x64xf32, #tpu.memory_space<vmem_shared>> -> memref<16x64xf32, #tpu.memory_space<vmem_shared>>
        %dma_start3A_20 = arith.constant 9984 : i32
        %dma_start3A_21 = arith.constant 0 : i32
        %dma_start3A_22 = tpu.memref_slice %arg4[%dma_start3A_20, %dma_start3A_21] : memref<10000x64xf32, #tpu.memory_space<hbm>> -> memref<16x64xf32, #tpu.memory_space<hbm>>
        tpu.enqueue_dma source(%dma_start3A_22 : memref<16x64xf32, #tpu.memory_space<hbm>>) target(%dma_start3A_19 : memref<16x64xf32, #tpu.memory_space<vmem_shared>>) target_semaphore(%run_scoped3A : memref<!tpu.dma_semaphore, #tpu.memory_space<semaphore_mem>>)
        %dma_wait3A = arith.constant 9984 : i32
        %dma_wait3A_23 = arith.constant 0 : i32
        %dma_wait3A_24 = tpu.memref_slice %arg8[%dma_wait3A, %dma_wait3A_23] : memref<10000x64xf32, #tpu.memory_space<vmem_shared>> -> memref<16x64xf32, #tpu.memory_space<vmem_shared>>
        %dma_wait3A_25 = arith.constant 9984 : i32
        %dma_wait3A_26 = arith.constant 0 : i32
        %dma_wait3A_27 = tpu.memref_slice %arg4[%dma_wait3A_25, %dma_wait3A_26] : memref<10000x64xf32, #tpu.memory_space<hbm>> -> memref<16x64xf32, #tpu.memory_space<hbm>>
        tpu.wait_dma2 semaphore(%run_scoped3A : memref<!tpu.dma_semaphore, #tpu.memory_space<semaphore_mem>>) src(%dma_wait3A_27 : memref<16x64xf32, #tpu.memory_space<hbm>>) dst(%dma_wait3A_24 : memref<16x64xf32, #tpu.memory_space<vmem_shared>>)
        tpu.yield
      }) : () -> ()
    } else {
    }
    %barrier3A = arith.constant 0 : index
    tpu.barrier barrier_id(%barrier3A)
    %mul3A_3 = arith.constant 16 : i32
    %mul3A_4 = arith.muli %arg0, %mul3A_3 : i32
    %add3A = arith.addi %mul3A_4, %arg1 : i32
    %scan3A = arith.constant 0 : i32
    %scan3A_5 = arith.constant 0 : i32
    %scan3A_6 = arith.constant 79 : i32
    %scan3A_7 = arith.addi %scan3A_5, %scan3A_6 : i32
    %scan3A_8 = arith.constant 1 : i32
    scf.for %scan3A_18 = %scan3A_5 to %scan3A_7 step %scan3A_8  : i32 {
      %mul3A_19 = arith.constant 32 : i32
      %mul3A_20 = arith.muli %scan3A_18, %mul3A_19 : i32
      %add3A_21 = arith.addi %mul3A_20, %add3A : i32
      %lt3A = arith.constant 2500 : i32
      %lt3A_22 = arith.cmpi slt, %add3A_21, %lt3A : i32
      %convert_element_type3A_23 = arith.extui %lt3A_22 : i1 to i32
      %cond3A_24 = arith.constant 0 : i32
      %cond3A_25 = arith.cmpi ne, %convert_element_type3A_23, %cond3A_24 : i32
      scf.if %cond3A_25 {
        %mul3A_26 = arith.constant 128 : i32
        %mul3A_27 = arith.muli %add3A_21, %mul3A_26 : i32
        "tpu.region"() ({
          %run_scoped3A = tpu.sem_alloc : memref<!tpu.dma_semaphore, #tpu.memory_space<semaphore_mem>>
          %dma_start3A = tpu.memref_slice %arg3[%mul3A_27] : memref<320000xi32, #tpu.memory_space<hbm>> -> memref<128xi32, #tpu.memory_space<hbm>>
          %dma_start3A_28 = tpu.memref_slice %arg3[%mul3A_27] : memref<320000xi32, #tpu.memory_space<hbm>> -> memref<128xi32, #tpu.memory_space<hbm>>
          tpu.enqueue_dma source(%dma_start3A_28 : memref<128xi32, #tpu.memory_space<hbm>>) target(%arg6 : memref<128xi32, #tpu.memory_space<vmem>>) target_semaphore(%run_scoped3A : memref<!tpu.dma_semaphore, #tpu.memory_space<semaphore_mem>>)
          %dma_wait3A = tpu.memref_slice %arg3[%mul3A_27] : memref<320000xi32, #tpu.memory_space<hbm>> -> memref<128xi32, #tpu.memory_space<hbm>>
          %dma_wait3A_29 = tpu.memref_slice %arg3[%mul3A_27] : memref<320000xi32, #tpu.memory_space<hbm>> -> memref<128xi32, #tpu.memory_space<hbm>>
          tpu.wait_dma2 semaphore(%run_scoped3A : memref<!tpu.dma_semaphore, #tpu.memory_space<semaphore_mem>>) src(%dma_wait3A_29 : memref<128xi32, #tpu.memory_space<hbm>>) dst(%arg6 : memref<128xi32, #tpu.memory_space<vmem>>)
          tpu.yield
        }) : () -> ()
        "tpu.region"() ({
          %run_scoped3A = tpu.sem_alloc : memref<!tpu.dma_semaphore, #tpu.memory_space<semaphore_mem>>
          %dma_start3A = arith.constant 0 : i32
          %dma_start3A_28 = tpu.memref_slice %arg2[%mul3A_27, %dma_start3A] : memref<320000x64xf32, #tpu.memory_space<hbm>> -> memref<128x64xf32, #tpu.memory_space<hbm>>
          %dma_start3A_29 = arith.constant 0 : i32
          %dma_start3A_30 = tpu.memref_slice %arg2[%mul3A_27, %dma_start3A_29] : memref<320000x64xf32, #tpu.memory_space<hbm>> -> memref<128x64xf32, #tpu.memory_space<hbm>>
          tpu.enqueue_dma source(%dma_start3A_30 : memref<128x64xf32, #tpu.memory_space<hbm>>) target(%arg7 : memref<128x64xf32, #tpu.memory_space<vmem>>) target_semaphore(%run_scoped3A : memref<!tpu.dma_semaphore, #tpu.memory_space<semaphore_mem>>)
          %dma_wait3A = arith.constant 0 : i32
          %dma_wait3A_31 = tpu.memref_slice %arg2[%mul3A_27, %dma_wait3A] : memref<320000x64xf32, #tpu.memory_space<hbm>> -> memref<128x64xf32, #tpu.memory_space<hbm>>
          %dma_wait3A_32 = arith.constant 0 : i32
          %dma_wait3A_33 = tpu.memref_slice %arg2[%mul3A_27, %dma_wait3A_32] : memref<320000x64xf32, #tpu.memory_space<hbm>> -> memref<128x64xf32, #tpu.memory_space<hbm>>
          tpu.wait_dma2 semaphore(%run_scoped3A : memref<!tpu.dma_semaphore, #tpu.memory_space<semaphore_mem>>) src(%dma_wait3A_33 : memref<128x64xf32, #tpu.memory_space<hbm>>) dst(%arg7 : memref<128x64xf32, #tpu.memory_space<vmem>>)
          tpu.yield
        }) : () -> ()
        "tpu.region"() ({
          %run_scoped3A = tpu.sem_alloc : memref<!tpu.dma_semaphore, #tpu.memory_space<semaphore_mem>>
          %dma_start3A = arith.constant 0 : i32
          %dma_start3A_28 = arith.constant 0 : i32
          %dma_start3A_29 = tpu.memref_slice %arg8[%dma_start3A, %dma_start3A_28] : memref<10000x64xf32, #tpu.memory_space<vmem_shared>> -> memref<10000x64xf32, #tpu.memory_space<vmem_shared>>
          tpu.enqueue_indirect_dma source(%arg7 : memref<128x64xf32, #tpu.memory_space<vmem>>) target(%dma_start3A_29 : memref<10000x64xf32, #tpu.memory_space<vmem_shared>>) offsets(%arg6 : memref<128xi32, #tpu.memory_space<vmem>>) semaphore(%run_scoped3A : memref<!tpu.dma_semaphore, #tpu.memory_space<semaphore_mem>>) {add = true}
          %dma_wait3A = arith.constant 0 : i32
          %dma_wait3A_30 = arith.constant 0 : i32
          %dma_wait3A_31 = tpu.memref_slice %arg8[%dma_wait3A, %dma_wait3A_30] : memref<10000x64xf32, #tpu.memory_space<vmem_shared>> -> memref<10000x64xf32, #tpu.memory_space<vmem_shared>>
          tpu.wait_indirect_dma semaphore(%run_scoped3A : memref<!tpu.dma_semaphore, #tpu.memory_space<semaphore_mem>>) src(%arg7 : memref<128x64xf32, #tpu.memory_space<vmem>>) dst(%dma_wait3A_31 : memref<10000x64xf32, #tpu.memory_space<vmem_shared>>)
          tpu.yield
        }) : () -> ()
      } else {
      }
    }
    %scan3A_9 = arith.constant 79 : i32
    %barrier3A_10 = arith.constant 0 : index
    tpu.barrier barrier_id(%barrier3A_10)
    %mul3A_11 = arith.constant 624 : i32
    %mul3A_12 = arith.muli %arg1, %mul3A_11 : i32
    "tpu.region"() ({
      %run_scoped3A = tpu.sem_alloc : memref<!tpu.dma_semaphore, #tpu.memory_space<semaphore_mem>>
      %dma_start3A = arith.constant 0 : i32
      %dma_start3A_18 = arith.constant 0 : i32
      %dma_start3A_19 = tpu.memref_slice %arg5[%arg0, %dma_start3A, %dma_start3A_18] : memref<2x10000x64xf32, #tpu.memory_space<hbm>> -> memref<1x10000x64xf32, #tpu.memory_space<hbm>>
      %dma_start3A_20 = tpu.memref_squeeze %dma_start3A_19 : memref<1x10000x64xf32, #tpu.memory_space<hbm>> -> memref<10000x64xf32, #tpu.memory_space<hbm>>
      %dma_start3A_21 = arith.constant 0 : i32
      %dma_start3A_22 = tpu.memref_slice %dma_start3A_20[%mul3A_12, %dma_start3A_21] : memref<10000x64xf32, #tpu.memory_space<hbm>> -> memref<624x64xf32, #tpu.memory_space<hbm>>
      %dma_start3A_23 = arith.constant 0 : i32
      %dma_start3A_24 = tpu.memref_slice %arg8[%mul3A_12, %dma_start3A_23] : memref<10000x64xf32, #tpu.memory_space<vmem_shared>> -> memref<624x64xf32, #tpu.memory_space<vmem_shared>>
      tpu.enqueue_dma source(%dma_start3A_24 : memref<624x64xf32, #tpu.memory_space<vmem_shared>>) target(%dma_start3A_22 : memref<624x64xf32, #tpu.memory_space<hbm>>) target_semaphore(%run_scoped3A : memref<!tpu.dma_semaphore, #tpu.memory_space<semaphore_mem>>)
      %dma_wait3A = arith.constant 0 : i32
      %dma_wait3A_25 = arith.constant 0 : i32
      %dma_wait3A_26 = tpu.memref_slice %arg5[%arg0, %dma_wait3A, %dma_wait3A_25] : memref<2x10000x64xf32, #tpu.memory_space<hbm>> -> memref<1x10000x64xf32, #tpu.memory_space<hbm>>
      %dma_wait3A_27 = tpu.memref_squeeze %dma_wait3A_26 : memref<1x10000x64xf32, #tpu.memory_space<hbm>> -> memref<10000x64xf32, #tpu.memory_space<hbm>>
      %dma_wait3A_28 = arith.constant 0 : i32
      %dma_wait3A_29 = tpu.memref_slice %dma_wait3A_27[%mul3A_12, %dma_wait3A_28] : memref<10000x64xf32, #tpu.memory_space<hbm>> -> memref<624x64xf32, #tpu.memory_space<hbm>>
      %dma_wait3A_30 = arith.constant 0 : i32
      %dma_wait3A_31 = tpu.memref_slice %arg8[%mul3A_12, %dma_wait3A_30] : memref<10000x64xf32, #tpu.memory_space<vmem_shared>> -> memref<624x64xf32, #tpu.memory_space<vmem_shared>>
      tpu.wait_dma2 semaphore(%run_scoped3A : memref<!tpu.dma_semaphore, #tpu.memory_space<semaphore_mem>>) src(%dma_wait3A_31 : memref<624x64xf32, #tpu.memory_space<vmem_shared>>) dst(%dma_wait3A_29 : memref<624x64xf32, #tpu.memory_space<hbm>>)
      tpu.yield
    }) : () -> ()
    %eq3A_13 = arith.constant 0 : i32
    %eq3A_14 = arith.cmpi eq, %arg1, %eq3A_13 : i32
    %convert_element_type3A_15 = arith.extui %eq3A_14 : i1 to i32
    %cond3A_16 = arith.constant 0 : i32
    %cond3A_17 = arith.cmpi ne, %convert_element_type3A_15, %cond3A_16 : i32
    scf.if %cond3A_17 {
      "tpu.region"() ({
        %run_scoped3A = tpu.sem_alloc : memref<!tpu.dma_semaphore, #tpu.memory_space<semaphore_mem>>
        %dma_start3A = arith.constant 0 : i32
        %dma_start3A_18 = arith.constant 0 : i32
        %dma_start3A_19 = tpu.memref_slice %arg5[%arg0, %dma_start3A, %dma_start3A_18] : memref<2x10000x64xf32, #tpu.memory_space<hbm>> -> memref<1x10000x64xf32, #tpu.memory_space<hbm>>
        %dma_start3A_20 = tpu.memref_squeeze %dma_start3A_19 : memref<1x10000x64xf32, #tpu.memory_space<hbm>> -> memref<10000x64xf32, #tpu.memory_space<hbm>>
        %dma_start3A_21 = arith.constant 9984 : i32
        %dma_start3A_22 = arith.constant 0 : i32
        %dma_start3A_23 = tpu.memref_slice %dma_start3A_20[%dma_start3A_21, %dma_start3A_22] : memref<10000x64xf32, #tpu.memory_space<hbm>> -> memref<16x64xf32, #tpu.memory_space<hbm>>
        %dma_start3A_24 = arith.constant 9984 : i32
        %dma_start3A_25 = arith.constant 0 : i32
        %dma_start3A_26 = tpu.memref_slice %arg8[%dma_start3A_24, %dma_start3A_25] : memref<10000x64xf32, #tpu.memory_space<vmem_shared>> -> memref<16x64xf32, #tpu.memory_space<vmem_shared>>
        tpu.enqueue_dma source(%dma_start3A_26 : memref<16x64xf32, #tpu.memory_space<vmem_shared>>) target(%dma_start3A_23 : memref<16x64xf32, #tpu.memory_space<hbm>>) target_semaphore(%run_scoped3A : memref<!tpu.dma_semaphore, #tpu.memory_space<semaphore_mem>>)
        %dma_wait3A = arith.constant 0 : i32
        %dma_wait3A_27 = arith.constant 0 : i32
        %dma_wait3A_28 = tpu.memref_slice %arg5[%arg0, %dma_wait3A, %dma_wait3A_27] : memref<2x10000x64xf32, #tpu.memory_space<hbm>> -> memref<1x10000x64xf32, #tpu.memory_space<hbm>>
        %dma_wait3A_29 = tpu.memref_squeeze %dma_wait3A_28 : memref<1x10000x64xf32, #tpu.memory_space<hbm>> -> memref<10000x64xf32, #tpu.memory_space<hbm>>
        %dma_wait3A_30 = arith.constant 9984 : i32
        %dma_wait3A_31 = arith.constant 0 : i32
        %dma_wait3A_32 = tpu.memref_slice %dma_wait3A_29[%dma_wait3A_30, %dma_wait3A_31] : memref<10000x64xf32, #tpu.memory_space<hbm>> -> memref<16x64xf32, #tpu.memory_space<hbm>>
        %dma_wait3A_33 = arith.constant 9984 : i32
        %dma_wait3A_34 = arith.constant 0 : i32
        %dma_wait3A_35 = tpu.memref_slice %arg8[%dma_wait3A_33, %dma_wait3A_34] : memref<10000x64xf32, #tpu.memory_space<vmem_shared>> -> memref<16x64xf32, #tpu.memory_space<vmem_shared>>
        tpu.wait_dma2 semaphore(%run_scoped3A : memref<!tpu.dma_semaphore, #tpu.memory_space<semaphore_mem>>) src(%dma_wait3A_35 : memref<16x64xf32, #tpu.memory_space<vmem_shared>>) dst(%dma_wait3A_32 : memref<16x64xf32, #tpu.memory_space<hbm>>)
        tpu.yield
      }) : () -> ()
    } else {
    }
    return
  }
}

#map = affine_map<(d0, d1) -> (0, 0)>
#map1 = affine_map<(d0, d1) -> (0)>
#map2 = affine_map<(d0, d1) -> (0, 0, 0)>
module attributes {stable_mosaic.version = 14 : i64} {
  func.func @_scatter_body(%arg0: i32, %arg1: i32, %arg2: memref<320000x64xf32, #tpu.memory_space<hbm>>, %arg3: memref<320000xi32, #tpu.memory_space<hbm>>, %arg4: memref<10000x64xf32, #tpu.memory_space<hbm>>, %arg5: memref<2x10000x64xf32, #tpu.memory_space<hbm>>, %arg6: memref<128xi32, #tpu.memory_space<vmem>>, %arg7: memref<128x64xf32, #tpu.memory_space<vmem>>, %arg8: memref<10000x64xf32, #tpu.memory_space<vmem_shared>>) attributes {dimension_semantics = [#tpu.dimension_semantics<core_parallel>, #tpu.dimension_semantics<subcore_parallel>], iteration_bounds = array<i64: 2, 16>, scalar_prefetch = 0 : i64, scratch_operands = 3 : i64, tpu.core_type = #tpu.core_type<sc_vector_subcore>, window_params = [{transform_indices = #map}, {transform_indices = #map1}, {transform_indices = #map}, {transform_indices = #map2}]} {
    %mul3A = arith.constant 624 : i32
    %mul3A_0 = arith.muli %arg1, %mul3A : i32
    "tpu.region"() ({
      %run_scoped3A = tpu.sem_alloc : memref<!tpu.dma_semaphore, #tpu.memory_space<semaphore_mem>>
      %dma_start3A = arith.constant 0 : i32
      %dma_start3A_18 = tpu.memref_slice %arg8[%mul3A_0, %dma_start3A] : memref<10000x64xf32, #tpu.memory_space<vmem_shared>> -> memref<624x64xf32, #tpu.memory_space<vmem_shared>>
      %dma_start3A_19 = arith.constant 0 : i32
      %dma_start3A_20 = tpu.memref_slice %arg4[%mul3A_0, %dma_start3A_19] : memref<10000x64xf32, #tpu.memory_space<hbm>> -> memref<624x64xf32, #tpu.memory_space<hbm>>
      tpu.enqueue_dma source(%dma_start3A_20 : memref<624x64xf32, #tpu.memory_space<hbm>>) target(%dma_start3A_18 : memref<624x64xf32, #tpu.memory_space<vmem_shared>>) target_semaphore(%run_scoped3A : memref<!tpu.dma_semaphore, #tpu.memory_space<semaphore_mem>>)
      %dma_wait3A = arith.constant 0 : i32
      %dma_wait3A_21 = tpu.memref_slice %arg8[%mul3A_0, %dma_wait3A] : memref<10000x64xf32, #tpu.memory_space<vmem_shared>> -> memref<624x64xf32, #tpu.memory_space<vmem_shared>>
      %dma_wait3A_22 = arith.constant 0 : i32
      %dma_wait3A_23 = tpu.memref_slice %arg4[%mul3A_0, %dma_wait3A_22] : memref<10000x64xf32, #tpu.memory_space<hbm>> -> memref<624x64xf32, #tpu.memory_space<hbm>>
      tpu.wait_dma2 semaphore(%run_scoped3A : memref<!tpu.dma_semaphore, #tpu.memory_space<semaphore_mem>>) src(%dma_wait3A_23 : memref<624x64xf32, #tpu.memory_space<hbm>>) dst(%dma_wait3A_21 : memref<624x64xf32, #tpu.memory_space<vmem_shared>>)
      tpu.yield
    }) : () -> ()
    %eq3A = arith.constant 0 : i32
    %eq3A_1 = arith.cmpi eq, %arg1, %eq3A : i32
    %convert_element_type3A = arith.extui %eq3A_1 : i1 to i32
    %cond3A = arith.constant 0 : i32
    %cond3A_2 = arith.cmpi ne, %convert_element_type3A, %cond3A : i32
    scf.if %cond3A_2 {
      "tpu.region"() ({
        %run_scoped3A = tpu.sem_alloc : memref<!tpu.dma_semaphore, #tpu.memory_space<semaphore_mem>>
        %dma_start3A = arith.constant 9984 : i32
        %dma_start3A_18 = arith.constant 0 : i32
        %dma_start3A_19 = tpu.memref_slice %arg8[%dma_start3A, %dma_start3A_18] : memref<10000x64xf32, #tpu.memory_space<vmem_shared>> -> memref<16x64xf32, #tpu.memory_space<vmem_shared>>
        %dma_start3A_20 = arith.constant 9984 : i32
        %dma_start3A_21 = arith.constant 0 : i32
        %dma_start3A_22 = tpu.memref_slice %arg4[%dma_start3A_20, %dma_start3A_21] : memref<10000x64xf32, #tpu.memory_space<hbm>> -> memref<16x64xf32, #tpu.memory_space<hbm>>
        tpu.enqueue_dma source(%dma_start3A_22 : memref<16x64xf32, #tpu.memory_space<hbm>>) target(%dma_start3A_19 : memref<16x64xf32, #tpu.memory_space<vmem_shared>>) target_semaphore(%run_scoped3A : memref<!tpu.dma_semaphore, #tpu.memory_space<semaphore_mem>>)
        %dma_wait3A = arith.constant 9984 : i32
        %dma_wait3A_23 = arith.constant 0 : i32
        %dma_wait3A_24 = tpu.memref_slice %arg8[%dma_wait3A, %dma_wait3A_23] : memref<10000x64xf32, #tpu.memory_space<vmem_shared>> -> memref<16x64xf32, #tpu.memory_space<vmem_shared>>
        %dma_wait3A_25 = arith.constant 9984 : i32
        %dma_wait3A_26 = arith.constant 0 : i32
        %dma_wait3A_27 = tpu.memref_slice %arg4[%dma_wait3A_25, %dma_wait3A_26] : memref<10000x64xf32, #tpu.memory_space<hbm>> -> memref<16x64xf32, #tpu.memory_space<hbm>>
        tpu.wait_dma2 semaphore(%run_scoped3A : memref<!tpu.dma_semaphore, #tpu.memory_space<semaphore_mem>>) src(%dma_wait3A_27 : memref<16x64xf32, #tpu.memory_space<hbm>>) dst(%dma_wait3A_24 : memref<16x64xf32, #tpu.memory_space<vmem_shared>>)
        tpu.yield
      }) : () -> ()
    } else {
    }
    %barrier3A = arith.constant 0 : index
    tpu.barrier barrier_id(%barrier3A)
    %mul3A_3 = arith.constant 16 : i32
    %mul3A_4 = arith.muli %arg0, %mul3A_3 : i32
    %add3A = arith.addi %mul3A_4, %arg1 : i32
    %scan3A = arith.constant 0 : i32
    %scan3A_5 = arith.constant 0 : i32
    %scan3A_6 = arith.constant 79 : i32
    %scan3A_7 = arith.addi %scan3A_5, %scan3A_6 : i32
    %scan3A_8 = arith.constant 1 : i32
    scf.for %scan3A_18 = %scan3A_5 to %scan3A_7 step %scan3A_8  : i32 {
      %mul3A_19 = arith.constant 32 : i32
      %mul3A_20 = arith.muli %scan3A_18, %mul3A_19 : i32
      %add3A_21 = arith.addi %mul3A_20, %add3A : i32
      %lt3A = arith.constant 2500 : i32
      %lt3A_22 = arith.cmpi slt, %add3A_21, %lt3A : i32
      %convert_element_type3A_23 = arith.extui %lt3A_22 : i1 to i32
      %cond3A_24 = arith.constant 0 : i32
      %cond3A_25 = arith.cmpi ne, %convert_element_type3A_23, %cond3A_24 : i32
      scf.if %cond3A_25 {
        %mul3A_26 = arith.constant 128 : i32
        %mul3A_27 = arith.muli %add3A_21, %mul3A_26 : i32
        "tpu.region"() ({
          %run_scoped3A = tpu.sem_alloc : memref<!tpu.dma_semaphore, #tpu.memory_space<semaphore_mem>>
          %dma_start3A = tpu.memref_slice %arg3[%mul3A_27] : memref<320000xi32, #tpu.memory_space<hbm>> -> memref<128xi32, #tpu.memory_space<hbm>>
          %dma_start3A_28 = tpu.memref_slice %arg3[%mul3A_27] : memref<320000xi32, #tpu.memory_space<hbm>> -> memref<128xi32, #tpu.memory_space<hbm>>
          tpu.enqueue_dma source(%dma_start3A_28 : memref<128xi32, #tpu.memory_space<hbm>>) target(%arg6 : memref<128xi32, #tpu.memory_space<vmem>>) target_semaphore(%run_scoped3A : memref<!tpu.dma_semaphore, #tpu.memory_space<semaphore_mem>>)
          %dma_wait3A = tpu.memref_slice %arg3[%mul3A_27] : memref<320000xi32, #tpu.memory_space<hbm>> -> memref<128xi32, #tpu.memory_space<hbm>>
          %dma_wait3A_29 = tpu.memref_slice %arg3[%mul3A_27] : memref<320000xi32, #tpu.memory_space<hbm>> -> memref<128xi32, #tpu.memory_space<hbm>>
          tpu.wait_dma2 semaphore(%run_scoped3A : memref<!tpu.dma_semaphore, #tpu.memory_space<semaphore_mem>>) src(%dma_wait3A_29 : memref<128xi32, #tpu.memory_space<hbm>>) dst(%arg6 : memref<128xi32, #tpu.memory_space<vmem>>)
          tpu.yield
        }) : () -> ()
        "tpu.region"() ({
          %run_scoped3A = tpu.sem_alloc : memref<!tpu.dma_semaphore, #tpu.memory_space<semaphore_mem>>
          %dma_start3A = arith.constant 0 : i32
          %dma_start3A_28 = tpu.memref_slice %arg2[%mul3A_27, %dma_start3A] : memref<320000x64xf32, #tpu.memory_space<hbm>> -> memref<128x64xf32, #tpu.memory_space<hbm>>
          %dma_start3A_29 = arith.constant 0 : i32
          %dma_start3A_30 = tpu.memref_slice %arg2[%mul3A_27, %dma_start3A_29] : memref<320000x64xf32, #tpu.memory_space<hbm>> -> memref<128x64xf32, #tpu.memory_space<hbm>>
          tpu.enqueue_dma source(%dma_start3A_30 : memref<128x64xf32, #tpu.memory_space<hbm>>) target(%arg7 : memref<128x64xf32, #tpu.memory_space<vmem>>) target_semaphore(%run_scoped3A : memref<!tpu.dma_semaphore, #tpu.memory_space<semaphore_mem>>)
          %dma_wait3A = arith.constant 0 : i32
          %dma_wait3A_31 = tpu.memref_slice %arg2[%mul3A_27, %dma_wait3A] : memref<320000x64xf32, #tpu.memory_space<hbm>> -> memref<128x64xf32, #tpu.memory_space<hbm>>
          %dma_wait3A_32 = arith.constant 0 : i32
          %dma_wait3A_33 = tpu.memref_slice %arg2[%mul3A_27, %dma_wait3A_32] : memref<320000x64xf32, #tpu.memory_space<hbm>> -> memref<128x64xf32, #tpu.memory_space<hbm>>
          tpu.wait_dma2 semaphore(%run_scoped3A : memref<!tpu.dma_semaphore, #tpu.memory_space<semaphore_mem>>) src(%dma_wait3A_33 : memref<128x64xf32, #tpu.memory_space<hbm>>) dst(%arg7 : memref<128x64xf32, #tpu.memory_space<vmem>>)
          tpu.yield
        }) : () -> ()
        "tpu.region"() ({
          %run_scoped3A = tpu.sem_alloc : memref<!tpu.dma_semaphore, #tpu.memory_space<semaphore_mem>>
          %dma_start3A = arith.constant 0 : i32
          %dma_start3A_28 = arith.constant 0 : i32
          %dma_start3A_29 = tpu.memref_slice %arg8[%dma_start3A, %dma_start3A_28] : memref<10000x64xf32, #tpu.memory_space<vmem_shared>> -> memref<10000x64xf32, #tpu.memory_space<vmem_shared>>
          tpu.enqueue_indirect_dma source(%arg7 : memref<128x64xf32, #tpu.memory_space<vmem>>) target(%dma_start3A_29 : memref<10000x64xf32, #tpu.memory_space<vmem_shared>>) offsets(%arg6 : memref<128xi32, #tpu.memory_space<vmem>>) semaphore(%run_scoped3A : memref<!tpu.dma_semaphore, #tpu.memory_space<semaphore_mem>>) {add = true}
          %dma_wait3A = arith.constant 0 : i32
          %dma_wait3A_30 = arith.constant 0 : i32
          %dma_wait3A_31 = tpu.memref_slice %arg8[%dma_wait3A, %dma_wait3A_30] : memref<10000x64xf32, #tpu.memory_space<vmem_shared>> -> memref<10000x64xf32, #tpu.memory_space<vmem_shared>>
          tpu.wait_indirect_dma semaphore(%run_scoped3A : memref<!tpu.dma_semaphore, #tpu.memory_space<semaphore_mem>>) src(%arg7 : memref<128x64xf32, #tpu.memory_space<vmem>>) dst(%dma_wait3A_31 : memref<10000x64xf32, #tpu.memory_space<vmem_shared>>)
          tpu.yield
        }) : () -> ()
      } else {
      }
    }
    %scan3A_9 = arith.constant 79 : i32
    %barrier3A_10 = arith.constant 0 : index
    tpu.barrier barrier_id(%barrier3A_10)
    %mul3A_11 = arith.constant 624 : i32
    %mul3A_12 = arith.muli %arg1, %mul3A_11 : i32
    "tpu.region"() ({
      %run_scoped3A = tpu.sem_alloc : memref<!tpu.dma_semaphore, #tpu.memory_space<semaphore_mem>>
      %dma_start3A = arith.constant 0 : i32
      %dma_start3A_18 = arith.constant 0 : i32
      %dma_start3A_19 = tpu.memref_slice %arg5[%arg0, %dma_start3A, %dma_start3A_18] : memref<2x10000x64xf32, #tpu.memory_space<hbm>> -> memref<1x10000x64xf32, #tpu.memory_space<hbm>>
      %dma_start3A_20 = tpu.memref_squeeze %dma_start3A_19 : memref<1x10000x64xf32, #tpu.memory_space<hbm>> -> memref<10000x64xf32, #tpu.memory_space<hbm>>
      %dma_start3A_21 = arith.constant 0 : i32
      %dma_start3A_22 = tpu.memref_slice %dma_start3A_20[%mul3A_12, %dma_start3A_21] : memref<10000x64xf32, #tpu.memory_space<hbm>> -> memref<624x64xf32, #tpu.memory_space<hbm>>
      %dma_start3A_23 = arith.constant 0 : i32
      %dma_start3A_24 = tpu.memref_slice %arg8[%mul3A_12, %dma_start3A_23] : memref<10000x64xf32, #tpu.memory_space<vmem_shared>> -> memref<624x64xf32, #tpu.memory_space<vmem_shared>>
      tpu.enqueue_dma source(%dma_start3A_24 : memref<624x64xf32, #tpu.memory_space<vmem_shared>>) target(%dma_start3A_22 : memref<624x64xf32, #tpu.memory_space<hbm>>) target_semaphore(%run_scoped3A : memref<!tpu.dma_semaphore, #tpu.memory_space<semaphore_mem>>)
      %dma_wait3A = arith.constant 0 : i32
      %dma_wait3A_25 = arith.constant 0 : i32
      %dma_wait3A_26 = tpu.memref_slice %arg5[%arg0, %dma_wait3A, %dma_wait3A_25] : memref<2x10000x64xf32, #tpu.memory_space<hbm>> -> memref<1x10000x64xf32, #tpu.memory_space<hbm>>
      %dma_wait3A_27 = tpu.memref_squeeze %dma_wait3A_26 : memref<1x10000x64xf32, #tpu.memory_space<hbm>> -> memref<10000x64xf32, #tpu.memory_space<hbm>>
      %dma_wait3A_28 = arith.constant 0 : i32
      %dma_wait3A_29 = tpu.memref_slice %dma_wait3A_27[%mul3A_12, %dma_wait3A_28] : memref<10000x64xf32, #tpu.memory_space<hbm>> -> memref<624x64xf32, #tpu.memory_space<hbm>>
      %dma_wait3A_30 = arith.constant 0 : i32
      %dma_wait3A_31 = tpu.memref_slice %arg8[%mul3A_12, %dma_wait3A_30] : memref<10000x64xf32, #tpu.memory_space<vmem_shared>> -> memref<624x64xf32, #tpu.memory_space<vmem_shared>>
      tpu.wait_dma2 semaphore(%run_scoped3A : memref<!tpu.dma_semaphore, #tpu.memory_space<semaphore_mem>>) src(%dma_wait3A_31 : memref<624x64xf32, #tpu.memory_space<vmem_shared>>) dst(%dma_wait3A_29 : memref<624x64xf32, #tpu.memory_space<hbm>>)
      tpu.yield
    }) : () -> ()
    %eq3A_13 = arith.constant 0 : i32
    %eq3A_14 = arith.cmpi eq, %arg1, %eq3A_13 : i32
    %convert_element_type3A_15 = arith.extui %eq3A_14 : i1 to i32
    %cond3A_16 = arith.constant 0 : i32
    %cond3A_17 = arith.cmpi ne, %convert_element_type3A_15, %cond3A_16 : i32
    scf.if %cond3A_17 {
      "tpu.region"() ({
        %run_scoped3A = tpu.sem_alloc : memref<!tpu.dma_semaphore, #tpu.memory_space<semaphore_mem>>
        %dma_start3A = arith.constant 0 : i32
        %dma_start3A_18 = arith.constant 0 : i32
        %dma_start3A_19 = tpu.memref_slice %arg5[%arg0, %dma_start3A, %dma_start3A_18] : memref<2x10000x64xf32, #tpu.memory_space<hbm>> -> memref<1x10000x64xf32, #tpu.memory_space<hbm>>
        %dma_start3A_20 = tpu.memref_squeeze %dma_start3A_19 : memref<1x10000x64xf32, #tpu.memory_space<hbm>> -> memref<10000x64xf32, #tpu.memory_space<hbm>>
        %dma_start3A_21 = arith.constant 9984 : i32
        %dma_start3A_22 = arith.constant 0 : i32
        %dma_start3A_23 = tpu.memref_slice %dma_start3A_20[%dma_start3A_21, %dma_start3A_22] : memref<10000x64xf32, #tpu.memory_space<hbm>> -> memref<16x64xf32, #tpu.memory_space<hbm>>
        %dma_start3A_24 = arith.constant 9984 : i32
        %dma_start3A_25 = arith.constant 0 : i32
        %dma_start3A_26 = tpu.memref_slice %arg8[%dma_start3A_24, %dma_start3A_25] : memref<10000x64xf32, #tpu.memory_space<vmem_shared>> -> memref<16x64xf32, #tpu.memory_space<vmem_shared>>
        tpu.enqueue_dma source(%dma_start3A_26 : memref<16x64xf32, #tpu.memory_space<vmem_shared>>) target(%dma_start3A_23 : memref<16x64xf32, #tpu.memory_space<hbm>>) target_semaphore(%run_scoped3A : memref<!tpu.dma_semaphore, #tpu.memory_space<semaphore_mem>>)
        %dma_wait3A = arith.constant 0 : i32
        %dma_wait3A_27 = arith.constant 0 : i32
        %dma_wait3A_28 = tpu.memref_slice %arg5[%arg0, %dma_wait3A, %dma_wait3A_27] : memref<2x10000x64xf32, #tpu.memory_space<hbm>> -> memref<1x10000x64xf32, #tpu.memory_space<hbm>>
        %dma_wait3A_29 = tpu.memref_squeeze %dma_wait3A_28 : memref<1x10000x64xf32, #tpu.memory_space<hbm>> -> memref<10000x64xf32, #tpu.memory_space<hbm>>
        %dma_wait3A_30 = arith.constant 9984 : i32
        %dma_wait3A_31 = arith.constant 0 : i32
        %dma_wait3A_32 = tpu.memref_slice %dma_wait3A_29[%dma_wait3A_30, %dma_wait3A_31] : memref<10000x64xf32, #tpu.memory_space<hbm>> -> memref<16x64xf32, #tpu.memory_space<hbm>>
        %dma_wait3A_33 = arith.constant 9984 : i32
        %dma_wait3A_34 = arith.constant 0 : i32
        %dma_wait3A_35 = tpu.memref_slice %arg8[%dma_wait3A_33, %dma_wait3A_34] : memref<10000x64xf32, #tpu.memory_space<vmem_shared>> -> memref<16x64xf32, #tpu.memory_space<vmem_shared>>
        tpu.wait_dma2 semaphore(%run_scoped3A : memref<!tpu.dma_semaphore, #tpu.memory_space<semaphore_mem>>) src(%dma_wait3A_35 : memref<16x64xf32, #tpu.memory_space<vmem_shared>>) dst(%dma_wait3A_32 : memref<16x64xf32, #tpu.memory_space<hbm>>)
        tpu.yield
      }) : () -> ()
    } else {
    }
    return
  }
}

#map = affine_map<(d0, d1) -> (0, 0)>
#map1 = affine_map<(d0, d1) -> (0)>
module attributes {stable_mosaic.version = 14 : i64} {
  func.func @_gather2_body(%arg0: i32, %arg1: i32, %arg2: memref<10000x64xf32, #tpu.memory_space<hbm>>, %arg3: memref<10000x64xf32, #tpu.memory_space<hbm>>, %arg4: memref<320000xi32, #tpu.memory_space<hbm>>, %arg5: memref<320000xi32, #tpu.memory_space<hbm>>, %arg6: memref<320000x64xf32, #tpu.memory_space<hbm>>, %arg7: memref<320000x64xf32, #tpu.memory_space<hbm>>, %arg8: memref<128xi32, #tpu.memory_space<vmem>>, %arg9: memref<128x64xf32, #tpu.memory_space<vmem>>, %arg10: memref<10000x64xf32, #tpu.memory_space<vmem_shared>>, %arg11: memref<!tpu.dma_semaphore, #tpu.memory_space<semaphore_mem>>) attributes {dimension_semantics = [#tpu.dimension_semantics<core_parallel>, #tpu.dimension_semantics<subcore_parallel>], iteration_bounds = array<i64: 2, 16>, scalar_prefetch = 0 : i64, scratch_operands = 4 : i64, tpu.core_type = #tpu.core_type<sc_vector_subcore>, window_params = [{transform_indices = #map}, {transform_indices = #map}, {transform_indices = #map1}, {transform_indices = #map1}, {transform_indices = #map}, {transform_indices = #map}]} {
    %eq3A = arith.constant 0 : i32
    %eq3A_0 = arith.cmpi eq, %arg0, %eq3A : i32
    %convert_element_type3A = arith.extui %eq3A_0 : i1 to i32
    %cond3A = arith.constant 0 : i32
    %cond3A_1 = arith.cmpi ne, %convert_element_type3A, %cond3A : i32
    scf.if %cond3A_1 {
      %mul3A = arith.constant 624 : i32
      %mul3A_17 = arith.muli %arg1, %mul3A : i32
      "tpu.region"() ({
        %run_scoped3A = tpu.sem_alloc : memref<!tpu.dma_semaphore, #tpu.memory_space<semaphore_mem>>
        %dma_start3A = arith.constant 0 : i32
        %dma_start3A_23 = tpu.memref_slice %arg10[%mul3A_17, %dma_start3A] : memref<10000x64xf32, #tpu.memory_space<vmem_shared>> -> memref<624x64xf32, #tpu.memory_space<vmem_shared>>
        %dma_start3A_24 = arith.constant 0 : i32
        %dma_start3A_25 = tpu.memref_slice %arg2[%mul3A_17, %dma_start3A_24] : memref<10000x64xf32, #tpu.memory_space<hbm>> -> memref<624x64xf32, #tpu.memory_space<hbm>>
        tpu.enqueue_dma source(%dma_start3A_25 : memref<624x64xf32, #tpu.memory_space<hbm>>) target(%dma_start3A_23 : memref<624x64xf32, #tpu.memory_space<vmem_shared>>) target_semaphore(%run_scoped3A : memref<!tpu.dma_semaphore, #tpu.memory_space<semaphore_mem>>)
        %dma_wait3A = arith.constant 0 : i32
        %dma_wait3A_26 = tpu.memref_slice %arg10[%mul3A_17, %dma_wait3A] : memref<10000x64xf32, #tpu.memory_space<vmem_shared>> -> memref<624x64xf32, #tpu.memory_space<vmem_shared>>
        %dma_wait3A_27 = arith.constant 0 : i32
        %dma_wait3A_28 = tpu.memref_slice %arg2[%mul3A_17, %dma_wait3A_27] : memref<10000x64xf32, #tpu.memory_space<hbm>> -> memref<624x64xf32, #tpu.memory_space<hbm>>
        tpu.wait_dma2 semaphore(%run_scoped3A : memref<!tpu.dma_semaphore, #tpu.memory_space<semaphore_mem>>) src(%dma_wait3A_28 : memref<624x64xf32, #tpu.memory_space<hbm>>) dst(%dma_wait3A_26 : memref<624x64xf32, #tpu.memory_space<vmem_shared>>)
        tpu.yield
      }) : () -> ()
      %eq3A_18 = arith.constant 0 : i32
      %eq3A_19 = arith.cmpi eq, %arg1, %eq3A_18 : i32
      %convert_element_type3A_20 = arith.extui %eq3A_19 : i1 to i32
      %cond3A_21 = arith.constant 0 : i32
      %cond3A_22 = arith.cmpi ne, %convert_element_type3A_20, %cond3A_21 : i32
      scf.if %cond3A_22 {
        "tpu.region"() ({
          %run_scoped3A = tpu.sem_alloc : memref<!tpu.dma_semaphore, #tpu.memory_space<semaphore_mem>>
          %dma_start3A = arith.constant 9984 : i32
          %dma_start3A_23 = arith.constant 0 : i32
          %dma_start3A_24 = tpu.memref_slice %arg10[%dma_start3A, %dma_start3A_23] : memref<10000x64xf32, #tpu.memory_space<vmem_shared>> -> memref<16x64xf32, #tpu.memory_space<vmem_shared>>
          %dma_start3A_25 = arith.constant 9984 : i32
          %dma_start3A_26 = arith.constant 0 : i32
          %dma_start3A_27 = tpu.memref_slice %arg2[%dma_start3A_25, %dma_start3A_26] : memref<10000x64xf32, #tpu.memory_space<hbm>> -> memref<16x64xf32, #tpu.memory_space<hbm>>
          tpu.enqueue_dma source(%dma_start3A_27 : memref<16x64xf32, #tpu.memory_space<hbm>>) target(%dma_start3A_24 : memref<16x64xf32, #tpu.memory_space<vmem_shared>>) target_semaphore(%run_scoped3A : memref<!tpu.dma_semaphore, #tpu.memory_space<semaphore_mem>>)
          %dma_wait3A = arith.constant 9984 : i32
          %dma_wait3A_28 = arith.constant 0 : i32
          %dma_wait3A_29 = tpu.memref_slice %arg10[%dma_wait3A, %dma_wait3A_28] : memref<10000x64xf32, #tpu.memory_space<vmem_shared>> -> memref<16x64xf32, #tpu.memory_space<vmem_shared>>
          %dma_wait3A_30 = arith.constant 9984 : i32
          %dma_wait3A_31 = arith.constant 0 : i32
          %dma_wait3A_32 = tpu.memref_slice %arg2[%dma_wait3A_30, %dma_wait3A_31] : memref<10000x64xf32, #tpu.memory_space<hbm>> -> memref<16x64xf32, #tpu.memory_space<hbm>>
          tpu.wait_dma2 semaphore(%run_scoped3A : memref<!tpu.dma_semaphore, #tpu.memory_space<semaphore_mem>>) src(%dma_wait3A_32 : memref<16x64xf32, #tpu.memory_space<hbm>>) dst(%dma_wait3A_29 : memref<16x64xf32, #tpu.memory_space<vmem_shared>>)
          tpu.yield
        }) : () -> ()
      } else {
      }
    } else {
    }
    %eq3A_2 = arith.constant 1 : i32
    %eq3A_3 = arith.cmpi eq, %arg0, %eq3A_2 : i32
    %convert_element_type3A_4 = arith.extui %eq3A_3 : i1 to i32
    %cond3A_5 = arith.constant 0 : i32
    %cond3A_6 = arith.cmpi ne, %convert_element_type3A_4, %cond3A_5 : i32
    scf.if %cond3A_6 {
      %mul3A = arith.constant 624 : i32
      %mul3A_17 = arith.muli %arg1, %mul3A : i32
      "tpu.region"() ({
        %run_scoped3A = tpu.sem_alloc : memref<!tpu.dma_semaphore, #tpu.memory_space<semaphore_mem>>
        %dma_start3A = arith.constant 0 : i32
        %dma_start3A_23 = tpu.memref_slice %arg10[%mul3A_17, %dma_start3A] : memref<10000x64xf32, #tpu.memory_space<vmem_shared>> -> memref<624x64xf32, #tpu.memory_space<vmem_shared>>
        %dma_start3A_24 = arith.constant 0 : i32
        %dma_start3A_25 = tpu.memref_slice %arg3[%mul3A_17, %dma_start3A_24] : memref<10000x64xf32, #tpu.memory_space<hbm>> -> memref<624x64xf32, #tpu.memory_space<hbm>>
        tpu.enqueue_dma source(%dma_start3A_25 : memref<624x64xf32, #tpu.memory_space<hbm>>) target(%dma_start3A_23 : memref<624x64xf32, #tpu.memory_space<vmem_shared>>) target_semaphore(%run_scoped3A : memref<!tpu.dma_semaphore, #tpu.memory_space<semaphore_mem>>)
        %dma_wait3A = arith.constant 0 : i32
        %dma_wait3A_26 = tpu.memref_slice %arg10[%mul3A_17, %dma_wait3A] : memref<10000x64xf32, #tpu.memory_space<vmem_shared>> -> memref<624x64xf32, #tpu.memory_space<vmem_shared>>
        %dma_wait3A_27 = arith.constant 0 : i32
        %dma_wait3A_28 = tpu.memref_slice %arg3[%mul3A_17, %dma_wait3A_27] : memref<10000x64xf32, #tpu.memory_space<hbm>> -> memref<624x64xf32, #tpu.memory_space<hbm>>
        tpu.wait_dma2 semaphore(%run_scoped3A : memref<!tpu.dma_semaphore, #tpu.memory_space<semaphore_mem>>) src(%dma_wait3A_28 : memref<624x64xf32, #tpu.memory_space<hbm>>) dst(%dma_wait3A_26 : memref<624x64xf32, #tpu.memory_space<vmem_shared>>)
        tpu.yield
      }) : () -> ()
      %eq3A_18 = arith.constant 0 : i32
      %eq3A_19 = arith.cmpi eq, %arg1, %eq3A_18 : i32
      %convert_element_type3A_20 = arith.extui %eq3A_19 : i1 to i32
      %cond3A_21 = arith.constant 0 : i32
      %cond3A_22 = arith.cmpi ne, %convert_element_type3A_20, %cond3A_21 : i32
      scf.if %cond3A_22 {
        "tpu.region"() ({
          %run_scoped3A = tpu.sem_alloc : memref<!tpu.dma_semaphore, #tpu.memory_space<semaphore_mem>>
          %dma_start3A = arith.constant 9984 : i32
          %dma_start3A_23 = arith.constant 0 : i32
          %dma_start3A_24 = tpu.memref_slice %arg10[%dma_start3A, %dma_start3A_23] : memref<10000x64xf32, #tpu.memory_space<vmem_shared>> -> memref<16x64xf32, #tpu.memory_space<vmem_shared>>
          %dma_start3A_25 = arith.constant 9984 : i32
          %dma_start3A_26 = arith.constant 0 : i32
          %dma_start3A_27 = tpu.memref_slice %arg3[%dma_start3A_25, %dma_start3A_26] : memref<10000x64xf32, #tpu.memory_space<hbm>> -> memref<16x64xf32, #tpu.memory_space<hbm>>
          tpu.enqueue_dma source(%dma_start3A_27 : memref<16x64xf32, #tpu.memory_space<hbm>>) target(%dma_start3A_24 : memref<16x64xf32, #tpu.memory_space<vmem_shared>>) target_semaphore(%run_scoped3A : memref<!tpu.dma_semaphore, #tpu.memory_space<semaphore_mem>>)
          %dma_wait3A = arith.constant 9984 : i32
          %dma_wait3A_28 = arith.constant 0 : i32
          %dma_wait3A_29 = tpu.memref_slice %arg10[%dma_wait3A, %dma_wait3A_28] : memref<10000x64xf32, #tpu.memory_space<vmem_shared>> -> memref<16x64xf32, #tpu.memory_space<vmem_shared>>
          %dma_wait3A_30 = arith.constant 9984 : i32
          %dma_wait3A_31 = arith.constant 0 : i32
          %dma_wait3A_32 = tpu.memref_slice %arg3[%dma_wait3A_30, %dma_wait3A_31] : memref<10000x64xf32, #tpu.memory_space<hbm>> -> memref<16x64xf32, #tpu.memory_space<hbm>>
          tpu.wait_dma2 semaphore(%run_scoped3A : memref<!tpu.dma_semaphore, #tpu.memory_space<semaphore_mem>>) src(%dma_wait3A_32 : memref<16x64xf32, #tpu.memory_space<hbm>>) dst(%dma_wait3A_29 : memref<16x64xf32, #tpu.memory_space<vmem_shared>>)
          tpu.yield
        }) : () -> ()
      } else {
      }
    } else {
    }
    %barrier3A = arith.constant 0 : index
    tpu.barrier barrier_id(%barrier3A)
    %eq3A_7 = arith.constant 0 : i32
    %eq3A_8 = arith.cmpi eq, %arg0, %eq3A_7 : i32
    %convert_element_type3A_9 = arith.extui %eq3A_8 : i1 to i32
    %cond3A_10 = arith.constant 0 : i32
    %cond3A_11 = arith.cmpi ne, %convert_element_type3A_9, %cond3A_10 : i32
    scf.if %cond3A_11 {
      %scan3A = arith.constant 0 : i32
      %scan3A_17 = arith.constant 0 : i32
      %scan3A_18 = arith.constant 157 : i32
      %scan3A_19 = arith.addi %scan3A_17, %scan3A_18 : i32
      %scan3A_20 = arith.constant 1 : i32
      scf.for %scan3A_22 = %scan3A_17 to %scan3A_19 step %scan3A_20  : i32 {
        %mul3A = arith.constant 16 : i32
        %mul3A_23 = arith.muli %scan3A_22, %mul3A : i32
        %add3A = arith.addi %mul3A_23, %arg1 : i32
        %lt3A = arith.constant 2500 : i32
        %lt3A_24 = arith.cmpi slt, %add3A, %lt3A : i32
        %convert_element_type3A_25 = arith.extui %lt3A_24 : i1 to i32
        %cond3A_26 = arith.constant 0 : i32
        %cond3A_27 = arith.cmpi ne, %convert_element_type3A_25, %cond3A_26 : i32
        scf.if %cond3A_27 {
          %mul3A_28 = arith.constant 128 : i32
          %mul3A_29 = arith.muli %add3A, %mul3A_28 : i32
          "tpu.region"() ({
            %run_scoped3A = tpu.sem_alloc : memref<!tpu.dma_semaphore, #tpu.memory_space<semaphore_mem>>
            %dma_start3A_34 = tpu.memref_slice %arg4[%mul3A_29] : memref<320000xi32, #tpu.memory_space<hbm>> -> memref<128xi32, #tpu.memory_space<hbm>>
            %dma_start3A_35 = tpu.memref_slice %arg4[%mul3A_29] : memref<320000xi32, #tpu.memory_space<hbm>> -> memref<128xi32, #tpu.memory_space<hbm>>
            tpu.enqueue_dma source(%dma_start3A_35 : memref<128xi32, #tpu.memory_space<hbm>>) target(%arg8 : memref<128xi32, #tpu.memory_space<vmem>>) target_semaphore(%run_scoped3A : memref<!tpu.dma_semaphore, #tpu.memory_space<semaphore_mem>>)
            %dma_wait3A_36 = tpu.memref_slice %arg4[%mul3A_29] : memref<320000xi32, #tpu.memory_space<hbm>> -> memref<128xi32, #tpu.memory_space<hbm>>
            %dma_wait3A_37 = tpu.memref_slice %arg4[%mul3A_29] : memref<320000xi32, #tpu.memory_space<hbm>> -> memref<128xi32, #tpu.memory_space<hbm>>
            tpu.wait_dma2 semaphore(%run_scoped3A : memref<!tpu.dma_semaphore, #tpu.memory_space<semaphore_mem>>) src(%dma_wait3A_37 : memref<128xi32, #tpu.memory_space<hbm>>) dst(%arg8 : memref<128xi32, #tpu.memory_space<vmem>>)
            tpu.yield
          }) : () -> ()
          %dma_start3A = arith.constant 0 : i32
          %dma_start3A_30 = arith.constant 0 : i32
          %dma_start3A_31 = tpu.memref_slice %arg10[%dma_start3A, %dma_start3A_30] : memref<10000x64xf32, #tpu.memory_space<vmem_shared>> -> memref<10000x64xf32, #tpu.memory_space<vmem_shared>>
          tpu.enqueue_indirect_dma source(%dma_start3A_31 : memref<10000x64xf32, #tpu.memory_space<vmem_shared>>) target(%arg9 : memref<128x64xf32, #tpu.memory_space<vmem>>) offsets(%arg8 : memref<128xi32, #tpu.memory_space<vmem>>) semaphore(%arg11 : memref<!tpu.dma_semaphore, #tpu.memory_space<semaphore_mem>>)
          %dma_wait3A = arith.constant 0 : i32
          %dma_wait3A_32 = arith.constant 0 : i32
          %dma_wait3A_33 = tpu.memref_slice %arg10[%dma_wait3A, %dma_wait3A_32] : memref<10000x64xf32, #tpu.memory_space<vmem_shared>> -> memref<10000x64xf32, #tpu.memory_space<vmem_shared>>
          tpu.wait_indirect_dma semaphore(%arg11 : memref<!tpu.dma_semaphore, #tpu.memory_space<semaphore_mem>>) src(%dma_wait3A_33 : memref<10000x64xf32, #tpu.memory_space<vmem_shared>>) dst(%arg9 : memref<128x64xf32, #tpu.memory_space<vmem>>)
          "tpu.region"() ({
            %run_scoped3A = tpu.sem_alloc : memref<!tpu.dma_semaphore, #tpu.memory_space<semaphore_mem>>
            %dma_start3A_34 = arith.constant 0 : i32
            %dma_start3A_35 = tpu.memref_slice %arg6[%mul3A_29, %dma_start3A_34] : memref<320000x64xf32, #tpu.memory_space<hbm>> -> memref<128x64xf32, #tpu.memory_space<hbm>>
            %dma_start3A_36 = arith.constant 0 : i32
            %dma_start3A_37 = tpu.memref_slice %arg6[%mul3A_29, %dma_start3A_36] : memref<320000x64xf32, #tpu.memory_space<hbm>> -> memref<128x64xf32, #tpu.memory_space<hbm>>
            tpu.enqueue_dma source(%arg9 : memref<128x64xf32, #tpu.memory_space<vmem>>) target(%dma_start3A_37 : memref<128x64xf32, #tpu.memory_space<hbm>>) target_semaphore(%run_scoped3A : memref<!tpu.dma_semaphore, #tpu.memory_space<semaphore_mem>>)
            %dma_wait3A_38 = arith.constant 0 : i32
            %dma_wait3A_39 = tpu.memref_slice %arg6[%mul3A_29, %dma_wait3A_38] : memref<320000x64xf32, #tpu.memory_space<hbm>> -> memref<128x64xf32, #tpu.memory_space<hbm>>
            %dma_wait3A_40 = arith.constant 0 : i32
            %dma_wait3A_41 = tpu.memref_slice %arg6[%mul3A_29, %dma_wait3A_40] : memref<320000x64xf32, #tpu.memory_space<hbm>> -> memref<128x64xf32, #tpu.memory_space<hbm>>
            tpu.wait_dma2 semaphore(%run_scoped3A : memref<!tpu.dma_semaphore, #tpu.memory_space<semaphore_mem>>) src(%arg9 : memref<128x64xf32, #tpu.memory_space<vmem>>) dst(%dma_wait3A_41 : memref<128x64xf32, #tpu.memory_space<hbm>>)
            tpu.yield
          }) : () -> ()
        } else {
        }
      }
      %scan3A_21 = arith.constant 157 : i32
    } else {
    }
    %eq3A_12 = arith.constant 1 : i32
    %eq3A_13 = arith.cmpi eq, %arg0, %eq3A_12 : i32
    %convert_element_type3A_14 = arith.extui %eq3A_13 : i1 to i32
    %cond3A_15 = arith.constant 0 : i32
    %cond3A_16 = arith.cmpi ne, %convert_element_type3A_14, %cond3A_15 : i32
    scf.if %cond3A_16 {
      %scan3A = arith.constant 0 : i32
      %scan3A_17 = arith.constant 0 : i32
      %scan3A_18 = arith.constant 157 : i32
      %scan3A_19 = arith.addi %scan3A_17, %scan3A_18 : i32
      %scan3A_20 = arith.constant 1 : i32
      scf.for %scan3A_22 = %scan3A_17 to %scan3A_19 step %scan3A_20  : i32 {
        %mul3A = arith.constant 16 : i32
        %mul3A_23 = arith.muli %scan3A_22, %mul3A : i32
        %add3A = arith.addi %mul3A_23, %arg1 : i32
        %lt3A = arith.constant 2500 : i32
        %lt3A_24 = arith.cmpi slt, %add3A, %lt3A : i32
        %convert_element_type3A_25 = arith.extui %lt3A_24 : i1 to i32
        %cond3A_26 = arith.constant 0 : i32
        %cond3A_27 = arith.cmpi ne, %convert_element_type3A_25, %cond3A_26 : i32
        scf.if %cond3A_27 {
          %mul3A_28 = arith.constant 128 : i32
          %mul3A_29 = arith.muli %add3A, %mul3A_28 : i32
          "tpu.region"() ({
            %run_scoped3A = tpu.sem_alloc : memref<!tpu.dma_semaphore, #tpu.memory_space<semaphore_mem>>
            %dma_start3A_34 = tpu.memref_slice %arg5[%mul3A_29] : memref<320000xi32, #tpu.memory_space<hbm>> -> memref<128xi32, #tpu.memory_space<hbm>>
            %dma_start3A_35 = tpu.memref_slice %arg5[%mul3A_29] : memref<320000xi32, #tpu.memory_space<hbm>> -> memref<128xi32, #tpu.memory_space<hbm>>
            tpu.enqueue_dma source(%dma_start3A_35 : memref<128xi32, #tpu.memory_space<hbm>>) target(%arg8 : memref<128xi32, #tpu.memory_space<vmem>>) target_semaphore(%run_scoped3A : memref<!tpu.dma_semaphore, #tpu.memory_space<semaphore_mem>>)
            %dma_wait3A_36 = tpu.memref_slice %arg5[%mul3A_29] : memref<320000xi32, #tpu.memory_space<hbm>> -> memref<128xi32, #tpu.memory_space<hbm>>
            %dma_wait3A_37 = tpu.memref_slice %arg5[%mul3A_29] : memref<320000xi32, #tpu.memory_space<hbm>> -> memref<128xi32, #tpu.memory_space<hbm>>
            tpu.wait_dma2 semaphore(%run_scoped3A : memref<!tpu.dma_semaphore, #tpu.memory_space<semaphore_mem>>) src(%dma_wait3A_37 : memref<128xi32, #tpu.memory_space<hbm>>) dst(%arg8 : memref<128xi32, #tpu.memory_space<vmem>>)
            tpu.yield
          }) : () -> ()
          %dma_start3A = arith.constant 0 : i32
          %dma_start3A_30 = arith.constant 0 : i32
          %dma_start3A_31 = tpu.memref_slice %arg10[%dma_start3A, %dma_start3A_30] : memref<10000x64xf32, #tpu.memory_space<vmem_shared>> -> memref<10000x64xf32, #tpu.memory_space<vmem_shared>>
          tpu.enqueue_indirect_dma source(%dma_start3A_31 : memref<10000x64xf32, #tpu.memory_space<vmem_shared>>) target(%arg9 : memref<128x64xf32, #tpu.memory_space<vmem>>) offsets(%arg8 : memref<128xi32, #tpu.memory_space<vmem>>) semaphore(%arg11 : memref<!tpu.dma_semaphore, #tpu.memory_space<semaphore_mem>>)
          %dma_wait3A = arith.constant 0 : i32
          %dma_wait3A_32 = arith.constant 0 : i32
          %dma_wait3A_33 = tpu.memref_slice %arg10[%dma_wait3A, %dma_wait3A_32] : memref<10000x64xf32, #tpu.memory_space<vmem_shared>> -> memref<10000x64xf32, #tpu.memory_space<vmem_shared>>
          tpu.wait_indirect_dma semaphore(%arg11 : memref<!tpu.dma_semaphore, #tpu.memory_space<semaphore_mem>>) src(%dma_wait3A_33 : memref<10000x64xf32, #tpu.memory_space<vmem_shared>>) dst(%arg9 : memref<128x64xf32, #tpu.memory_space<vmem>>)
          "tpu.region"() ({
            %run_scoped3A = tpu.sem_alloc : memref<!tpu.dma_semaphore, #tpu.memory_space<semaphore_mem>>
            %dma_start3A_34 = arith.constant 0 : i32
            %dma_start3A_35 = tpu.memref_slice %arg7[%mul3A_29, %dma_start3A_34] : memref<320000x64xf32, #tpu.memory_space<hbm>> -> memref<128x64xf32, #tpu.memory_space<hbm>>
            %dma_start3A_36 = arith.constant 0 : i32
            %dma_start3A_37 = tpu.memref_slice %arg7[%mul3A_29, %dma_start3A_36] : memref<320000x64xf32, #tpu.memory_space<hbm>> -> memref<128x64xf32, #tpu.memory_space<hbm>>
            tpu.enqueue_dma source(%arg9 : memref<128x64xf32, #tpu.memory_space<vmem>>) target(%dma_start3A_37 : memref<128x64xf32, #tpu.memory_space<hbm>>) target_semaphore(%run_scoped3A : memref<!tpu.dma_semaphore, #tpu.memory_space<semaphore_mem>>)
            %dma_wait3A_38 = arith.constant 0 : i32
            %dma_wait3A_39 = tpu.memref_slice %arg7[%mul3A_29, %dma_wait3A_38] : memref<320000x64xf32, #tpu.memory_space<hbm>> -> memref<128x64xf32, #tpu.memory_space<hbm>>
            %dma_wait3A_40 = arith.constant 0 : i32
            %dma_wait3A_41 = tpu.memref_slice %arg7[%mul3A_29, %dma_wait3A_40] : memref<320000x64xf32, #tpu.memory_space<hbm>> -> memref<128x64xf32, #tpu.memory_space<hbm>>
            tpu.wait_dma2 semaphore(%run_scoped3A : memref<!tpu.dma_semaphore, #tpu.memory_space<semaphore_mem>>) src(%arg9 : memref<128x64xf32, #tpu.memory_space<vmem>>) dst(%dma_wait3A_41 : memref<128x64xf32, #tpu.memory_space<hbm>>)
            tpu.yield
          }) : () -> ()
        } else {
        }
      }
      %scan3A_21 = arith.constant 157 : i32
    } else {
    }
    return
  }
}

module attributes {stable_mosaic.version = 14 : i64} {
  func.func @_node_enc_kern(%arg0: i32, %arg1: memref<2000x12xf32, #tpu.memory_space<vmem>>, %arg2: memref<2000x1xi32, #tpu.memory_space<vmem>>, %arg3: memref<16x16xf32, #tpu.memory_space<vmem>>, %arg4: memref<32x64xf32, #tpu.memory_space<vmem>>, %arg5: memref<1x64xf32, #tpu.memory_space<vmem>>, %arg6: memref<64x64xf32, #tpu.memory_space<vmem>>, %arg7: memref<1x64xf32, #tpu.memory_space<vmem>>, %arg8: memref<64x64xf32, #tpu.memory_space<vmem>>, %arg9: memref<1x64xf32, #tpu.memory_space<vmem>>, %arg10: memref<64x64xf32, #tpu.memory_space<vmem>>, %arg11: memref<64x64xf32, #tpu.memory_space<vmem>>, %arg12: memref<2000x64xf32, #tpu.memory_space<vmem>>, %arg13: memref<2000x64xf32, #tpu.memory_space<vmem>>, %arg14: memref<2000x64xf32, #tpu.memory_space<vmem>>) attributes {dimension_semantics = [#tpu.dimension_semantics<arbitrary>], iteration_bounds = array<i64: 5>, scalar_prefetch = 0 : i64, scratch_operands = 0 : i64, tpu.core_type = #tpu.core_type<tc>, window_params = [{transform_indices = @transform_0, window_bounds = array<i64: 2000, 12>}, {transform_indices = @transform_1, window_bounds = array<i64: 2000, 1>}, {pipeline_mode = #tpu.pipeline_mode<synchronous>, transform_indices = @transform_2, window_bounds = array<i64: 16, 16>}, {pipeline_mode = #tpu.pipeline_mode<synchronous>, transform_indices = @transform_3, window_bounds = array<i64: 32, 64>}, {pipeline_mode = #tpu.pipeline_mode<synchronous>, transform_indices = @transform_4, window_bounds = array<i64: 1, 64>}, {pipeline_mode = #tpu.pipeline_mode<synchronous>, transform_indices = @transform_5, window_bounds = array<i64: 64, 64>}, {pipeline_mode = #tpu.pipeline_mode<synchronous>, transform_indices = @transform_6, window_bounds = array<i64: 1, 64>}, {pipeline_mode = #tpu.pipeline_mode<synchronous>, transform_indices = @transform_7, window_bounds = array<i64: 64, 64>}, {pipeline_mode = #tpu.pipeline_mode<synchronous>, transform_indices = @transform_8, window_bounds = array<i64: 1, 64>}, {pipeline_mode = #tpu.pipeline_mode<synchronous>, transform_indices = @transform_9, window_bounds = array<i64: 64, 64>}, {pipeline_mode = #tpu.pipeline_mode<synchronous>, transform_indices = @transform_10, window_bounds = array<i64: 64, 64>}, {transform_indices = @transform_11, window_bounds = array<i64: 2000, 64>}, {transform_indices = @transform_12, window_bounds = array<i64: 2000, 64>}, {transform_indices = @transform_13, window_bounds = array<i64: 2000, 64>}]} {
    %get3A = arith.constant 0 : index
    %get3A_0 = arith.constant 0 : index
    %get3A_1 = vector.load %arg1[%get3A, %get3A_0] : memref<2000x12xf32, #tpu.memory_space<vmem>>, vector<2000x12xf32>
    %slice3A = vector.extract_strided_slice %get3A_1 {offsets = [0, 2], sizes = [2000, 10], strides = [1, 1]} : vector<2000x12xf32> to vector<2000x10xf32>
    %slice3A_2 = vector.extract_strided_slice %get3A_1 {offsets = [0, 0], sizes = [2000, 10], strides = [1, 1]} : vector<2000x12xf32> to vector<2000x10xf32>
    %sub3A = arith.subf %slice3A, %slice3A_2 : vector<2000x10xf32>
    %slice3A_3 = vector.extract_strided_slice %get3A_1 {offsets = [0, 10], sizes = [2000, 2], strides = [1, 1]} : vector<2000x12xf32> to vector<2000x2xf32>
    %sub3A_4 = arith.constant 1.000000e+00 : f32
    %sub3A_5 = vector.broadcast %sub3A_4 : f32 to vector<2000x2xf32>
    %sub3A_6 = arith.subf %sub3A_5, %slice3A_3 : vector<2000x2xf32>
    %concatenate3A = tpu.concatenate %slice3A_3, %sub3A_6 in 1 : vector<2000x2xf32>, vector<2000x2xf32> -> vector<2000x4xf32>
    %mul3A = arith.constant 66.6666641 : f32
    %mul3A_7 = vector.broadcast %mul3A : f32 to vector<2000x4xf32>
    %mul3A_8 = arith.mulf %concatenate3A, %mul3A_7 : vector<2000x4xf32>
    %min3A = arith.constant 1.000000e+00 : f32
    %min3A_9 = vector.broadcast %min3A : f32 to vector<2000x4xf32>
    %min3A_10 = arith.minimumf %mul3A_8, %min3A_9 : vector<2000x4xf32>
    %get3A_11 = arith.constant 0 : index
    %get3A_12 = arith.constant 0 : index
    %get3A_13 = vector.load %arg2[%get3A_11, %get3A_12] : memref<2000x1xi32, #tpu.memory_space<vmem>>, vector<2000x1xi32>
    %iota3A = tpu.iota {dimensions = array<i32: 1>} : vector<2000x16xi32>
    %eq3A = vector.broadcast %get3A_13 : vector<2000x1xi32> to vector<2000x16xi32>
    %eq3A_14 = arith.cmpi eq, %eq3A, %iota3A : vector<2000x16xi32>
    %convert_element_type3A = arith.extui %eq3A_14 : vector<2000x16xi1> to vector<2000x16xi32>
    %convert_element_type3A_15 = arith.sitofp %convert_element_type3A : vector<2000x16xi32> to vector<2000x16xf32>
    %get3A_16 = arith.constant 0 : index
    %get3A_17 = arith.constant 0 : index
    %get3A_18 = vector.load %arg3[%get3A_16, %get3A_17] : memref<16x16xf32, #tpu.memory_space<vmem>>, vector<16x16xf32>
    %dot_general3A = arith.constant dense<0.000000e+00> : vector<2000x16xf32>
    %dot_general3A_19 = tpu.matmul %convert_element_type3A_15, %get3A_18, %dot_general3A {dimension_numbers = #tpu.dot_dimension_numbers<[1], [0], [0], [1], [0, 0, 1, 1], [], []>, transpose_lhs_hint = false} : vector<2000x16xf32>, vector<16x16xf32>, vector<2000x16xf32> -> vector<2000x16xf32>
    %broadcast_in_dim3A = arith.constant 0.000000e+00 : f32
    %broadcast_in_dim3A_20 = vector.broadcast %broadcast_in_dim3A : f32 to vector<2000x2xf32>
    %concatenate3A_21 = tpu.concatenate %sub3A, %min3A_10, %dot_general3A_19, %broadcast_in_dim3A_20 in 1 : vector<2000x10xf32>, vector<2000x4xf32>, vector<2000x16xf32>, vector<2000x2xf32> -> vector<2000x32xf32>
    %get3A_22 = arith.constant 0 : index
    %get3A_23 = arith.constant 0 : index
    %get3A_24 = vector.load %arg4[%get3A_22, %get3A_23] : memref<32x64xf32, #tpu.memory_space<vmem>>, vector<32x64xf32>
    %dot_general3A_25 = arith.constant dense<0.000000e+00> : vector<2000x64xf32>
    %dot_general3A_26 = tpu.matmul %concatenate3A_21, %get3A_24, %dot_general3A_25 {dimension_numbers = #tpu.dot_dimension_numbers<[1], [0], [0], [1], [0, 0, 1, 1], [], []>, transpose_lhs_hint = false} : vector<2000x32xf32>, vector<32x64xf32>, vector<2000x64xf32> -> vector<2000x64xf32>
    %get3A_27 = arith.constant 0 : index
    %get3A_28 = arith.constant 0 : index
    %get3A_29 = vector.load %arg5[%get3A_27, %get3A_28] : memref<1x64xf32, #tpu.memory_space<vmem>>, vector<1x64xf32>
    %add3A = vector.broadcast %get3A_29 : vector<1x64xf32> to vector<2000x64xf32>
    %add3A_30 = arith.addf %dot_general3A_26, %add3A : vector<2000x64xf32>
    %max3A = arith.constant 0.000000e+00 : f32
    %max3A_31 = vector.broadcast %max3A : f32 to vector<2000x64xf32>
    %max3A_32 = arith.maximumf %add3A_30, %max3A_31 : vector<2000x64xf32>
    %get3A_33 = arith.constant 0 : index
    %get3A_34 = arith.constant 0 : index
    %get3A_35 = vector.load %arg6[%get3A_33, %get3A_34] : memref<64x64xf32, #tpu.memory_space<vmem>>, vector<64x64xf32>
    %dot_general3A_36 = arith.constant dense<0.000000e+00> : vector<2000x64xf32>
    %dot_general3A_37 = tpu.matmul %max3A_32, %get3A_35, %dot_general3A_36 {dimension_numbers = #tpu.dot_dimension_numbers<[1], [0], [0], [1], [0, 0, 1, 1], [], []>, transpose_lhs_hint = false} : vector<2000x64xf32>, vector<64x64xf32>, vector<2000x64xf32> -> vector<2000x64xf32>
    %get3A_38 = arith.constant 0 : index
    %get3A_39 = arith.constant 0 : index
    %get3A_40 = vector.load %arg7[%get3A_38, %get3A_39] : memref<1x64xf32, #tpu.memory_space<vmem>>, vector<1x64xf32>
    %add3A_41 = vector.broadcast %get3A_40 : vector<1x64xf32> to vector<2000x64xf32>
    %add3A_42 = arith.addf %dot_general3A_37, %add3A_41 : vector<2000x64xf32>
    %max3A_43 = arith.constant 0.000000e+00 : f32
    %max3A_44 = vector.broadcast %max3A_43 : f32 to vector<2000x64xf32>
    %max3A_45 = arith.maximumf %add3A_42, %max3A_44 : vector<2000x64xf32>
    %get3A_46 = arith.constant 0 : index
    %get3A_47 = arith.constant 0 : index
    %get3A_48 = vector.load %arg8[%get3A_46, %get3A_47] : memref<64x64xf32, #tpu.memory_space<vmem>>, vector<64x64xf32>
    %dot_general3A_49 = arith.constant dense<0.000000e+00> : vector<2000x64xf32>
    %dot_general3A_50 = tpu.matmul %max3A_45, %get3A_48, %dot_general3A_49 {dimension_numbers = #tpu.dot_dimension_numbers<[1], [0], [0], [1], [0, 0, 1, 1], [], []>, transpose_lhs_hint = false} : vector<2000x64xf32>, vector<64x64xf32>, vector<2000x64xf32> -> vector<2000x64xf32>
    %get3A_51 = arith.constant 0 : index
    %get3A_52 = arith.constant 0 : index
    %get3A_53 = vector.load %arg9[%get3A_51, %get3A_52] : memref<1x64xf32, #tpu.memory_space<vmem>>, vector<1x64xf32>
    %add3A_54 = vector.broadcast %get3A_53 : vector<1x64xf32> to vector<2000x64xf32>
    %add3A_55 = arith.addf %dot_general3A_50, %add3A_54 : vector<2000x64xf32>
    %swap3A = arith.constant 0 : index
    %swap3A_56 = arith.constant 0 : index
    %swap3A_57 = vector.load %arg12[%swap3A, %swap3A_56] : memref<2000x64xf32, #tpu.memory_space<vmem>>, vector<2000x64xf32>
    tpu.vector_store %arg12[%swap3A, %swap3A_56], %add3A_55 {strides = array<i32>} : memref<2000x64xf32, #tpu.memory_space<vmem>>, vector<2000x64xf32>,
    %get3A_58 = arith.constant 0 : index
    %get3A_59 = arith.constant 0 : index
    %get3A_60 = vector.load %arg10[%get3A_58, %get3A_59] : memref<64x64xf32, #tpu.memory_space<vmem>>, vector<64x64xf32>
    %dot_general3A_61 = arith.constant dense<0.000000e+00> : vector<2000x64xf32>
    %dot_general3A_62 = tpu.matmul %add3A_55, %get3A_60, %dot_general3A_61 {dimension_numbers = #tpu.dot_dimension_numbers<[1], [0], [0], [1], [0, 0, 1, 1], [], []>, transpose_lhs_hint = false} : vector<2000x64xf32>, vector<64x64xf32>, vector<2000x64xf32> -> vector<2000x64xf32>
    %swap3A_63 = arith.constant 0 : index
    %swap3A_64 = arith.constant 0 : index
    %swap3A_65 = vector.load %arg13[%swap3A_63, %swap3A_64] : memref<2000x64xf32, #tpu.memory_space<vmem>>, vector<2000x64xf32>
    tpu.vector_store %arg13[%swap3A_63, %swap3A_64], %dot_general3A_62 {strides = array<i32>} : memref<2000x64xf32, #tpu.memory_space<vmem>>, vector<2000x64xf32>,
    %get3A_66 = arith.constant 0 : index
    %get3A_67 = arith.constant 0 : index
    %get3A_68 = vector.load %arg11[%get3A_66, %get3A_67] : memref<64x64xf32, #tpu.memory_space<vmem>>, vector<64x64xf32>
    %dot_general3A_69 = arith.constant dense<0.000000e+00> : vector<2000x64xf32>
    %dot_general3A_70 = tpu.matmul %add3A_55, %get3A_68, %dot_general3A_69 {dimension_numbers = #tpu.dot_dimension_numbers<[1], [0], [0], [1], [0, 0, 1, 1], [], []>, transpose_lhs_hint = false} : vector<2000x64xf32>, vector<64x64xf32>, vector<2000x64xf32> -> vector<2000x64xf32>
    %swap3A_71 = arith.constant 0 : index
    %swap3A_72 = arith.constant 0 : index
    %swap3A_73 = vector.load %arg14[%swap3A_71, %swap3A_72] : memref<2000x64xf32, #tpu.memory_space<vmem>>, vector<2000x64xf32>
    tpu.vector_store %arg14[%swap3A_71, %swap3A_72], %dot_general3A_70 {strides = array<i32>} : memref<2000x64xf32, #tpu.memory_space<vmem>>, vector<2000x64xf32>,
    return
  }
  func.func @transform_0(%arg0: i32) -> (i32, i32) {
    %c0_i32 = arith.constant 0 : i32
    %c0_i32_0 = arith.constant 0 : i32
    return %arg0, %c0_i32 : i32, i32
  }
  func.func @transform_1(%arg0: i32) -> (i32, i32) {
    %c0_i32 = arith.constant 0 : i32
    %c0_i32_0 = arith.constant 0 : i32
    return %arg0, %c0_i32 : i32, i32
  }
  func.func @transform_2(%arg0: i32) -> (i32, i32) {
    %c0_i32 = arith.constant 0 : i32
    %c0_i32_0 = arith.constant 0 : i32
    %c0_i32_1 = arith.constant 0 : i32
    return %c0_i32, %c0_i32_0 : i32, i32
  }
  func.func @transform_3(%arg0: i32) -> (i32, i32) {
    %c0_i32 = arith.constant 0 : i32
    %c0_i32_0 = arith.constant 0 : i32
    %c0_i32_1 = arith.constant 0 : i32
    return %c0_i32, %c0_i32_0 : i32, i32
  }
  func.func @transform_4(%arg0: i32) -> (i32, i32) {
    %c0_i32 = arith.constant 0 : i32
    %c0_i32_0 = arith.constant 0 : i32
    %c0_i32_1 = arith.constant 0 : i32
    return %c0_i32, %c0_i32_0 : i32, i32
  }
  func.func @transform_5(%arg0: i32) -> (i32, i32) {
    %c0_i32 = arith.constant 0 : i32
    %c0_i32_0 = arith.constant 0 : i32
    %c0_i32_1 = arith.constant 0 : i32
    return %c0_i32, %c0_i32_0 : i32, i32
  }
  func.func @transform_6(%arg0: i32) -> (i32, i32) {
    %c0_i32 = arith.constant 0 : i32
    %c0_i32_0 = arith.constant 0 : i32
    %c0_i32_1 = arith.constant 0 : i32
    return %c0_i32, %c0_i32_0 : i32, i32
  }
  func.func @transform_7(%arg0: i32) -> (i32, i32) {
    %c0_i32 = arith.constant 0 : i32
    %c0_i32_0 = arith.constant 0 : i32
    %c0_i32_1 = arith.constant 0 : i32
    return %c0_i32, %c0_i32_0 : i32, i32
  }
  func.func @transform_8(%arg0: i32) -> (i32, i32) {
    %c0_i32 = arith.constant 0 : i32
    %c0_i32_0 = arith.constant 0 : i32
    %c0_i32_1 = arith.constant 0 : i32
    return %c0_i32, %c0_i32_0 : i32, i32
  }
  func.func @transform_9(%arg0: i32) -> (i32, i32) {
    %c0_i32 = arith.constant 0 : i32
    %c0_i32_0 = arith.constant 0 : i32
    %c0_i32_1 = arith.constant 0 : i32
    return %c0_i32, %c0_i32_0 : i32, i32
  }
  func.func @transform_10(%arg0: i32) -> (i32, i32) {
    %c0_i32 = arith.constant 0 : i32
    %c0_i32_0 = arith.constant 0 : i32
    %c0_i32_1 = arith.constant 0 : i32
    return %c0_i32, %c0_i32_0 : i32, i32
  }
  func.func @transform_11(%arg0: i32) -> (i32, i32) {
    %c0_i32 = arith.constant 0 : i32
    %c0_i32_0 = arith.constant 0 : i32
    return %arg0, %c0_i32 : i32, i32
  }
  func.func @transform_12(%arg0: i32) -> (i32, i32) {
    %c0_i32 = arith.constant 0 : i32
    %c0_i32_0 = arith.constant 0 : i32
    return %arg0, %c0_i32 : i32, i32
  }
  func.func @transform_13(%arg0: i32) -> (i32, i32) {
    %c0_i32 = arith.constant 0 : i32
    %c0_i32_0 = arith.constant 0 : i32
    return %arg0, %c0_i32 : i32, i32
  }
}

module attributes {stable_mosaic.version = 14 : i64} {
  func.func @_edge1_kern(%arg0: i32, %arg1: memref<4000x64xf32, #tpu.memory_space<vmem>>, %arg2: memref<4000x64xf32, #tpu.memory_space<vmem>>, %arg3: memref<4000x1xf32, #tpu.memory_space<vmem>>, %arg4: memref<4000x1xf32, #tpu.memory_space<vmem>>, %arg5: memref<4000x1xf32, #tpu.memory_space<vmem>>, %arg6: memref<3x64xf32, #tpu.memory_space<vmem>>, %arg7: memref<1x64xf32, #tpu.memory_space<vmem>>, %arg8: memref<64x64xf32, #tpu.memory_space<vmem>>, %arg9: memref<1x64xf32, #tpu.memory_space<vmem>>, %arg10: memref<64x64xf32, #tpu.memory_space<vmem>>, %arg11: memref<1x64xf32, #tpu.memory_space<vmem>>, %arg12: memref<64x64xf32, #tpu.memory_space<vmem>>, %arg13: memref<1x64xf32, #tpu.memory_space<vmem>>, %arg14: memref<64x64xf32, #tpu.memory_space<vmem>>, %arg15: memref<1x64xf32, #tpu.memory_space<vmem>>, %arg16: memref<64x64xf32, #tpu.memory_space<vmem>>, %arg17: memref<1x64xf32, #tpu.memory_space<vmem>>, %arg18: memref<4000x64xf32, #tpu.memory_space<vmem>>) attributes {dimension_semantics = [#tpu.dimension_semantics<arbitrary>], iteration_bounds = array<i64: 80>, scalar_prefetch = 0 : i64, scratch_operands = 0 : i64, tpu.core_type = #tpu.core_type<tc>, window_params = [{transform_indices = @transform_0, window_bounds = array<i64: 4000, 64>}, {transform_indices = @transform_1, window_bounds = array<i64: 4000, 64>}, {transform_indices = @transform_2, window_bounds = array<i64: 4000, 1>}, {transform_indices = @transform_3, window_bounds = array<i64: 4000, 1>}, {transform_indices = @transform_4, window_bounds = array<i64: 4000, 1>}, {pipeline_mode = #tpu.pipeline_mode<synchronous>, transform_indices = @transform_5, window_bounds = array<i64: 3, 64>}, {pipeline_mode = #tpu.pipeline_mode<synchronous>, transform_indices = @transform_6, window_bounds = array<i64: 1, 64>}, {pipeline_mode = #tpu.pipeline_mode<synchronous>, transform_indices = @transform_7, window_bounds = array<i64: 64, 64>}, {pipeline_mode = #tpu.pipeline_mode<synchronous>, transform_indices = @transform_8, window_bounds = array<i64: 1, 64>}, {pipeline_mode = #tpu.pipeline_mode<synchronous>, transform_indices = @transform_9, window_bounds = array<i64: 64, 64>}, {pipeline_mode = #tpu.pipeline_mode<synchronous>, transform_indices = @transform_10, window_bounds = array<i64: 1, 64>}, {pipeline_mode = #tpu.pipeline_mode<synchronous>, transform_indices = @transform_11, window_bounds = array<i64: 64, 64>}, {pipeline_mode = #tpu.pipeline_mode<synchronous>, transform_indices = @transform_12, window_bounds = array<i64: 1, 64>}, {pipeline_mode = #tpu.pipeline_mode<synchronous>, transform_indices = @transform_13, window_bounds = array<i64: 64, 64>}, {pipeline_mode = #tpu.pipeline_mode<synchronous>, transform_indices = @transform_14, window_bounds = array<i64: 1, 64>}, {pipeline_mode = #tpu.pipeline_mode<synchronous>, transform_indices = @transform_15, window_bounds = array<i64: 64, 64>}, {pipeline_mode = #tpu.pipeline_mode<synchronous>, transform_indices = @transform_16, window_bounds = array<i64: 1, 64>}, {transform_indices = @transform_17, window_bounds = array<i64: 4000, 64>}]} {
    %get3A = arith.constant 0 : index
    %get3A_0 = arith.constant 0 : index
    %get3A_1 = vector.load %arg5[%get3A, %get3A_0] : memref<4000x1xf32, #tpu.memory_space<vmem>>, vector<4000x1xf32>
    %sqrt3A = math.sqrt %get3A_1 : vector<4000x1xf32>
    %get3A_2 = arith.constant 0 : index
    %get3A_3 = arith.constant 0 : index
    %get3A_4 = vector.load %arg6[%get3A_2, %get3A_3] : memref<3x64xf32, #tpu.memory_space<vmem>>, vector<3x64xf32>
    %get3A_5 = arith.constant 0 : index
    %get3A_6 = arith.constant 0 : index
    %get3A_7 = vector.load %arg3[%get3A_5, %get3A_6] : memref<4000x1xf32, #tpu.memory_space<vmem>>, vector<4000x1xf32>
    %slice3A = vector.extract_strided_slice %get3A_4 {offsets = [0, 0], sizes = [1, 64], strides = [1, 1]} : vector<3x64xf32> to vector<1x64xf32>
    %mul3A = vector.broadcast %get3A_7 : vector<4000x1xf32> to vector<4000x64xf32>
    %mul3A_8 = vector.broadcast %slice3A : vector<1x64xf32> to vector<4000x64xf32>
    %mul3A_9 = arith.mulf %mul3A, %mul3A_8 : vector<4000x64xf32>
    %get3A_10 = arith.constant 0 : index
    %get3A_11 = arith.constant 0 : index
    %get3A_12 = vector.load %arg4[%get3A_10, %get3A_11] : memref<4000x1xf32, #tpu.memory_space<vmem>>, vector<4000x1xf32>
    %slice3A_13 = vector.extract_strided_slice %get3A_4 {offsets = [1, 0], sizes = [1, 64], strides = [1, 1]} : vector<3x64xf32> to vector<1x64xf32>
    %mul3A_14 = vector.broadcast %get3A_12 : vector<4000x1xf32> to vector<4000x64xf32>
    %mul3A_15 = vector.broadcast %slice3A_13 : vector<1x64xf32> to vector<4000x64xf32>
    %mul3A_16 = arith.mulf %mul3A_14, %mul3A_15 : vector<4000x64xf32>
    %add3A = arith.addf %mul3A_9, %mul3A_16 : vector<4000x64xf32>
    %slice3A_17 = vector.extract_strided_slice %get3A_4 {offsets = [2, 0], sizes = [1, 64], strides = [1, 1]} : vector<3x64xf32> to vector<1x64xf32>
    %mul3A_18 = vector.broadcast %sqrt3A : vector<4000x1xf32> to vector<4000x64xf32>
    %mul3A_19 = vector.broadcast %slice3A_17 : vector<1x64xf32> to vector<4000x64xf32>
    %mul3A_20 = arith.mulf %mul3A_18, %mul3A_19 : vector<4000x64xf32>
    %add3A_21 = arith.addf %add3A, %mul3A_20 : vector<4000x64xf32>
    %get3A_22 = arith.constant 0 : index
    %get3A_23 = arith.constant 0 : index
    %get3A_24 = vector.load %arg7[%get3A_22, %get3A_23] : memref<1x64xf32, #tpu.memory_space<vmem>>, vector<1x64xf32>
    %add3A_25 = vector.broadcast %get3A_24 : vector<1x64xf32> to vector<4000x64xf32>
    %add3A_26 = arith.addf %add3A_21, %add3A_25 : vector<4000x64xf32>
    %max3A = arith.constant 0.000000e+00 : f32
    %max3A_27 = vector.broadcast %max3A : f32 to vector<4000x64xf32>
    %max3A_28 = arith.maximumf %add3A_26, %max3A_27 : vector<4000x64xf32>
    %get3A_29 = arith.constant 0 : index
    %get3A_30 = arith.constant 0 : index
    %get3A_31 = vector.load %arg8[%get3A_29, %get3A_30] : memref<64x64xf32, #tpu.memory_space<vmem>>, vector<64x64xf32>
    %dot_general3A = arith.constant dense<0.000000e+00> : vector<4000x64xf32>
    %dot_general3A_32 = tpu.matmul %max3A_28, %get3A_31, %dot_general3A {dimension_numbers = #tpu.dot_dimension_numbers<[1], [0], [0], [1], [0, 0, 1, 1], [], []>, transpose_lhs_hint = false} : vector<4000x64xf32>, vector<64x64xf32>, vector<4000x64xf32> -> vector<4000x64xf32>
    %get3A_33 = arith.constant 0 : index
    %get3A_34 = arith.constant 0 : index
    %get3A_35 = vector.load %arg9[%get3A_33, %get3A_34] : memref<1x64xf32, #tpu.memory_space<vmem>>, vector<1x64xf32>
    %add3A_36 = vector.broadcast %get3A_35 : vector<1x64xf32> to vector<4000x64xf32>
    %add3A_37 = arith.addf %dot_general3A_32, %add3A_36 : vector<4000x64xf32>
    %max3A_38 = arith.constant 0.000000e+00 : f32
    %max3A_39 = vector.broadcast %max3A_38 : f32 to vector<4000x64xf32>
    %max3A_40 = arith.maximumf %add3A_37, %max3A_39 : vector<4000x64xf32>
    %get3A_41 = arith.constant 0 : index
    %get3A_42 = arith.constant 0 : index
    %get3A_43 = vector.load %arg10[%get3A_41, %get3A_42] : memref<64x64xf32, #tpu.memory_space<vmem>>, vector<64x64xf32>
    %dot_general3A_44 = arith.constant dense<0.000000e+00> : vector<4000x64xf32>
    %dot_general3A_45 = tpu.matmul %max3A_40, %get3A_43, %dot_general3A_44 {dimension_numbers = #tpu.dot_dimension_numbers<[1], [0], [0], [1], [0, 0, 1, 1], [], []>, transpose_lhs_hint = false} : vector<4000x64xf32>, vector<64x64xf32>, vector<4000x64xf32> -> vector<4000x64xf32>
    %get3A_46 = arith.constant 0 : index
    %get3A_47 = arith.constant 0 : index
    %get3A_48 = vector.load %arg11[%get3A_46, %get3A_47] : memref<1x64xf32, #tpu.memory_space<vmem>>, vector<1x64xf32>
    %add3A_49 = vector.broadcast %get3A_48 : vector<1x64xf32> to vector<4000x64xf32>
    %add3A_50 = arith.addf %dot_general3A_45, %add3A_49 : vector<4000x64xf32>
    %get3A_51 = arith.constant 0 : index
    %get3A_52 = arith.constant 0 : index
    %get3A_53 = vector.load %arg12[%get3A_51, %get3A_52] : memref<64x64xf32, #tpu.memory_space<vmem>>, vector<64x64xf32>
    %dot_general3A_54 = arith.constant dense<0.000000e+00> : vector<4000x64xf32>
    %dot_general3A_55 = tpu.matmul %add3A_50, %get3A_53, %dot_general3A_54 {dimension_numbers = #tpu.dot_dimension_numbers<[1], [0], [0], [1], [0, 0, 1, 1], [], []>, transpose_lhs_hint = false} : vector<4000x64xf32>, vector<64x64xf32>, vector<4000x64xf32> -> vector<4000x64xf32>
    %get3A_56 = arith.constant 0 : index
    %get3A_57 = arith.constant 0 : index
    %get3A_58 = vector.load %arg1[%get3A_56, %get3A_57] : memref<4000x64xf32, #tpu.memory_space<vmem>>, vector<4000x64xf32>
    %add3A_59 = arith.addf %dot_general3A_55, %get3A_58 : vector<4000x64xf32>
    %get3A_60 = arith.constant 0 : index
    %get3A_61 = arith.constant 0 : index
    %get3A_62 = vector.load %arg2[%get3A_60, %get3A_61] : memref<4000x64xf32, #tpu.memory_space<vmem>>, vector<4000x64xf32>
    %add3A_63 = arith.addf %add3A_59, %get3A_62 : vector<4000x64xf32>
    %get3A_64 = arith.constant 0 : index
    %get3A_65 = arith.constant 0 : index
    %get3A_66 = vector.load %arg13[%get3A_64, %get3A_65] : memref<1x64xf32, #tpu.memory_space<vmem>>, vector<1x64xf32>
    %add3A_67 = vector.broadcast %get3A_66 : vector<1x64xf32> to vector<4000x64xf32>
    %add3A_68 = arith.addf %add3A_63, %add3A_67 : vector<4000x64xf32>
    %max3A_69 = arith.constant 0.000000e+00 : f32
    %max3A_70 = vector.broadcast %max3A_69 : f32 to vector<4000x64xf32>
    %max3A_71 = arith.maximumf %add3A_68, %max3A_70 : vector<4000x64xf32>
    %get3A_72 = arith.constant 0 : index
    %get3A_73 = arith.constant 0 : index
    %get3A_74 = vector.load %arg14[%get3A_72, %get3A_73] : memref<64x64xf32, #tpu.memory_space<vmem>>, vector<64x64xf32>
    %dot_general3A_75 = arith.constant dense<0.000000e+00> : vector<4000x64xf32>
    %dot_general3A_76 = tpu.matmul %max3A_71, %get3A_74, %dot_general3A_75 {dimension_numbers = #tpu.dot_dimension_numbers<[1], [0], [0], [1], [0, 0, 1, 1], [], []>, transpose_lhs_hint = false} : vector<4000x64xf32>, vector<64x64xf32>, vector<4000x64xf32> -> vector<4000x64xf32>
    %get3A_77 = arith.constant 0 : index
    %get3A_78 = arith.constant 0 : index
    %get3A_79 = vector.load %arg15[%get3A_77, %get3A_78] : memref<1x64xf32, #tpu.memory_space<vmem>>, vector<1x64xf32>
    %add3A_80 = vector.broadcast %get3A_79 : vector<1x64xf32> to vector<4000x64xf32>
    %add3A_81 = arith.addf %dot_general3A_76, %add3A_80 : vector<4000x64xf32>
    %max3A_82 = arith.constant 0.000000e+00 : f32
    %max3A_83 = vector.broadcast %max3A_82 : f32 to vector<4000x64xf32>
    %max3A_84 = arith.maximumf %add3A_81, %max3A_83 : vector<4000x64xf32>
    %get3A_85 = arith.constant 0 : index
    %get3A_86 = arith.constant 0 : index
    %get3A_87 = vector.load %arg16[%get3A_85, %get3A_86] : memref<64x64xf32, #tpu.memory_space<vmem>>, vector<64x64xf32>
    %dot_general3A_88 = arith.constant dense<0.000000e+00> : vector<4000x64xf32>
    %dot_general3A_89 = tpu.matmul %max3A_84, %get3A_87, %dot_general3A_88 {dimension_numbers = #tpu.dot_dimension_numbers<[1], [0], [0], [1], [0, 0, 1, 1], [], []>, transpose_lhs_hint = false} : vector<4000x64xf32>, vector<64x64xf32>, vector<4000x64xf32> -> vector<4000x64xf32>
    %add3A_90 = arith.addf %add3A_50, %dot_general3A_89 : vector<4000x64xf32>
    %get3A_91 = arith.constant 0 : index
    %get3A_92 = arith.constant 0 : index
    %get3A_93 = vector.load %arg17[%get3A_91, %get3A_92] : memref<1x64xf32, #tpu.memory_space<vmem>>, vector<1x64xf32>
    %add3A_94 = vector.broadcast %get3A_93 : vector<1x64xf32> to vector<4000x64xf32>
    %add3A_95 = arith.addf %add3A_90, %add3A_94 : vector<4000x64xf32>
    %swap3A = arith.constant 0 : index
    %swap3A_96 = arith.constant 0 : index
    %swap3A_97 = vector.load %arg18[%swap3A, %swap3A_96] : memref<4000x64xf32, #tpu.memory_space<vmem>>, vector<4000x64xf32>
    tpu.vector_store %arg18[%swap3A, %swap3A_96], %add3A_95 {strides = array<i32>} : memref<4000x64xf32, #tpu.memory_space<vmem>>, vector<4000x64xf32>,
    return
  }
  func.func @transform_0(%arg0: i32) -> (i32, i32) {
    %c0_i32 = arith.constant 0 : i32
    %c0_i32_0 = arith.constant 0 : i32
    return %arg0, %c0_i32 : i32, i32
  }
  func.func @transform_1(%arg0: i32) -> (i32, i32) {
    %c0_i32 = arith.constant 0 : i32
    %c0_i32_0 = arith.constant 0 : i32
    return %arg0, %c0_i32 : i32, i32
  }
  func.func @transform_2(%arg0: i32) -> (i32, i32) {
    %c0_i32 = arith.constant 0 : i32
    %c0_i32_0 = arith.constant 0 : i32
    return %arg0, %c0_i32 : i32, i32
  }
  func.func @transform_3(%arg0: i32) -> (i32, i32) {
    %c0_i32 = arith.constant 0 : i32
    %c0_i32_0 = arith.constant 0 : i32
    return %arg0, %c0_i32 : i32, i32
  }
  func.func @transform_4(%arg0: i32) -> (i32, i32) {
    %c0_i32 = arith.constant 0 : i32
    %c0_i32_0 = arith.constant 0 : i32
    return %arg0, %c0_i32 : i32, i32
  }
  func.func @transform_5(%arg0: i32) -> (i32, i32) {
    %c0_i32 = arith.constant 0 : i32
    %c0_i32_0 = arith.constant 0 : i32
    %c0_i32_1 = arith.constant 0 : i32
    return %c0_i32, %c0_i32_0 : i32, i32
  }
  func.func @transform_6(%arg0: i32) -> (i32, i32) {
    %c0_i32 = arith.constant 0 : i32
    %c0_i32_0 = arith.constant 0 : i32
    %c0_i32_1 = arith.constant 0 : i32
    return %c0_i32, %c0_i32_0 : i32, i32
  }
  func.func @transform_7(%arg0: i32) -> (i32, i32) {
    %c0_i32 = arith.constant 0 : i32
    %c0_i32_0 = arith.constant 0 : i32
    %c0_i32_1 = arith.constant 0 : i32
    return %c0_i32, %c0_i32_0 : i32, i32
  }
  func.func @transform_8(%arg0: i32) -> (i32, i32) {
    %c0_i32 = arith.constant 0 : i32
    %c0_i32_0 = arith.constant 0 : i32
    %c0_i32_1 = arith.constant 0 : i32
    return %c0_i32, %c0_i32_0 : i32, i32
  }
  func.func @transform_9(%arg0: i32) -> (i32, i32) {
    %c0_i32 = arith.constant 0 : i32
    %c0_i32_0 = arith.constant 0 : i32
    %c0_i32_1 = arith.constant 0 : i32
    return %c0_i32, %c0_i32_0 : i32, i32
  }
  func.func @transform_10(%arg0: i32) -> (i32, i32) {
    %c0_i32 = arith.constant 0 : i32
    %c0_i32_0 = arith.constant 0 : i32
    %c0_i32_1 = arith.constant 0 : i32
    return %c0_i32, %c0_i32_0 : i32, i32
  }
  func.func @transform_11(%arg0: i32) -> (i32, i32) {
    %c0_i32 = arith.constant 0 : i32
    %c0_i32_0 = arith.constant 0 : i32
    %c0_i32_1 = arith.constant 0 : i32
    return %c0_i32, %c0_i32_0 : i32, i32
  }
  func.func @transform_12(%arg0: i32) -> (i32, i32) {
    %c0_i32 = arith.constant 0 : i32
    %c0_i32_0 = arith.constant 0 : i32
    %c0_i32_1 = arith.constant 0 : i32
    return %c0_i32, %c0_i32_0 : i32, i32
  }
  func.func @transform_13(%arg0: i32) -> (i32, i32) {
    %c0_i32 = arith.constant 0 : i32
    %c0_i32_0 = arith.constant 0 : i32
    %c0_i32_1 = arith.constant 0 : i32
    return %c0_i32, %c0_i32_0 : i32, i32
  }
  func.func @transform_14(%arg0: i32) -> (i32, i32) {
    %c0_i32 = arith.constant 0 : i32
    %c0_i32_0 = arith.constant 0 : i32
    %c0_i32_1 = arith.constant 0 : i32
    return %c0_i32, %c0_i32_0 : i32, i32
  }
  func.func @transform_15(%arg0: i32) -> (i32, i32) {
    %c0_i32 = arith.constant 0 : i32
    %c0_i32_0 = arith.constant 0 : i32
    %c0_i32_1 = arith.constant 0 : i32
    return %c0_i32, %c0_i32_0 : i32, i32
  }
  func.func @transform_16(%arg0: i32) -> (i32, i32) {
    %c0_i32 = arith.constant 0 : i32
    %c0_i32_0 = arith.constant 0 : i32
    %c0_i32_1 = arith.constant 0 : i32
    return %c0_i32, %c0_i32_0 : i32, i32
  }
  func.func @transform_17(%arg0: i32) -> (i32, i32) {
    %c0_i32 = arith.constant 0 : i32
    %c0_i32_0 = arith.constant 0 : i32
    return %arg0, %c0_i32 : i32, i32
  }
}

module attributes {stable_mosaic.version = 14 : i64} {
  func.func @_node_upd_kern(%arg0: i32, %arg1: memref<2000x64xf32, #tpu.memory_space<vmem>>, %arg2: memref<2000x64xf32, #tpu.memory_space<vmem>>, %arg3: memref<2000x64xf32, #tpu.memory_space<vmem>>, %arg4: memref<64x64xf32, #tpu.memory_space<vmem>>, %arg5: memref<64x64xf32, #tpu.memory_space<vmem>>, %arg6: memref<1x64xf32, #tpu.memory_space<vmem>>, %arg7: memref<64x64xf32, #tpu.memory_space<vmem>>, %arg8: memref<1x64xf32, #tpu.memory_space<vmem>>, %arg9: memref<64x64xf32, #tpu.memory_space<vmem>>, %arg10: memref<1x64xf32, #tpu.memory_space<vmem>>, %arg11: memref<64x64xf32, #tpu.memory_space<vmem>>, %arg12: memref<64x64xf32, #tpu.memory_space<vmem>>, %arg13: memref<2000x64xf32, #tpu.memory_space<vmem>>, %arg14: memref<2000x64xf32, #tpu.memory_space<vmem>>, %arg15: memref<2000x64xf32, #tpu.memory_space<vmem>>) attributes {dimension_semantics = [#tpu.dimension_semantics<arbitrary>], iteration_bounds = array<i64: 5>, scalar_prefetch = 0 : i64, scratch_operands = 0 : i64, tpu.core_type = #tpu.core_type<tc>, window_params = [{transform_indices = @transform_0, window_bounds = array<i64: 2000, 64>}, {transform_indices = @transform_1, window_bounds = array<i64: 2000, 64>}, {transform_indices = @transform_2, window_bounds = array<i64: 2000, 64>}, {pipeline_mode = #tpu.pipeline_mode<synchronous>, transform_indices = @transform_3, window_bounds = array<i64: 64, 64>}, {pipeline_mode = #tpu.pipeline_mode<synchronous>, transform_indices = @transform_4, window_bounds = array<i64: 64, 64>}, {pipeline_mode = #tpu.pipeline_mode<synchronous>, transform_indices = @transform_5, window_bounds = array<i64: 1, 64>}, {pipeline_mode = #tpu.pipeline_mode<synchronous>, transform_indices = @transform_6, window_bounds = array<i64: 64, 64>}, {pipeline_mode = #tpu.pipeline_mode<synchronous>, transform_indices = @transform_7, window_bounds = array<i64: 1, 64>}, {pipeline_mode = #tpu.pipeline_mode<synchronous>, transform_indices = @transform_8, window_bounds = array<i64: 64, 64>}, {pipeline_mode = #tpu.pipeline_mode<synchronous>, transform_indices = @transform_9, window_bounds = array<i64: 1, 64>}, {pipeline_mode = #tpu.pipeline_mode<synchronous>, transform_indices = @transform_10, window_bounds = array<i64: 64, 64>}, {pipeline_mode = #tpu.pipeline_mode<synchronous>, transform_indices = @transform_11, window_bounds = array<i64: 64, 64>}, {transform_indices = @transform_12, window_bounds = array<i64: 2000, 64>}, {transform_indices = @transform_13, window_bounds = array<i64: 2000, 64>}, {transform_indices = @transform_14, window_bounds = array<i64: 2000, 64>}]} {
    %get3A = arith.constant 0 : index
    %get3A_0 = arith.constant 0 : index
    %get3A_1 = vector.load %arg1[%get3A, %get3A_0] : memref<2000x64xf32, #tpu.memory_space<vmem>>, vector<2000x64xf32>
    %get3A_2 = arith.constant 0 : index
    %get3A_3 = arith.constant 0 : index
    %get3A_4 = vector.load %arg2[%get3A_2, %get3A_3] : memref<2000x64xf32, #tpu.memory_space<vmem>>, vector<2000x64xf32>
    %get3A_5 = arith.constant 0 : index
    %get3A_6 = arith.constant 0 : index
    %get3A_7 = vector.load %arg3[%get3A_5, %get3A_6] : memref<2000x64xf32, #tpu.memory_space<vmem>>, vector<2000x64xf32>
    %add3A = arith.addf %get3A_4, %get3A_7 : vector<2000x64xf32>
    %get3A_8 = arith.constant 0 : index
    %get3A_9 = arith.constant 0 : index
    %get3A_10 = vector.load %arg4[%get3A_8, %get3A_9] : memref<64x64xf32, #tpu.memory_space<vmem>>, vector<64x64xf32>
    %dot_general3A = arith.constant dense<0.000000e+00> : vector<2000x64xf32>
    %dot_general3A_11 = tpu.matmul %get3A_1, %get3A_10, %dot_general3A {dimension_numbers = #tpu.dot_dimension_numbers<[1], [0], [0], [1], [0, 0, 1, 1], [], []>, transpose_lhs_hint = false} : vector<2000x64xf32>, vector<64x64xf32>, vector<2000x64xf32> -> vector<2000x64xf32>
    %get3A_12 = arith.constant 0 : index
    %get3A_13 = arith.constant 0 : index
    %get3A_14 = vector.load %arg5[%get3A_12, %get3A_13] : memref<64x64xf32, #tpu.memory_space<vmem>>, vector<64x64xf32>
    %dot_general3A_15 = arith.constant dense<0.000000e+00> : vector<2000x64xf32>
    %dot_general3A_16 = tpu.matmul %add3A, %get3A_14, %dot_general3A_15 {dimension_numbers = #tpu.dot_dimension_numbers<[1], [0], [0], [1], [0, 0, 1, 1], [], []>, transpose_lhs_hint = false} : vector<2000x64xf32>, vector<64x64xf32>, vector<2000x64xf32> -> vector<2000x64xf32>
    %add3A_17 = arith.addf %dot_general3A_11, %dot_general3A_16 : vector<2000x64xf32>
    %get3A_18 = arith.constant 0 : index
    %get3A_19 = arith.constant 0 : index
    %get3A_20 = vector.load %arg6[%get3A_18, %get3A_19] : memref<1x64xf32, #tpu.memory_space<vmem>>, vector<1x64xf32>
    %add3A_21 = vector.broadcast %get3A_20 : vector<1x64xf32> to vector<2000x64xf32>
    %add3A_22 = arith.addf %add3A_17, %add3A_21 : vector<2000x64xf32>
    %max3A = arith.constant 0.000000e+00 : f32
    %max3A_23 = vector.broadcast %max3A : f32 to vector<2000x64xf32>
    %max3A_24 = arith.maximumf %add3A_22, %max3A_23 : vector<2000x64xf32>
    %get3A_25 = arith.constant 0 : index
    %get3A_26 = arith.constant 0 : index
    %get3A_27 = vector.load %arg7[%get3A_25, %get3A_26] : memref<64x64xf32, #tpu.memory_space<vmem>>, vector<64x64xf32>
    %dot_general3A_28 = arith.constant dense<0.000000e+00> : vector<2000x64xf32>
    %dot_general3A_29 = tpu.matmul %max3A_24, %get3A_27, %dot_general3A_28 {dimension_numbers = #tpu.dot_dimension_numbers<[1], [0], [0], [1], [0, 0, 1, 1], [], []>, transpose_lhs_hint = false} : vector<2000x64xf32>, vector<64x64xf32>, vector<2000x64xf32> -> vector<2000x64xf32>
    %get3A_30 = arith.constant 0 : index
    %get3A_31 = arith.constant 0 : index
    %get3A_32 = vector.load %arg8[%get3A_30, %get3A_31] : memref<1x64xf32, #tpu.memory_space<vmem>>, vector<1x64xf32>
    %add3A_33 = vector.broadcast %get3A_32 : vector<1x64xf32> to vector<2000x64xf32>
    %add3A_34 = arith.addf %dot_general3A_29, %add3A_33 : vector<2000x64xf32>
    %max3A_35 = arith.constant 0.000000e+00 : f32
    %max3A_36 = vector.broadcast %max3A_35 : f32 to vector<2000x64xf32>
    %max3A_37 = arith.maximumf %add3A_34, %max3A_36 : vector<2000x64xf32>
    %get3A_38 = arith.constant 0 : index
    %get3A_39 = arith.constant 0 : index
    %get3A_40 = vector.load %arg9[%get3A_38, %get3A_39] : memref<64x64xf32, #tpu.memory_space<vmem>>, vector<64x64xf32>
    %dot_general3A_41 = arith.constant dense<0.000000e+00> : vector<2000x64xf32>
    %dot_general3A_42 = tpu.matmul %max3A_37, %get3A_40, %dot_general3A_41 {dimension_numbers = #tpu.dot_dimension_numbers<[1], [0], [0], [1], [0, 0, 1, 1], [], []>, transpose_lhs_hint = false} : vector<2000x64xf32>, vector<64x64xf32>, vector<2000x64xf32> -> vector<2000x64xf32>
    %add3A_43 = arith.addf %get3A_1, %dot_general3A_42 : vector<2000x64xf32>
    %get3A_44 = arith.constant 0 : index
    %get3A_45 = arith.constant 0 : index
    %get3A_46 = vector.load %arg10[%get3A_44, %get3A_45] : memref<1x64xf32, #tpu.memory_space<vmem>>, vector<1x64xf32>
    %add3A_47 = vector.broadcast %get3A_46 : vector<1x64xf32> to vector<2000x64xf32>
    %add3A_48 = arith.addf %add3A_43, %add3A_47 : vector<2000x64xf32>
    %swap3A = arith.constant 0 : index
    %swap3A_49 = arith.constant 0 : index
    %swap3A_50 = vector.load %arg13[%swap3A, %swap3A_49] : memref<2000x64xf32, #tpu.memory_space<vmem>>, vector<2000x64xf32>
    tpu.vector_store %arg13[%swap3A, %swap3A_49], %add3A_48 {strides = array<i32>} : memref<2000x64xf32, #tpu.memory_space<vmem>>, vector<2000x64xf32>,
    %get3A_51 = arith.constant 0 : index
    %get3A_52 = arith.constant 0 : index
    %get3A_53 = vector.load %arg11[%get3A_51, %get3A_52] : memref<64x64xf32, #tpu.memory_space<vmem>>, vector<64x64xf32>
    %dot_general3A_54 = arith.constant dense<0.000000e+00> : vector<2000x64xf32>
    %dot_general3A_55 = tpu.matmul %add3A_48, %get3A_53, %dot_general3A_54 {dimension_numbers = #tpu.dot_dimension_numbers<[1], [0], [0], [1], [0, 0, 1, 1], [], []>, transpose_lhs_hint = false} : vector<2000x64xf32>, vector<64x64xf32>, vector<2000x64xf32> -> vector<2000x64xf32>
    %swap3A_56 = arith.constant 0 : index
    %swap3A_57 = arith.constant 0 : index
    %swap3A_58 = vector.load %arg14[%swap3A_56, %swap3A_57] : memref<2000x64xf32, #tpu.memory_space<vmem>>, vector<2000x64xf32>
    tpu.vector_store %arg14[%swap3A_56, %swap3A_57], %dot_general3A_55 {strides = array<i32>} : memref<2000x64xf32, #tpu.memory_space<vmem>>, vector<2000x64xf32>,
    %get3A_59 = arith.constant 0 : index
    %get3A_60 = arith.constant 0 : index
    %get3A_61 = vector.load %arg12[%get3A_59, %get3A_60] : memref<64x64xf32, #tpu.memory_space<vmem>>, vector<64x64xf32>
    %dot_general3A_62 = arith.constant dense<0.000000e+00> : vector<2000x64xf32>
    %dot_general3A_63 = tpu.matmul %add3A_48, %get3A_61, %dot_general3A_62 {dimension_numbers = #tpu.dot_dimension_numbers<[1], [0], [0], [1], [0, 0, 1, 1], [], []>, transpose_lhs_hint = false} : vector<2000x64xf32>, vector<64x64xf32>, vector<2000x64xf32> -> vector<2000x64xf32>
    %swap3A_64 = arith.constant 0 : index
    %swap3A_65 = arith.constant 0 : index
    %swap3A_66 = vector.load %arg15[%swap3A_64, %swap3A_65] : memref<2000x64xf32, #tpu.memory_space<vmem>>, vector<2000x64xf32>
    tpu.vector_store %arg15[%swap3A_64, %swap3A_65], %dot_general3A_63 {strides = array<i32>} : memref<2000x64xf32, #tpu.memory_space<vmem>>, vector<2000x64xf32>,
    return
  }
  func.func @transform_0(%arg0: i32) -> (i32, i32) {
    %c0_i32 = arith.constant 0 : i32
    %c0_i32_0 = arith.constant 0 : i32
    return %arg0, %c0_i32 : i32, i32
  }
  func.func @transform_1(%arg0: i32) -> (i32, i32) {
    %c0_i32 = arith.constant 0 : i32
    %c0_i32_0 = arith.constant 0 : i32
    return %arg0, %c0_i32 : i32, i32
  }
  func.func @transform_2(%arg0: i32) -> (i32, i32) {
    %c0_i32 = arith.constant 0 : i32
    %c0_i32_0 = arith.constant 0 : i32
    return %arg0, %c0_i32 : i32, i32
  }
  func.func @transform_3(%arg0: i32) -> (i32, i32) {
    %c0_i32 = arith.constant 0 : i32
    %c0_i32_0 = arith.constant 0 : i32
    %c0_i32_1 = arith.constant 0 : i32
    return %c0_i32, %c0_i32_0 : i32, i32
  }
  func.func @transform_4(%arg0: i32) -> (i32, i32) {
    %c0_i32 = arith.constant 0 : i32
    %c0_i32_0 = arith.constant 0 : i32
    %c0_i32_1 = arith.constant 0 : i32
    return %c0_i32, %c0_i32_0 : i32, i32
  }
  func.func @transform_5(%arg0: i32) -> (i32, i32) {
    %c0_i32 = arith.constant 0 : i32
    %c0_i32_0 = arith.constant 0 : i32
    %c0_i32_1 = arith.constant 0 : i32
    return %c0_i32, %c0_i32_0 : i32, i32
  }
  func.func @transform_6(%arg0: i32) -> (i32, i32) {
    %c0_i32 = arith.constant 0 : i32
    %c0_i32_0 = arith.constant 0 : i32
    %c0_i32_1 = arith.constant 0 : i32
    return %c0_i32, %c0_i32_0 : i32, i32
  }
  func.func @transform_7(%arg0: i32) -> (i32, i32) {
    %c0_i32 = arith.constant 0 : i32
    %c0_i32_0 = arith.constant 0 : i32
    %c0_i32_1 = arith.constant 0 : i32
    return %c0_i32, %c0_i32_0 : i32, i32
  }
  func.func @transform_8(%arg0: i32) -> (i32, i32) {
    %c0_i32 = arith.constant 0 : i32
    %c0_i32_0 = arith.constant 0 : i32
    %c0_i32_1 = arith.constant 0 : i32
    return %c0_i32, %c0_i32_0 : i32, i32
  }
  func.func @transform_9(%arg0: i32) -> (i32, i32) {
    %c0_i32 = arith.constant 0 : i32
    %c0_i32_0 = arith.constant 0 : i32
    %c0_i32_1 = arith.constant 0 : i32
    return %c0_i32, %c0_i32_0 : i32, i32
  }
  func.func @transform_10(%arg0: i32) -> (i32, i32) {
    %c0_i32 = arith.constant 0 : i32
    %c0_i32_0 = arith.constant 0 : i32
    %c0_i32_1 = arith.constant 0 : i32
    return %c0_i32, %c0_i32_0 : i32, i32
  }
  func.func @transform_11(%arg0: i32) -> (i32, i32) {
    %c0_i32 = arith.constant 0 : i32
    %c0_i32_0 = arith.constant 0 : i32
    %c0_i32_1 = arith.constant 0 : i32
    return %c0_i32, %c0_i32_0 : i32, i32
  }
  func.func @transform_12(%arg0: i32) -> (i32, i32) {
    %c0_i32 = arith.constant 0 : i32
    %c0_i32_0 = arith.constant 0 : i32
    return %arg0, %c0_i32 : i32, i32
  }
  func.func @transform_13(%arg0: i32) -> (i32, i32) {
    %c0_i32 = arith.constant 0 : i32
    %c0_i32_0 = arith.constant 0 : i32
    return %arg0, %c0_i32 : i32, i32
  }
  func.func @transform_14(%arg0: i32) -> (i32, i32) {
    %c0_i32 = arith.constant 0 : i32
    %c0_i32_0 = arith.constant 0 : i32
    return %arg0, %c0_i32 : i32, i32
  }
}

module attributes {stable_mosaic.version = 14 : i64} {
  func.func @_edge2_kern(%arg0: i32, %arg1: memref<4000x64xf32, #tpu.memory_space<vmem>>, %arg2: memref<4000x64xf32, #tpu.memory_space<vmem>>, %arg3: memref<4000x64xf32, #tpu.memory_space<vmem>>, %arg4: memref<64x64xf32, #tpu.memory_space<vmem>>, %arg5: memref<1x64xf32, #tpu.memory_space<vmem>>, %arg6: memref<64x64xf32, #tpu.memory_space<vmem>>, %arg7: memref<1x64xf32, #tpu.memory_space<vmem>>, %arg8: memref<64x64xf32, #tpu.memory_space<vmem>>, %arg9: memref<1x64xf32, #tpu.memory_space<vmem>>, %arg10: memref<4000x64xf32, #tpu.memory_space<vmem>>) attributes {dimension_semantics = [#tpu.dimension_semantics<arbitrary>], iteration_bounds = array<i64: 80>, scalar_prefetch = 0 : i64, scratch_operands = 0 : i64, tpu.core_type = #tpu.core_type<tc>, window_params = [{transform_indices = @transform_0, window_bounds = array<i64: 4000, 64>}, {transform_indices = @transform_1, window_bounds = array<i64: 4000, 64>}, {transform_indices = @transform_2, window_bounds = array<i64: 4000, 64>}, {pipeline_mode = #tpu.pipeline_mode<synchronous>, transform_indices = @transform_3, window_bounds = array<i64: 64, 64>}, {pipeline_mode = #tpu.pipeline_mode<synchronous>, transform_indices = @transform_4, window_bounds = array<i64: 1, 64>}, {pipeline_mode = #tpu.pipeline_mode<synchronous>, transform_indices = @transform_5, window_bounds = array<i64: 64, 64>}, {pipeline_mode = #tpu.pipeline_mode<synchronous>, transform_indices = @transform_6, window_bounds = array<i64: 1, 64>}, {pipeline_mode = #tpu.pipeline_mode<synchronous>, transform_indices = @transform_7, window_bounds = array<i64: 64, 64>}, {pipeline_mode = #tpu.pipeline_mode<synchronous>, transform_indices = @transform_8, window_bounds = array<i64: 1, 64>}, {transform_indices = @transform_9, window_bounds = array<i64: 4000, 64>}]} {
    %get3A = arith.constant 0 : index
    %get3A_0 = arith.constant 0 : index
    %get3A_1 = vector.load %arg1[%get3A, %get3A_0] : memref<4000x64xf32, #tpu.memory_space<vmem>>, vector<4000x64xf32>
    %get3A_2 = arith.constant 0 : index
    %get3A_3 = arith.constant 0 : index
    %get3A_4 = vector.load %arg4[%get3A_2, %get3A_3] : memref<64x64xf32, #tpu.memory_space<vmem>>, vector<64x64xf32>
    %dot_general3A = arith.constant dense<0.000000e+00> : vector<4000x64xf32>
    %dot_general3A_5 = tpu.matmul %get3A_1, %get3A_4, %dot_general3A {dimension_numbers = #tpu.dot_dimension_numbers<[1], [0], [0], [1], [0, 0, 1, 1], [], []>, transpose_lhs_hint = false} : vector<4000x64xf32>, vector<64x64xf32>, vector<4000x64xf32> -> vector<4000x64xf32>
    %get3A_6 = arith.constant 0 : index
    %get3A_7 = arith.constant 0 : index
    %get3A_8 = vector.load %arg2[%get3A_6, %get3A_7] : memref<4000x64xf32, #tpu.memory_space<vmem>>, vector<4000x64xf32>
    %add3A = arith.addf %dot_general3A_5, %get3A_8 : vector<4000x64xf32>
    %get3A_9 = arith.constant 0 : index
    %get3A_10 = arith.constant 0 : index
    %get3A_11 = vector.load %arg3[%get3A_9, %get3A_10] : memref<4000x64xf32, #tpu.memory_space<vmem>>, vector<4000x64xf32>
    %add3A_12 = arith.addf %add3A, %get3A_11 : vector<4000x64xf32>
    %get3A_13 = arith.constant 0 : index
    %get3A_14 = arith.constant 0 : index
    %get3A_15 = vector.load %arg5[%get3A_13, %get3A_14] : memref<1x64xf32, #tpu.memory_space<vmem>>, vector<1x64xf32>
    %add3A_16 = vector.broadcast %get3A_15 : vector<1x64xf32> to vector<4000x64xf32>
    %add3A_17 = arith.addf %add3A_12, %add3A_16 : vector<4000x64xf32>
    %max3A = arith.constant 0.000000e+00 : f32
    %max3A_18 = vector.broadcast %max3A : f32 to vector<4000x64xf32>
    %max3A_19 = arith.maximumf %add3A_17, %max3A_18 : vector<4000x64xf32>
    %get3A_20 = arith.constant 0 : index
    %get3A_21 = arith.constant 0 : index
    %get3A_22 = vector.load %arg6[%get3A_20, %get3A_21] : memref<64x64xf32, #tpu.memory_space<vmem>>, vector<64x64xf32>
    %dot_general3A_23 = arith.constant dense<0.000000e+00> : vector<4000x64xf32>
    %dot_general3A_24 = tpu.matmul %max3A_19, %get3A_22, %dot_general3A_23 {dimension_numbers = #tpu.dot_dimension_numbers<[1], [0], [0], [1], [0, 0, 1, 1], [], []>, transpose_lhs_hint = false} : vector<4000x64xf32>, vector<64x64xf32>, vector<4000x64xf32> -> vector<4000x64xf32>
    %get3A_25 = arith.constant 0 : index
    %get3A_26 = arith.constant 0 : index
    %get3A_27 = vector.load %arg7[%get3A_25, %get3A_26] : memref<1x64xf32, #tpu.memory_space<vmem>>, vector<1x64xf32>
    %add3A_28 = vector.broadcast %get3A_27 : vector<1x64xf32> to vector<4000x64xf32>
    %add3A_29 = arith.addf %dot_general3A_24, %add3A_28 : vector<4000x64xf32>
    %max3A_30 = arith.constant 0.000000e+00 : f32
    %max3A_31 = vector.broadcast %max3A_30 : f32 to vector<4000x64xf32>
    %max3A_32 = arith.maximumf %add3A_29, %max3A_31 : vector<4000x64xf32>
    %get3A_33 = arith.constant 0 : index
    %get3A_34 = arith.constant 0 : index
    %get3A_35 = vector.load %arg8[%get3A_33, %get3A_34] : memref<64x64xf32, #tpu.memory_space<vmem>>, vector<64x64xf32>
    %dot_general3A_36 = arith.constant dense<0.000000e+00> : vector<4000x64xf32>
    %dot_general3A_37 = tpu.matmul %max3A_32, %get3A_35, %dot_general3A_36 {dimension_numbers = #tpu.dot_dimension_numbers<[1], [0], [0], [1], [0, 0, 1, 1], [], []>, transpose_lhs_hint = false} : vector<4000x64xf32>, vector<64x64xf32>, vector<4000x64xf32> -> vector<4000x64xf32>
    %add3A_38 = arith.addf %get3A_1, %dot_general3A_37 : vector<4000x64xf32>
    %get3A_39 = arith.constant 0 : index
    %get3A_40 = arith.constant 0 : index
    %get3A_41 = vector.load %arg9[%get3A_39, %get3A_40] : memref<1x64xf32, #tpu.memory_space<vmem>>, vector<1x64xf32>
    %add3A_42 = vector.broadcast %get3A_41 : vector<1x64xf32> to vector<4000x64xf32>
    %add3A_43 = arith.addf %add3A_38, %add3A_42 : vector<4000x64xf32>
    %swap3A = arith.constant 0 : index
    %swap3A_44 = arith.constant 0 : index
    %swap3A_45 = vector.load %arg10[%swap3A, %swap3A_44] : memref<4000x64xf32, #tpu.memory_space<vmem>>, vector<4000x64xf32>
    tpu.vector_store %arg10[%swap3A, %swap3A_44], %add3A_43 {strides = array<i32>} : memref<4000x64xf32, #tpu.memory_space<vmem>>, vector<4000x64xf32>,
    return
  }
  func.func @transform_0(%arg0: i32) -> (i32, i32) {
    %c0_i32 = arith.constant 0 : i32
    %c0_i32_0 = arith.constant 0 : i32
    return %arg0, %c0_i32 : i32, i32
  }
  func.func @transform_1(%arg0: i32) -> (i32, i32) {
    %c0_i32 = arith.constant 0 : i32
    %c0_i32_0 = arith.constant 0 : i32
    return %arg0, %c0_i32 : i32, i32
  }
  func.func @transform_2(%arg0: i32) -> (i32, i32) {
    %c0_i32 = arith.constant 0 : i32
    %c0_i32_0 = arith.constant 0 : i32
    return %arg0, %c0_i32 : i32, i32
  }
  func.func @transform_3(%arg0: i32) -> (i32, i32) {
    %c0_i32 = arith.constant 0 : i32
    %c0_i32_0 = arith.constant 0 : i32
    %c0_i32_1 = arith.constant 0 : i32
    return %c0_i32, %c0_i32_0 : i32, i32
  }
  func.func @transform_4(%arg0: i32) -> (i32, i32) {
    %c0_i32 = arith.constant 0 : i32
    %c0_i32_0 = arith.constant 0 : i32
    %c0_i32_1 = arith.constant 0 : i32
    return %c0_i32, %c0_i32_0 : i32, i32
  }
  func.func @transform_5(%arg0: i32) -> (i32, i32) {
    %c0_i32 = arith.constant 0 : i32
    %c0_i32_0 = arith.constant 0 : i32
    %c0_i32_1 = arith.constant 0 : i32
    return %c0_i32, %c0_i32_0 : i32, i32
  }
  func.func @transform_6(%arg0: i32) -> (i32, i32) {
    %c0_i32 = arith.constant 0 : i32
    %c0_i32_0 = arith.constant 0 : i32
    %c0_i32_1 = arith.constant 0 : i32
    return %c0_i32, %c0_i32_0 : i32, i32
  }
  func.func @transform_7(%arg0: i32) -> (i32, i32) {
    %c0_i32 = arith.constant 0 : i32
    %c0_i32_0 = arith.constant 0 : i32
    %c0_i32_1 = arith.constant 0 : i32
    return %c0_i32, %c0_i32_0 : i32, i32
  }
  func.func @transform_8(%arg0: i32) -> (i32, i32) {
    %c0_i32 = arith.constant 0 : i32
    %c0_i32_0 = arith.constant 0 : i32
    %c0_i32_1 = arith.constant 0 : i32
    return %c0_i32, %c0_i32_0 : i32, i32
  }
  func.func @transform_9(%arg0: i32) -> (i32, i32) {
    %c0_i32 = arith.constant 0 : i32
    %c0_i32_0 = arith.constant 0 : i32
    return %arg0, %c0_i32 : i32, i32
  }
}

module attributes {stable_mosaic.version = 14 : i64} {
  func.func @_final_kern(%arg0: i32, %arg1: memref<2000x64xf32, #tpu.memory_space<vmem>>, %arg2: memref<2000x64xf32, #tpu.memory_space<vmem>>, %arg3: memref<2000x64xf32, #tpu.memory_space<vmem>>, %arg4: memref<2000x12xf32, #tpu.memory_space<vmem>>, %arg5: memref<64x64xf32, #tpu.memory_space<vmem>>, %arg6: memref<64x64xf32, #tpu.memory_space<vmem>>, %arg7: memref<1x64xf32, #tpu.memory_space<vmem>>, %arg8: memref<64x64xf32, #tpu.memory_space<vmem>>, %arg9: memref<1x64xf32, #tpu.memory_space<vmem>>, %arg10: memref<64x64xf32, #tpu.memory_space<vmem>>, %arg11: memref<1x64xf32, #tpu.memory_space<vmem>>, %arg12: memref<64x64xf32, #tpu.memory_space<vmem>>, %arg13: memref<1x64xf32, #tpu.memory_space<vmem>>, %arg14: memref<64x64xf32, #tpu.memory_space<vmem>>, %arg15: memref<1x64xf32, #tpu.memory_space<vmem>>, %arg16: memref<2x64xf32, #tpu.memory_space<vmem>>, %arg17: memref<1x2xf32, #tpu.memory_space<vmem>>, %arg18: memref<2000x2xf32, #tpu.memory_space<vmem>>) attributes {dimension_semantics = [#tpu.dimension_semantics<arbitrary>], iteration_bounds = array<i64: 5>, scalar_prefetch = 0 : i64, scratch_operands = 0 : i64, tpu.core_type = #tpu.core_type<tc>, window_params = [{transform_indices = @transform_0, window_bounds = array<i64: 2000, 64>}, {transform_indices = @transform_1, window_bounds = array<i64: 2000, 64>}, {transform_indices = @transform_2, window_bounds = array<i64: 2000, 64>}, {transform_indices = @transform_3, window_bounds = array<i64: 2000, 12>}, {pipeline_mode = #tpu.pipeline_mode<synchronous>, transform_indices = @transform_4, window_bounds = array<i64: 64, 64>}, {pipeline_mode = #tpu.pipeline_mode<synchronous>, transform_indices = @transform_5, window_bounds = array<i64: 64, 64>}, {pipeline_mode = #tpu.pipeline_mode<synchronous>, transform_indices = @transform_6, window_bounds = array<i64: 1, 64>}, {pipeline_mode = #tpu.pipeline_mode<synchronous>, transform_indices = @transform_7, window_bounds = array<i64: 64, 64>}, {pipeline_mode = #tpu.pipeline_mode<synchronous>, transform_indices = @transform_8, window_bounds = array<i64: 1, 64>}, {pipeline_mode = #tpu.pipeline_mode<synchronous>, transform_indices = @transform_9, window_bounds = array<i64: 64, 64>}, {pipeline_mode = #tpu.pipeline_mode<synchronous>, transform_indices = @transform_10, window_bounds = array<i64: 1, 64>}, {pipeline_mode = #tpu.pipeline_mode<synchronous>, transform_indices = @transform_11, window_bounds = array<i64: 64, 64>}, {pipeline_mode = #tpu.pipeline_mode<synchronous>, transform_indices = @transform_12, window_bounds = array<i64: 1, 64>}, {pipeline_mode = #tpu.pipeline_mode<synchronous>, transform_indices = @transform_13, window_bounds = array<i64: 64, 64>}, {pipeline_mode = #tpu.pipeline_mode<synchronous>, transform_indices = @transform_14, window_bounds = array<i64: 1, 64>}, {pipeline_mode = #tpu.pipeline_mode<synchronous>, transform_indices = @transform_15, window_bounds = array<i64: 2, 64>}, {pipeline_mode = #tpu.pipeline_mode<synchronous>, transform_indices = @transform_16, window_bounds = array<i64: 1, 2>}, {transform_indices = @transform_17, window_bounds = array<i64: 2000, 2>}]} {
    %get3A = arith.constant 0 : index
    %get3A_0 = arith.constant 0 : index
    %get3A_1 = vector.load %arg1[%get3A, %get3A_0] : memref<2000x64xf32, #tpu.memory_space<vmem>>, vector<2000x64xf32>
    %get3A_2 = arith.constant 0 : index
    %get3A_3 = arith.constant 0 : index
    %get3A_4 = vector.load %arg2[%get3A_2, %get3A_3] : memref<2000x64xf32, #tpu.memory_space<vmem>>, vector<2000x64xf32>
    %get3A_5 = arith.constant 0 : index
    %get3A_6 = arith.constant 0 : index
    %get3A_7 = vector.load %arg3[%get3A_5, %get3A_6] : memref<2000x64xf32, #tpu.memory_space<vmem>>, vector<2000x64xf32>
    %add3A = arith.addf %get3A_4, %get3A_7 : vector<2000x64xf32>
    %get3A_8 = arith.constant 0 : index
    %get3A_9 = arith.constant 0 : index
    %get3A_10 = vector.load %arg5[%get3A_8, %get3A_9] : memref<64x64xf32, #tpu.memory_space<vmem>>, vector<64x64xf32>
    %dot_general3A = arith.constant dense<0.000000e+00> : vector<2000x64xf32>
    %dot_general3A_11 = tpu.matmul %get3A_1, %get3A_10, %dot_general3A {dimension_numbers = #tpu.dot_dimension_numbers<[1], [0], [0], [1], [0, 0, 1, 1], [], []>, transpose_lhs_hint = false} : vector<2000x64xf32>, vector<64x64xf32>, vector<2000x64xf32> -> vector<2000x64xf32>
    %get3A_12 = arith.constant 0 : index
    %get3A_13 = arith.constant 0 : index
    %get3A_14 = vector.load %arg6[%get3A_12, %get3A_13] : memref<64x64xf32, #tpu.memory_space<vmem>>, vector<64x64xf32>
    %dot_general3A_15 = arith.constant dense<0.000000e+00> : vector<2000x64xf32>
    %dot_general3A_16 = tpu.matmul %add3A, %get3A_14, %dot_general3A_15 {dimension_numbers = #tpu.dot_dimension_numbers<[1], [0], [0], [1], [0, 0, 1, 1], [], []>, transpose_lhs_hint = false} : vector<2000x64xf32>, vector<64x64xf32>, vector<2000x64xf32> -> vector<2000x64xf32>
    %add3A_17 = arith.addf %dot_general3A_11, %dot_general3A_16 : vector<2000x64xf32>
    %get3A_18 = arith.constant 0 : index
    %get3A_19 = arith.constant 0 : index
    %get3A_20 = vector.load %arg7[%get3A_18, %get3A_19] : memref<1x64xf32, #tpu.memory_space<vmem>>, vector<1x64xf32>
    %add3A_21 = vector.broadcast %get3A_20 : vector<1x64xf32> to vector<2000x64xf32>
    %add3A_22 = arith.addf %add3A_17, %add3A_21 : vector<2000x64xf32>
    %max3A = arith.constant 0.000000e+00 : f32
    %max3A_23 = vector.broadcast %max3A : f32 to vector<2000x64xf32>
    %max3A_24 = arith.maximumf %add3A_22, %max3A_23 : vector<2000x64xf32>
    %get3A_25 = arith.constant 0 : index
    %get3A_26 = arith.constant 0 : index
    %get3A_27 = vector.load %arg8[%get3A_25, %get3A_26] : memref<64x64xf32, #tpu.memory_space<vmem>>, vector<64x64xf32>
    %dot_general3A_28 = arith.constant dense<0.000000e+00> : vector<2000x64xf32>
    %dot_general3A_29 = tpu.matmul %max3A_24, %get3A_27, %dot_general3A_28 {dimension_numbers = #tpu.dot_dimension_numbers<[1], [0], [0], [1], [0, 0, 1, 1], [], []>, transpose_lhs_hint = false} : vector<2000x64xf32>, vector<64x64xf32>, vector<2000x64xf32> -> vector<2000x64xf32>
    %get3A_30 = arith.constant 0 : index
    %get3A_31 = arith.constant 0 : index
    %get3A_32 = vector.load %arg9[%get3A_30, %get3A_31] : memref<1x64xf32, #tpu.memory_space<vmem>>, vector<1x64xf32>
    %add3A_33 = vector.broadcast %get3A_32 : vector<1x64xf32> to vector<2000x64xf32>
    %add3A_34 = arith.addf %dot_general3A_29, %add3A_33 : vector<2000x64xf32>
    %max3A_35 = arith.constant 0.000000e+00 : f32
    %max3A_36 = vector.broadcast %max3A_35 : f32 to vector<2000x64xf32>
    %max3A_37 = arith.maximumf %add3A_34, %max3A_36 : vector<2000x64xf32>
    %get3A_38 = arith.constant 0 : index
    %get3A_39 = arith.constant 0 : index
    %get3A_40 = vector.load %arg10[%get3A_38, %get3A_39] : memref<64x64xf32, #tpu.memory_space<vmem>>, vector<64x64xf32>
    %dot_general3A_41 = arith.constant dense<0.000000e+00> : vector<2000x64xf32>
    %dot_general3A_42 = tpu.matmul %max3A_37, %get3A_40, %dot_general3A_41 {dimension_numbers = #tpu.dot_dimension_numbers<[1], [0], [0], [1], [0, 0, 1, 1], [], []>, transpose_lhs_hint = false} : vector<2000x64xf32>, vector<64x64xf32>, vector<2000x64xf32> -> vector<2000x64xf32>
    %add3A_43 = arith.addf %get3A_1, %dot_general3A_42 : vector<2000x64xf32>
    %get3A_44 = arith.constant 0 : index
    %get3A_45 = arith.constant 0 : index
    %get3A_46 = vector.load %arg11[%get3A_44, %get3A_45] : memref<1x64xf32, #tpu.memory_space<vmem>>, vector<1x64xf32>
    %add3A_47 = vector.broadcast %get3A_46 : vector<1x64xf32> to vector<2000x64xf32>
    %add3A_48 = arith.addf %add3A_43, %add3A_47 : vector<2000x64xf32>
    %get3A_49 = arith.constant 0 : index
    %get3A_50 = arith.constant 0 : index
    %get3A_51 = vector.load %arg12[%get3A_49, %get3A_50] : memref<64x64xf32, #tpu.memory_space<vmem>>, vector<64x64xf32>
    %dot_general3A_52 = arith.constant dense<0.000000e+00> : vector<2000x64xf32>
    %dot_general3A_53 = tpu.matmul %add3A_48, %get3A_51, %dot_general3A_52 {dimension_numbers = #tpu.dot_dimension_numbers<[1], [0], [0], [1], [0, 0, 1, 1], [], []>, transpose_lhs_hint = false} : vector<2000x64xf32>, vector<64x64xf32>, vector<2000x64xf32> -> vector<2000x64xf32>
    %get3A_54 = arith.constant 0 : index
    %get3A_55 = arith.constant 0 : index
    %get3A_56 = vector.load %arg13[%get3A_54, %get3A_55] : memref<1x64xf32, #tpu.memory_space<vmem>>, vector<1x64xf32>
    %add3A_57 = vector.broadcast %get3A_56 : vector<1x64xf32> to vector<2000x64xf32>
    %add3A_58 = arith.addf %dot_general3A_53, %add3A_57 : vector<2000x64xf32>
    %max3A_59 = arith.constant 0.000000e+00 : f32
    %max3A_60 = vector.broadcast %max3A_59 : f32 to vector<2000x64xf32>
    %max3A_61 = arith.maximumf %add3A_58, %max3A_60 : vector<2000x64xf32>
    %get3A_62 = arith.constant 0 : index
    %get3A_63 = arith.constant 0 : index
    %get3A_64 = vector.load %arg14[%get3A_62, %get3A_63] : memref<64x64xf32, #tpu.memory_space<vmem>>, vector<64x64xf32>
    %dot_general3A_65 = arith.constant dense<0.000000e+00> : vector<2000x64xf32>
    %dot_general3A_66 = tpu.matmul %max3A_61, %get3A_64, %dot_general3A_65 {dimension_numbers = #tpu.dot_dimension_numbers<[1], [0], [0], [1], [0, 0, 1, 1], [], []>, transpose_lhs_hint = false} : vector<2000x64xf32>, vector<64x64xf32>, vector<2000x64xf32> -> vector<2000x64xf32>
    %get3A_67 = arith.constant 0 : index
    %get3A_68 = arith.constant 0 : index
    %get3A_69 = vector.load %arg15[%get3A_67, %get3A_68] : memref<1x64xf32, #tpu.memory_space<vmem>>, vector<1x64xf32>
    %add3A_70 = vector.broadcast %get3A_69 : vector<1x64xf32> to vector<2000x64xf32>
    %add3A_71 = arith.addf %dot_general3A_66, %add3A_70 : vector<2000x64xf32>
    %max3A_72 = arith.constant 0.000000e+00 : f32
    %max3A_73 = vector.broadcast %max3A_72 : f32 to vector<2000x64xf32>
    %max3A_74 = arith.maximumf %add3A_71, %max3A_73 : vector<2000x64xf32>
    %get3A_75 = arith.constant 0 : index
    %get3A_76 = arith.constant 0 : index
    %get3A_77 = vector.load %arg16[%get3A_75, %get3A_76] : memref<2x64xf32, #tpu.memory_space<vmem>>, vector<2x64xf32>
    %slice3A = vector.extract_strided_slice %get3A_77 {offsets = [0, 0], sizes = [1, 64], strides = [1, 1]} : vector<2x64xf32> to vector<1x64xf32>
    %mul3A = vector.broadcast %slice3A : vector<1x64xf32> to vector<2000x64xf32>
    %mul3A_78 = arith.mulf %max3A_74, %mul3A : vector<2000x64xf32>
    %reduce_sum3A = arith.constant dense<0.000000e+00> : vector<2000xf32>
    %reduce_sum3A_79 = vector.multi_reduction <add>, %mul3A_78, %reduce_sum3A [1] : vector<2000x64xf32> to vector<2000xf32>
    %broadcast_in_dim3A = vector.shape_cast %reduce_sum3A_79 : vector<2000xf32> to vector<2000x1xf32>
    %slice3A_80 = vector.extract_strided_slice %get3A_77 {offsets = [1, 0], sizes = [1, 64], strides = [1, 1]} : vector<2x64xf32> to vector<1x64xf32>
    %mul3A_81 = vector.broadcast %slice3A_80 : vector<1x64xf32> to vector<2000x64xf32>
    %mul3A_82 = arith.mulf %max3A_74, %mul3A_81 : vector<2000x64xf32>
    %reduce_sum3A_83 = arith.constant dense<0.000000e+00> : vector<2000xf32>
    %reduce_sum3A_84 = vector.multi_reduction <add>, %mul3A_82, %reduce_sum3A_83 [1] : vector<2000x64xf32> to vector<2000xf32>
    %broadcast_in_dim3A_85 = vector.shape_cast %reduce_sum3A_84 : vector<2000xf32> to vector<2000x1xf32>
    %concatenate3A = tpu.concatenate %broadcast_in_dim3A, %broadcast_in_dim3A_85 in 1 : vector<2000x1xf32>, vector<2000x1xf32> -> vector<2000x2xf32>
    %get3A_86 = arith.constant 0 : index
    %get3A_87 = arith.constant 0 : index
    %get3A_88 = vector.load %arg17[%get3A_86, %get3A_87] : memref<1x2xf32, #tpu.memory_space<vmem>>, vector<1x2xf32>
    %add3A_89 = vector.broadcast %get3A_88 : vector<1x2xf32> to vector<2000x2xf32>
    %add3A_90 = arith.addf %concatenate3A, %add3A_89 : vector<2000x2xf32>
    %get3A_91 = arith.constant 0 : index
    %get3A_92 = arith.constant 0 : index
    %get3A_93 = vector.load %arg4[%get3A_91, %get3A_92] : memref<2000x12xf32, #tpu.memory_space<vmem>>, vector<2000x12xf32>
    %slice3A_94 = vector.extract_strided_slice %get3A_93 {offsets = [0, 10], sizes = [2000, 2], strides = [1, 1]} : vector<2000x12xf32> to vector<2000x2xf32>
    %slice3A_95 = vector.extract_strided_slice %get3A_93 {offsets = [0, 8], sizes = [2000, 2], strides = [1, 1]} : vector<2000x12xf32> to vector<2000x2xf32>
    %mul3A_96 = arith.constant 2.000000e+00 : f32
    %mul3A_97 = vector.broadcast %mul3A_96 : f32 to vector<2000x2xf32>
    %mul3A_98 = arith.mulf %mul3A_97, %slice3A_94 : vector<2000x2xf32>
    %sub3A = arith.subf %mul3A_98, %slice3A_95 : vector<2000x2xf32>
    %add3A_99 = arith.addf %sub3A, %add3A_90 : vector<2000x2xf32>
    %swap3A = arith.constant 0 : index
    %swap3A_100 = arith.constant 0 : index
    %swap3A_101 = vector.load %arg18[%swap3A, %swap3A_100] : memref<2000x2xf32, #tpu.memory_space<vmem>>, vector<2000x2xf32>
    tpu.vector_store %arg18[%swap3A, %swap3A_100], %add3A_99 {strides = array<i32>} : memref<2000x2xf32, #tpu.memory_space<vmem>>, vector<2000x2xf32>,
    return
  }
  func.func @transform_0(%arg0: i32) -> (i32, i32) {
    %c0_i32 = arith.constant 0 : i32
    %c0_i32_0 = arith.constant 0 : i32
    return %arg0, %c0_i32 : i32, i32
  }
  func.func @transform_1(%arg0: i32) -> (i32, i32) {
    %c0_i32 = arith.constant 0 : i32
    %c0_i32_0 = arith.constant 0 : i32
    return %arg0, %c0_i32 : i32, i32
  }
  func.func @transform_2(%arg0: i32) -> (i32, i32) {
    %c0_i32 = arith.constant 0 : i32
    %c0_i32_0 = arith.constant 0 : i32
    return %arg0, %c0_i32 : i32, i32
  }
  func.func @transform_3(%arg0: i32) -> (i32, i32) {
    %c0_i32 = arith.constant 0 : i32
    %c0_i32_0 = arith.constant 0 : i32
    return %arg0, %c0_i32 : i32, i32
  }
  func.func @transform_4(%arg0: i32) -> (i32, i32) {
    %c0_i32 = arith.constant 0 : i32
    %c0_i32_0 = arith.constant 0 : i32
    %c0_i32_1 = arith.constant 0 : i32
    return %c0_i32, %c0_i32_0 : i32, i32
  }
  func.func @transform_5(%arg0: i32) -> (i32, i32) {
    %c0_i32 = arith.constant 0 : i32
    %c0_i32_0 = arith.constant 0 : i32
    %c0_i32_1 = arith.constant 0 : i32
    return %c0_i32, %c0_i32_0 : i32, i32
  }
  func.func @transform_6(%arg0: i32) -> (i32, i32) {
    %c0_i32 = arith.constant 0 : i32
    %c0_i32_0 = arith.constant 0 : i32
    %c0_i32_1 = arith.constant 0 : i32
    return %c0_i32, %c0_i32_0 : i32, i32
  }
  func.func @transform_7(%arg0: i32) -> (i32, i32) {
    %c0_i32 = arith.constant 0 : i32
    %c0_i32_0 = arith.constant 0 : i32
    %c0_i32_1 = arith.constant 0 : i32
    return %c0_i32, %c0_i32_0 : i32, i32
  }
  func.func @transform_8(%arg0: i32) -> (i32, i32) {
    %c0_i32 = arith.constant 0 : i32
    %c0_i32_0 = arith.constant 0 : i32
    %c0_i32_1 = arith.constant 0 : i32
    return %c0_i32, %c0_i32_0 : i32, i32
  }
  func.func @transform_9(%arg0: i32) -> (i32, i32) {
    %c0_i32 = arith.constant 0 : i32
    %c0_i32_0 = arith.constant 0 : i32
    %c0_i32_1 = arith.constant 0 : i32
    return %c0_i32, %c0_i32_0 : i32, i32
  }
  func.func @transform_10(%arg0: i32) -> (i32, i32) {
    %c0_i32 = arith.constant 0 : i32
    %c0_i32_0 = arith.constant 0 : i32
    %c0_i32_1 = arith.constant 0 : i32
    return %c0_i32, %c0_i32_0 : i32, i32
  }
  func.func @transform_11(%arg0: i32) -> (i32, i32) {
    %c0_i32 = arith.constant 0 : i32
    %c0_i32_0 = arith.constant 0 : i32
    %c0_i32_1 = arith.constant 0 : i32
    return %c0_i32, %c0_i32_0 : i32, i32
  }
  func.func @transform_12(%arg0: i32) -> (i32, i32) {
    %c0_i32 = arith.constant 0 : i32
    %c0_i32_0 = arith.constant 0 : i32
    %c0_i32_1 = arith.constant 0 : i32
    return %c0_i32, %c0_i32_0 : i32, i32
  }
  func.func @transform_13(%arg0: i32) -> (i32, i32) {
    %c0_i32 = arith.constant 0 : i32
    %c0_i32_0 = arith.constant 0 : i32
    %c0_i32_1 = arith.constant 0 : i32
    return %c0_i32, %c0_i32_0 : i32, i32
  }
  func.func @transform_14(%arg0: i32) -> (i32, i32) {
    %c0_i32 = arith.constant 0 : i32
    %c0_i32_0 = arith.constant 0 : i32
    %c0_i32_1 = arith.constant 0 : i32
    return %c0_i32, %c0_i32_0 : i32, i32
  }
  func.func @transform_15(%arg0: i32) -> (i32, i32) {
    %c0_i32 = arith.constant 0 : i32
    %c0_i32_0 = arith.constant 0 : i32
    %c0_i32_1 = arith.constant 0 : i32
    return %c0_i32, %c0_i32_0 : i32, i32
  }
  func.func @transform_16(%arg0: i32) -> (i32, i32) {
    %c0_i32 = arith.constant 0 : i32
    %c0_i32_0 = arith.constant 0 : i32
    %c0_i32_1 = arith.constant 0 : i32
    return %c0_i32, %c0_i32_0 : i32, i32
  }
  func.func @transform_17(%arg0: i32) -> (i32, i32) {
    %c0_i32 = arith.constant 0 : i32
    %c0_i32_0 = arith.constant 0 : i32
    return %arg0, %c0_i32 : i32, i32
  }
}

</mosaic_0001>

<sc_bundles>
// kernel: kernel.11.cloned.1.call-start
scs
__scs_entry_jumppad:
0x0: {  	(pc) =	sbr.rel $0x88, $3  }
0x1: {  	(tag) =	ssettag $0x0;
	lr =	simm.s32 $0x1  }
0x2: {  	[smem:$0x3F73] =	sst lr;
	_ =	strace $0xD0000000  }
0x3: {  	_ = 	snop  }
0x4: {  	_ = 	snop  }
0x5: {  	_ = 	snop  }
0x6: {  	_ = 	snop  }
0x7: {  	_ = 	snop  }
__scs_overlays_trampoline_lowered:
0x8: {  	[smem:$0x3F82] =	sst s0  }
0x9: {  	[smem:$0x3F83] =	sst s1  }
0xa: {  	[smem:$0x3F84] =	sst s2  }
0xb: {  	[smem:$0x3F85] =	sst s3  }
0xc: {  	[smem:$0x3F86] =	sst s4  }
0xd: {  	[smem:$0x3F87] =	sst s5  }
0xe: {  	[smem:$0x3F88] =	sst s6  }
0xf: {  	[smem:$0x3F89] =	sst s7  }
0x10: {  	[smem:$0x3F8A] =	sst s8  }
0x11: {  	[smem:$0x3F8B] =	sst s9;
	s0 =	simm.s32 @!p0 $0x0  }
0x12: {  	s1 =	sld [smem:$0x3F71];
	s0 =	simm.s32 @p0 $0x1  }
0x13: {  	[smem:$0x3F8C] =	sst s0;
	s0 =	simm.s32 @!p1 $0x0  }
0x14: {  	s2 =	sld [smem:$0x3F70];
	s0 =	simm.s32 @p1 $0x1  }
0x15: {  	[smem:$0x3F8D] =	sst s0;
	s0 =	simm.s32 @!p2 $0x0  }
0x16: {  	s3 =	sld [smem:$0x3FDB];
	s0 =	simm.s32 @p2 $0x1  }
0x17: {  	s4 =	simm.s32 $0x1BF5;
	[smem:$0x3F8F] =	sst s0  }
0x18: {  	s0 =	sld [smem:$0x3F72];
	_ =	swait.ge [sflag:s4], $0x0  }
0x19: {  	s7 =	sld [smem:$0x3F73]  }
0x1a: {  	s8 =	sadd.s32 $0xFFFFE003, lr  }
0x1b: {  	s9 =	sadd.s32 $0xFFFFFEF7, lr;
	s5 =	simm.s32 $0xFFFFFFFF;
	p2 =	slt.u32 s8, $0xFFFFF086  }
0x1c: {  	p1 =	slt.u32 s9, $0xF7A;
	s5 =	simm.s32 @!p2 $0x0  }
0x1d: {  	s5 =	simm.s32 @p1 $0x1;
	p0 =	seq.s32 s7, s2  }
0x1e: {  	s7 =	smul.u32 @!p0 $0xF7A, s2;
	p2 =	seq.s32 @!p0 s5, $0x0  }
0x1f: {  	s9 =	smul.u32 $0xF7A, s1;
	s8 =	simm.s32 @!p0 $0x1BF5;
	p2 =	por !p2, p0  }
0x20: {  	[sflag:s8] =	ssyncset.s32 @!p0 $0xFFFFF086;
	s6 =	sadd.s32 @!p0 s3, s7;
	s7 =	simm.s32 @!p0 $0x108  }
0x21: {  	s3 =	sadd.s32 s3, s9;
	s6 =	sadd.s32 @!p0 $0x88, s6;
	s7 =	simm.s32 @p2 $0x1082  }
0x22: {  	[simem:s7], [sflag:s8] =	dma.local @!p0 [hbm:s6], $0xF7A  }
0x23: {  	s9 =	sor.u32 $0xD0000000, s2;
	s6 =	simm.s32 $0x108;
	_ =	swait.ge @!p0 [sflag:s8], $0x0  }
0x24: {  	s3 =	sadd.s32 $0x88, s3;
	s6 =	simm.s32 @!p1 $0x1082;
	[sflag:s4] =	ssyncset.s32 $0xFFFFF086  }
0x25: {  	[simem:s6], [sflag:s4] =	dma.local [hbm:s3], $0xF7A  }
0x26: {  	[smem:$0x3F73] =	sst s1;
	(tag) =	ssettag s2;
	_ =	strace s9  }
0x27: {  	s1 =	sld [smem:$0x3F83]  }
0x28: {  	s2 =	sld [smem:$0x3F84]  }
0x29: {  	s4 =	sld [smem:$0x3F86]  }
0x2a: {  	p0 =	seq.s32 s5, $0x0;
	s5 =	sld [smem:$0x3F87]  }
0x2b: {  	s6 =	sld [smem:$0x3F88]  }
0x2c: {  	s7 =	sld [smem:$0x3F89]  }
0x2d: {  	s3 =	simm.s32 $0x108;
	s8 =	sld [smem:$0x3F8A]  }
0x2e: {  	s3 =	simm.s32 @!p0 $0x1082;
	s9 =	sld [smem:$0x3F8B]  }
0x2f: {  	lr =	sadd.s32 s0, s3;
	s0 =	sld [smem:$0x3F82]  }
0x30: {  	s3 =	sld [smem:$0x3F85]  }
0x31: {  	[smem:$0x3F8E] =	sst s10  }
0x32: {  	s10 =	sld [smem:$0x3F8C];
	_ =	sdelay $0x3  }
0x33: {  	p0 =	seq.s32 s10, $0x1;
	s10 =	sld [smem:$0x3F8E];
	_ =	sdelay $0x3  }
0x34: {  	[smem:$0x3F8E] =	sst s10  }
0x35: {  	s10 =	sld [smem:$0x3F8D];
	_ =	sdelay $0x3  }
0x36: {  	p1 =	seq.s32 s10, $0x1;
	s10 =	sld [smem:$0x3F8E];
	_ =	sdelay $0x3  }
0x37: {  	[smem:$0x3F8E] =	sst s10  }
0x38: {  	s10 =	sld [smem:$0x3F8F]  }
0x39: {  	_ = 	snop;
	(pc) =	sbr.ind lr, $3  }
0x3a: {  	_ = 	snop  }
0x3b: {  	_ = 	snop  }
0x3c: {  	p2 =	seq.s32 s10, $0x1;
	s10 =	sld [smem:$0x3F8E]  }
0x3d: {  	_ =	shalt  }
0x3e: {  	_ =	shalt  }
0x3f: {  	_ =	shalt  }
0x40: {  	_ =	shalt  }
0x41: {  	_ =	shalt  }
0x42: {  	_ =	shalt  }
0x43: {  	_ =	shalt  }
0x44: {  	_ =	shalt  }
0x45: {  	_ =	shalt  }
0x46: {  	_ =	shalt  }
0x47: {  	_ =	shalt  }
0x48: {  	_ =	shalt  }
0x49: {  	_ =	shalt  }
0x4a: {  	_ =	shalt  }
0x4b: {  	_ =	shalt  }
0x4c: {  	_ =	shalt  }
0x4d: {  	_ =	shalt  }
0x4e: {  	_ =	shalt  }
0x4f: {  	_ =	shalt  }
0x50: {  	_ =	shalt  }
0x51: {  	_ =	shalt  }
0x52: {  	_ =	shalt  }
0x53: {  	_ =	shalt  }
0x54: {  	_ =	shalt  }
0x55: {  	_ =	shalt  }
0x56: {  	_ =	shalt  }
0x57: {  	_ =	shalt  }
0x58: {  	_ =	shalt  }
0x59: {  	_ =	shalt  }
0x5a: {  	_ =	shalt  }
0x5b: {  	_ =	shalt  }
0x5c: {  	_ =	shalt  }
0x5d: {  	_ =	shalt  }
0x5e: {  	_ =	shalt  }
0x5f: {  	_ =	shalt  }
0x60: {  	_ =	shalt  }
0x61: {  	_ =	shalt  }
0x62: {  	_ =	shalt  }
0x63: {  	_ =	shalt  }
0x64: {  	_ =	shalt  }
0x65: {  	_ =	shalt  }
0x66: {  	_ =	shalt  }
0x67: {  	_ =	shalt  }
0x68: {  	_ =	shalt  }
0x69: {  	_ =	shalt  }
0x6a: {  	_ =	shalt  }
0x6b: {  	_ =	shalt  }
0x6c: {  	_ =	shalt  }
0x6d: {  	_ =	shalt  }
0x6e: {  	_ =	shalt  }
0x6f: {  	_ =	shalt  }
0x70: {  	_ =	shalt  }
0x71: {  	_ =	shalt  }
0x72: {  	_ =	shalt  }
0x73: {  	_ =	shalt  }
0x74: {  	_ =	shalt  }
0x75: {  	_ =	shalt  }
0x76: {  	_ =	shalt  }
0x77: {  	_ =	shalt  }
0x78: {  	_ =	shalt  }
0x79: {  	_ =	shalt  }
0x7a: {  	_ =	shalt  }
0x7b: {  	_ =	shalt  }
0x7c: {  	_ =	shalt  }
0x7d: {  	_ =	shalt  }
0x7e: {  	_ =	shalt  }
0x7f: {  	_ =	shalt  }
0x80: {  	_ =	shalt  }
0x81: {  	_ =	shalt  }
0x82: {  	_ =	shalt  }
0x83: {  	_ =	shalt  }
0x84: {  	_ =	shalt  }
0x85: {  	_ =	shalt  }
0x86: {  	_ =	shalt  }
0x87: {  	_ =	shalt  }
.Lfunc_end0:
.L_simem_size_0:
called_computation_lowered:
.L_overlay_start_0:
0x88: {  	s2 =	sld [smem:$0x3FD9]  }
0x89: {  	s3 =	sld [smem:$0x3FFE];
	_ =	sdelay $0x1  }
0x8a: {  	s1 =	srdreg.scid  }
0x8b: {  	s0 =	sand.u32 $0x1, s1  }
0x8c: {  	s17 =	sshll.u32 s0, $0xA;
	s2 =	sadd.s32 s3, s2  }
0x8d: {  	s2 =	sadd.s32 s2, s17  }
0x8e: {  	[smem:$0x3F9A] =	sst s2  }
0x8f: {  	_ = 	snop  }
0x90: {  	s2 =	sld [smem:$0x3FD0];
	(tm) =	ssettm $0x1  }
0x91: {  	s18 =	sld [smem:$0x3FFB];
	_ =	sdelay $0x3  }
0x92: {  	_ =	strace s18  }
0x93: {  	s3 =	sld [smem:$0x3FFC];
	_ =	sdelay $0x3  }
0x94: {  	_ =	strace s3  }
0x95: {  	s3 =	sld [smem:$0x3FFD];
	_ =	sdelay $0x3  }
0x96: {  	_ =	strace s3  }
0x97: {  	_ =	strace $0x8FFFFFFF  }
0x98: {  	s19 =	sld [smem:$0x3FDB];
	_ =	sdelay $0x1  }
0x99: {  	s4 =	simm.s32 $_scs_section_size  }
0x9a: {  	s5 =	simm.s32 $_size__tile_overlayer_lowered;
	s6 =	simm.s32 $_tile_overlayer_lowered  }
0x9b: {  	s22 =	simm.s32 $0x1BFF;
	s21 =	sshll.u32 s6, $0x1;
	s3 =	sadd.s32 s4, s19  }
0x9c: {  	s7 =	simm.s32 $0x0;
	s20 =	sshll.u32 s5, $0x1;
	s5 =	sadd.s32 s21, s3  }
0x9d: {  	[timem:s7], [sflag:s22] =	dma.local [hbm:s5], s20  }
0x9e: {  	_ =	swait.ge [sflag:s22], s20  }
0x9f: {  	s4 =	ssub.s32 $0x0, s20;
	[sflag:s22] =	ssyncset.done $0x0  }
0xa0: {  	[sflag:s22] =	ssyncadd.s32 s4;
	_ =	sdelay $0x1  }
0xa1: {  	s23 =	simm.s32 $0x1B8B  }
0xa2: {  	_ =	swait.ge [sflag:s23], $0x1  }
0xa3: {  	[sflag:s23] =	ssyncset.done $0x0  }
0xa4: {  	s25 =	simm.s32 $0x1B8E;
	s24 =	sld [smem:$0x3FFE];
	[sflag:s23] =	ssyncadd.s32 $0xFFFFFFFF  }
0xa5: {  	s26 =	simm.s32 $execute0_lowered;
	[smem:$0x3FD2] =	sst s25  }
0xa6: {  	s5 =	sshll.u32 s26, $0x1;
	_ =	strace $0x80000046;
	[dreg:$0x1] =	wrdreg $0xFFFFFFFF  }
0xa7: {  	s28 =	simm.s32 $_size_execute0_lowered;
	s3 =	sadd.s32 s3, s5;
	[dreg:$0x0] =	wrdreg $0x0  }
0xa8: {  	s5 =	sshll.u32 s28, $0x1;
	[dreg:$0x2] =	wrdreg s3  }
0xa9: {  	[dreg:$0x3] =	wrdreg s5  }
0xaa: {  	[dreg:$0x4] =	wrdreg $0xC0  }
0xab: {  	_ =	task [dreg:s7], $0x5FFFF  }
0xac: {  	[dreg:$0x1] =	wrdreg $0xFFFFFFFF  }
0xad: {  	[dreg:$0x0] =	wrdreg $0x60  }
0xae: {  	[dreg:$0x2] =	wrdreg s24  }
0xaf: {  	[dreg:$0x3] =	wrdreg s2  }
0xb0: {  	[dreg:$0x4] =	wrdreg $0x92000  }
0xb1: {  	[dreg:$0x5] =	wrdreg $0x9  }
0xb2: {  	_ =	task.clear_ibuf [dreg:s7], $0x6FFFF;
	_ =	strace $0x90000046  }
0xb3: {  	s29 =	simm.s32 $0x9;
	_ =	strace $0x80000048  }
0xb4: {  	_ =	swait.ge [sflag:s29], $0x1  }
0xb5: {  	[sflag:s29] =	ssyncadd.s32 $0xFFFFFFFF  }
0xb6: {  	_ =	strace $0x90000048  }
0xb7: {  	_ =	sfence  }
0xb8: {  	s30 =	sld [smem:$0x0];
	_ =	sdelay $0x2  }
0xb9: {  	s31 =	sshll.u32 s1, $0xD;
	s1 =	sshrl.u32 s1, $0x2  }
0xba: {  	s3 =	sand.u32 $0x4000, s31;
	s1 =	sadd.s32 s1, s30  }
0xbb: {  	s0 =	sor.u32 s3, s0;
	s1 =	sshll.u32 s1, $0x11  }
0xbc: {  	s0 =	sor.u32 s1, s0  }
0xbd: {  	s0 =	sadd.s32 $0x8F2B, s0  }
0xbe: {  	[sflag:s0] =	ssyncadd.remote.s32 $0x1  }
0xbf: {  	_ =	sfence.sel $0xFFFF  }
0xc0: {  	[dreg:$0x0] =	wrdreg $0xFFFFFFFF;
	(pc) =	sbr.abs _section_cstart, $3  }
0xc1: {  	[dreg:$0x1] =	wrdreg $0xFFFFFFFF  }
0xc2: {  	_ =	task.clear_ibuf [dreg:s7], $0x2FFFF;
	_ =	strace $0x9FFFFFFF  }
0xc3: {  	(tm) =	ssettm $0x7FFFFFFF  }
tec
execute0_lowered:
.L_overlay_start_1:
0x0: {  	(tag) =	ssettag $0x1  }
0x1: {  	s0 =	rddreg [dreg:$0x0]  }
0x2: {  	s2 =	rddreg [dreg:$0x2]  }
0x3: {  	s3 =	simm.s32 $0x0;
	s6 =	stileid.u32;
	s4 =	srdreg.scid  }
0x4: {  	s28 =	simm.s32 $0x3;
	s29 =	simm.s32 $0x100;
	s30 =	simm.s32 $0x9080  }
0x5: {  	s31 =	simm.s32 $0x9100;
	[smem:$0x7FF] =	sst s3;
	s5 =	sadd.s32 $0x30A00, s0  }
0x6: {  	s7 =	sadd.s32 $0x6B800, s0;
	s1 =	sadd.s32 $0x30400, s0;
	s21 =	sshll.u32 s6, $0x4  }
0x7: {  	s4 =	sand.u32 $0x1, s4;
	s8 =	smul.u32 $0x4E000, s6;
	s9 =	sshll.u32 s6, $0xB  }
0x8: {  	s11 =	smul.u32 $0x2700, s6;
	s23 =	sadd.s32 $0x138000, s2;
	p2 =	seq.s32 s6, $0x0  }
0x9: {  	p0 =	sne.s32 s6, $0x0;
	_ =	strace $0x80000047;
	[dreg:$0x6] =	wrdreg s1  }
0xa: {  	s1 =	sadd.s32 s21, s0;
	s10 =	ssub.s32 $0x2, s4;
	[dreg:$0x5] =	wrdreg s7  }
0xb: {  	s0 =	sadd.s32 s9, s0;
	[dreg:$0x4] =	wrdreg s5;
	s21 =	sshll.u32 s4, $0x4  }
0xc: {  	s25 =	sshll.u32 s4, $0x8;
	p1 =	sne.s32 s4, $0x0;
	s26 =	sshrl.u32 s23, $0x3  }
0xd: {  	s23 =	simm.s32 $0x0;
	s22 =	sshrl.u32 s10, $0x1;
	s8 =	sshrl.u32 s8, $0x2  }
0xe: {  	s7 =	sadd.s32 s7, s11;
	s5 =	sadd.s32 s5, s11;
	s12 =	sadd.s32 $0x61A00, s1  }
0xf: {  	s13 =	sadd.s32 $0x5B9600, s0;
	s14 =	sadd.s32 $0x57C00, s1;
	s1 =	sadd.s32 s25, s1  }
0x10: {  	s15 =	sadd.s32 $0xD7600, s0;
	[dreg:$0xb] =	wrdreg s26;
	s26 =	simm.s32 $0x80  }
0x11: {  	s0 =	simm.s32 $0x9180;
	s9 =	ssub.s32 s10, s22;
	[dreg:$0x8] =	wrdreg s7  }
.Ltmp0:
0x12: {  	s8 =	sadd.s32 s8, s2;
	[dreg:$0x9] =	wrdreg s5;
	(pc) =	sbr.rel .LBB2_1-.Ltmp0, $4  }
0x13: {  	s16 =	sadd.s32 $0xCD800, s1;
	s17 =	sadd.s32 $0xC3A00, s1;
	s18 =	sadd.s32 $0xB9C00, s1  }
0x14: {  	s19 =	sadd.s32 s25, s12;
	s20 =	sadd.s32 s25, s14;
	s22 =	simm.s32 $0x2  }
0x15: {  	s25 =	simm.s32 $0x6900;
	[dreg:$0x7] =	wrdreg s8;
	s24 =	smax.u32 s9, $0x1  }
0x16: {  	s9 =	sor.u32 s21, s6;
	[dreg:$0xa] =	wrdreg s24;
	s24 =	simm.s32 $0x4180  }
.LBB2_16:
0x17: {  	s23 =	sadd.s32 $0x1, s23;
	s1 =	rddreg [dreg:$0xa]  }
0x18: {  	p3 =	sne.s32 s23, s1  }
.Ltmp1:
0x19: {  	_ = 	snop;
	(pc) =	sbr.rel @!p3 .LBB2_17-.Ltmp1, $1  }
0x1a: {  	_ =	sdelay $0x3  }
.LBB2_1:
.Ltmp2:
0x1b: {  	(pc) =	sbr.rel @p1 .LBB2_3-.Ltmp2, $3  }
0x1c: {  	_ =	sdelay $0x1  }
0x1d: {  	s10 =	sshll.u32 s6, $0x6;
	s1 =	rddreg [dreg:$0x7]  }
0x1e: {  	s4 =	sshrl.u32 s1, $0x3;
	s1 =	sor.u32 $0x1C02, s10  }
0x1f: {  	s1 =	sor.u32 $0x1C02, s10;
	s5 =	rddreg [dreg:$0x9]  }
0x20: {  	[spmem:s4], [sflag:s1] =	dma.local [hbm:s5], $0x2700  }
.Ltmp3:
0x21: {  	_ = 	snop;
	(pc) =	sbr.rel @!p2 .LBB2_5-.Ltmp3, $4  }
.Ltmp4:
0x22: {  	_ = 	snop;
	(pc) =	sbr.rel @p2 .LBB2_4-.Ltmp4, $4  }
0x23: {  	_ =	swait.ge [sflag:s22], $0x2700  }
0x24: {  	[sflag:s22] =	ssyncset.done $0x0  }
0x25: {  	s4 =	rddreg [dreg:$0x4];
	[sflag:s22] =	ssyncadd.s32 $0xFFFFD900  }
0x26: {  	_ = 	snop  }
.LBB2_3:
.Ltmp5:
0x27: {  	s5 =	rddreg [dreg:$0x8];
	(pc) =	sbr.rel @p0 .LBB2_5-.Ltmp5, $4  }
0x28: {  	[spmem:s4], [sflag:s1] =	dma.local [hbm:s5], $0x2700  }
0x29: {  	_ =	swait.ge [sflag:s22], $0x2700  }
0x2a: {  	[sflag:s22] =	ssyncset.done $0x0  }
0x2b: {  	s4 =	rddreg [dreg:$0x5];
	[sflag:s22] =	ssyncadd.s32 $0xFFFFD900  }
.LBB2_4:
0x2c: {  	s4 =	sadd.s32 $0x27000, s4;
	s5 =	rddreg [dreg:$0xb]  }
0x2d: {  	[spmem:s5], [sflag:s1] =	dma.local [hbm:s4], $0x100  }
0x2e: {  	_ =	swait.ge [sflag:s22], $0x100  }
0x2f: {  	[sflag:s22] =	ssyncset.done $0x0  }
0x30: {  	[sflag:s22] =	ssyncadd.s32 $0xFFFFFF00  }
.LBB2_5:
0x31: {  	s1 =	simm.s32 $0x0;
	s4 =	rddreg [dreg:$0x6]  }
0x32: {  	[tilespmem:s24], [sflag:$0x2] =	stream.linear.gather [hbm4b:s4+s1], $0x2780, $0x38;
	[tilespmem:$0x12E40] =	vst v63  }
0x33: {  	_ =	swait.ge [sflag:s22], $0x2780  }
0x34: {  	[sflag:s22] =	ssyncset.done $0x0  }
0x35: {  	[sflag:s22] =	ssyncadd.s32 $0xFFFFD880  }
0x36: {  	s11 =	rddreg [dreg:$0x1]  }
0x37: {  	[tilespmem:s25], [sflag:$0x2] =	stream.linear.gather [hbm4b:s11+s1], $0x2780, $0x38;
	[tilespmem:$0x12E40] =	vst v63  }
.Ltmp6:
0x38: {  	_ =	swait.ge [sflag:s22], $0x2780;
	(pc) =	sbr.rel @p1 .LBB2_9-.Ltmp6, $4  }
0x39: {  	[sflag:s22] =	ssyncset.done $0x0  }
0x3a: {  	[sflag:s22] =	ssyncadd.s32 $0xFFFFD880  }
0x3b: {  	s21 =	sadd.s32 $0x0, s6;
	[bflag:$0x0] =	sbarrier.arrive $0xFFFF  }
0x3c: {  	p3 =	sgt.u32 s21, $0x9C3  }
0x3d: {  	s1 =	simm.s32 @!p3 $0x0;
	s4 =	simm.s32 @!p3 $0x3  }
0x3e: {  	[tilespmem:s1], [sflag:$0x3] =	stream.linear.gather @!p3 [hbm4b:s14+s1], $0x80, $0x38;
	[tilespmem:$0x12E40] =	vst v63  }
0x3f: {  	_ =	swait.ge @!p3 [sflag:s4], $0x80  }
0x40: {  	s10 =	simm.s32 @!p3 $0x1;
	[sflag:s4] =	ssyncset.done @!p3 $0x0  }
0x41: {  	s5 =	simm.s32 @!p3 $0x180;
	[sflag:s4] =	ssyncadd.s32 @!p3 $0xFFFFFF80;
	s4 =	simm.s32 @!p3 $0x80  }
0x42: {  	[tilespmem:s5], [sflag:$0x1] =	stream.indirect.gather @!p3 [spmem:s2], $0x40, s1, s4, $0xb8;
	[tilespmem:$0x12E40] =	vst v63  }
0x43: {  	p4 =	por p3, p3;
	_ =	swait.ge @!p3 [sflag:s10], $0x2000  }
0x44: {  	[sflag:s10] =	ssyncset.done @!p4 $0x0  }
0x45: {  	s11 =	sadd.s32 $0x10, s6;
	s4 =	simm.s32 @!p4 $0x2;
	[sflag:s10] =	ssyncadd.s32 @!p4 $0xFFFFE000  }
0x46: {  	[hbm4b:s15+s1] =	stream.linear.scatter @!p4 [tilespmem:s5], [sflag:$0x2], $0x4000, $0x38;
	[tilespmem:$0x12E40] =	vst v63  }
0x47: {  	s21 =	simm.s32 $0x20;
	p3 =	sgt.u32 s11, $0x9C3;
	_ =	swait.ge @!p4 [sflag:s4], $0x4000  }
0x48: {  	s10 =	sadd.s32 $0x100, s14;
	s1 =	sadd.s32 $0x8000, s15;
	[sflag:s4] =	ssyncset.done @!p4 $0x0  }
.LBB2_7:
0x49: {  	s5 =	simm.s32 @!p3 $0x0;
	s7 =	simm.s32 @!p3 $0x3;
	[sflag:s4] =	ssyncadd.s32 @!p4 $0xFFFFC000  }
0x4a: {  	[tilespmem:s5], [sflag:$0x3] =	stream.linear.gather @!p3 [hbm4b:s10+s5], $0x80, $0x38;
	[tilespmem:$0x12E40] =	vst v63  }
0x4b: {  	s8 =	smov.u32 s21;
	s21 =	sadd.s32 $0x10, s21;
	_ =	swait.ge @!p3 [sflag:s7], $0x80  }
0x4c: {  	s4 =	simm.s32 @!p3 $0x1;
	p5 =	seq.s32 s21, $0x9D0;
	[sflag:s7] =	ssyncset.done @!p3 $0x0  }
0x4d: {  	s11 =	simm.s32 @!p3 $0x180;
	[sflag:s7] =	ssyncadd.s32 @!p3 $0xFFFFFF80;
	s7 =	simm.s32 @!p3 $0x80  }
0x4e: {  	[tilespmem:s11], [sflag:$0x1] =	stream.indirect.gather @!p3 [spmem:s2], $0x40, s5, s7, $0xb8;
	[tilespmem:$0x12E40] =	vst v63  }
0x4f: {  	p4 =	por p3, p3;
	_ =	swait.ge @!p3 [sflag:s4], $0x2000  }
.Ltmp7:
0x50: {  	[sflag:s4] =	ssyncset.done @!p4 $0x0;
	(pc) =	sbr.rel @!p5 .LBB2_7-.Ltmp7, $4  }
0x51: {  	[sflag:s4] =	ssyncadd.s32 @!p4 $0xFFFFE000;
	s4 =	simm.s32 @!p4 $0x2  }
0x52: {  	[hbm4b:s1+s5] =	stream.linear.scatter @!p4 [tilespmem:s11], [sflag:$0x2], $0x4000, $0x38;
	[tilespmem:$0x12E40] =	vst v63  }
0x53: {  	s5 =	sadd.s32 s8, s6;
	s1 =	sadd.s32 $0x8000, s1;
	_ =	swait.ge @!p4 [sflag:s4], $0x4000  }
0x54: {  	s10 =	sadd.s32 $0x100, s10;
	p3 =	sgt.u32 s5, $0x9C3;
	[sflag:s4] =	ssyncset.done @!p4 $0x0  }
0x55: {  	s5 =	simm.s32 @!p3 $0x0;
	s7 =	simm.s32 @!p3 $0x3;
	[sflag:s4] =	ssyncadd.s32 @!p4 $0xFFFFC000  }
0x56: {  	[tilespmem:s5], [sflag:$0x3] =	stream.linear.gather @!p3 [hbm4b:s10+s5], $0x80, $0x38;
	[tilespmem:$0x12E40] =	vst v63  }
0x57: {  	_ =	swait.ge @!p3 [sflag:s7], $0x80  }
0x58: {  	s4 =	simm.s32 @!p3 $0x1;
	[sflag:s7] =	ssyncset.done @!p3 $0x0  }
0x59: {  	s8 =	simm.s32 @!p3 $0x180;
	[sflag:s7] =	ssyncadd.s32 @!p3 $0xFFFFFF80;
	s7 =	simm.s32 @!p3 $0x80  }
0x5a: {  	[tilespmem:s8], [sflag:$0x1] =	stream.indirect.gather @!p3 [spmem:s2], $0x40, s5, s7, $0xb8;
	[tilespmem:$0x12E40] =	vst v63  }
0x5b: {  	_ =	swait.ge @!p3 [sflag:s4], $0x2000;
	p3 =	por p3, p3  }
0x5c: {  	[sflag:s4] =	ssyncset.done @!p3 $0x0  }
.Ltmp8:
0x5d: {  	[sflag:s4] =	ssyncadd.s32 @!p3 $0xFFFFE000;
	s4 =	simm.s32 @!p3 $0x2;
	(pc) =	sbr.rel .LBB2_12-.Ltmp8, $4  }
0x5e: {  	[hbm4b:s1+s5] =	stream.linear.scatter @!p3 [tilespmem:s8], [sflag:$0x2], $0x4000, $0x38;
	[tilespmem:$0x12E40] =	vst v63  }
0x5f: {  	_ =	swait.ge @!p3 [sflag:s4], $0x4000  }
0x60: {  	[sflag:s4] =	ssyncset.done @!p3 $0x0  }
0x61: {  	[sflag:s4] =	ssyncadd.s32 @!p3 $0xFFFFC000  }
.LBB2_9:
0x62: {  	s1 =	simm.s32 @!p3 $0x0;
	s4 =	simm.s32 @!p3 $0x3  }
0x63: {  	[tilespmem:s1], [sflag:$0x3] =	stream.linear.gather @!p3 [hbm4b:s12+s1], $0x80, $0x38;
	[tilespmem:$0x12E40] =	vst v63  }
0x64: {  	_ =	swait.ge @!p3 [sflag:s4], $0x80  }
0x65: {  	s5 =	simm.s32 @!p3 $0x1;
	[sflag:s4] =	ssyncset.done @!p3 $0x0  }
0x66: {  	s7 =	simm.s32 @!p3 $0x180;
	[sflag:s4] =	ssyncadd.s32 @!p3 $0xFFFFFF80;
	s4 =	simm.s32 @!p3 $0x80  }
0x67: {  	[tilespmem:s7], [sflag:$0x1] =	stream.indirect.gather @!p3 [spmem:s2], $0x40, s1, s4, $0xb8;
	[tilespmem:$0x12E40] =	vst v63  }
0x68: {  	p4 =	por p3, p3;
	_ =	swait.ge @!p3 [sflag:s5], $0x2000  }
0x69: {  	[sflag:s5] =	ssyncset.done @!p4 $0x0  }
0x6a: {  	s21 =	simm.s32 $0x20;
	s4 =	simm.s32 @!p4 $0x2;
	[sflag:s5] =	ssyncadd.s32 @!p4 $0xFFFFE000  }
0x6b: {  	[hbm4b:s13+s1] =	stream.linear.scatter @!p4 [tilespmem:s7], [sflag:$0x2], $0x4000, $0x38;
	[tilespmem:$0x12E40] =	vst v63  }
0x6c: {  	s11 =	sadd.s32 $0x10, s6;
	s10 =	sadd.s32 $0x100, s12;
	_ =	swait.ge @!p4 [sflag:s4], $0x4000  }
0x6d: {  	p3 =	sgt.u32 s11, $0x9C3;
	s1 =	sadd.s32 $0x8000, s13;
	[sflag:s4] =	ssyncset.done @!p4 $0x0  }
.LBB2_10:
0x6e: {  	s5 =	simm.s32 @!p3 $0x0;
	s7 =	simm.s32 @!p3 $0x3;
	[sflag:s4] =	ssyncadd.s32 @!p4 $0xFFFFC000  }
0x6f: {  	[tilespmem:s5], [sflag:$0x3] =	stream.linear.gather @!p3 [hbm4b:s10+s5], $0x80, $0x38;
	[tilespmem:$0x12E40] =	vst v63  }
0x70: {  	s8 =	smov.u32 s21;
	s21 =	sadd.s32 $0x10, s21;
	_ =	swait.ge @!p3 [sflag:s7], $0x80  }
0x71: {  	s4 =	simm.s32 @!p3 $0x1;
	p5 =	sne.s32 s21, $0x9D0;
	[sflag:s7] =	ssyncset.done @!p3 $0x0  }
0x72: {  	s11 =	simm.s32 @!p3 $0x180;
	[sflag:s7] =	ssyncadd.s32 @!p3 $0xFFFFFF80;
	s7 =	simm.s32 @!p3 $0x80  }
0x73: {  	[tilespmem:s11], [sflag:$0x1] =	stream.indirect.gather @!p3 [spmem:s2], $0x40, s5, s7, $0xb8;
	[tilespmem:$0x12E40] =	vst v63  }
0x74: {  	p4 =	por p3, p3;
	_ =	swait.ge @!p3 [sflag:s4], $0x2000  }
.Ltmp9:
0x75: {  	[sflag:s4] =	ssyncset.done @!p4 $0x0;
	(pc) =	sbr.rel @p5 .LBB2_10-.Ltmp9, $4  }
0x76: {  	[sflag:s4] =	ssyncadd.s32 @!p4 $0xFFFFE000;
	s4 =	simm.s32 @!p4 $0x2  }
0x77: {  	[hbm4b:s1+s5] =	stream.linear.scatter @!p4 [tilespmem:s11], [sflag:$0x2], $0x4000, $0x38;
	[tilespmem:$0x12E40] =	vst v63  }
0x78: {  	s5 =	sadd.s32 s8, s6;
	s1 =	sadd.s32 $0x8000, s1;
	_ =	swait.ge @!p4 [sflag:s4], $0x4000  }
0x79: {  	s10 =	sadd.s32 $0x100, s10;
	p3 =	sgt.u32 s5, $0x9C3;
	[sflag:s4] =	ssyncset.done @!p4 $0x0  }
0x7a: {  	s5 =	simm.s32 @!p3 $0x0;
	s7 =	simm.s32 @!p3 $0x3;
	[sflag:s4] =	ssyncadd.s32 @!p4 $0xFFFFC000  }
0x7b: {  	[tilespmem:s5], [sflag:$0x3] =	stream.linear.gather @!p3 [hbm4b:s10+s5], $0x80, $0x38;
	[tilespmem:$0x12E40] =	vst v63  }
0x7c: {  	_ =	swait.ge @!p3 [sflag:s7], $0x80  }
0x7d: {  	s4 =	simm.s32 @!p3 $0x1;
	[sflag:s7] =	ssyncset.done @!p3 $0x0  }
0x7e: {  	s8 =	simm.s32 @!p3 $0x180;
	[sflag:s7] =	ssyncadd.s32 @!p3 $0xFFFFFF80;
	s7 =	simm.s32 @!p3 $0x80  }
0x7f: {  	[tilespmem:s8], [sflag:$0x1] =	stream.indirect.gather @!p3 [spmem:s2], $0x40, s5, s7, $0xb8;
	[tilespmem:$0x12E40] =	vst v63  }
0x80: {  	_ =	swait.ge @!p3 [sflag:s4], $0x2000;
	p3 =	por p3, p3  }
0x81: {  	[sflag:s4] =	ssyncset.done @!p3 $0x0  }
0x82: {  	[sflag:s4] =	ssyncadd.s32 @!p3 $0xFFFFE000;
	s4 =	simm.s32 @!p3 $0x2  }
0x83: {  	[hbm4b:s1+s5] =	stream.linear.scatter @!p3 [tilespmem:s8], [sflag:$0x2], $0x4000, $0x38;
	[tilespmem:$0x12E40] =	vst v63  }
0x84: {  	_ =	swait.ge @!p3 [sflag:s4], $0x4000  }
0x85: {  	[sflag:s4] =	ssyncset.done @!p3 $0x0  }
0x86: {  	[sflag:s4] =	ssyncadd.s32 @!p3 $0xFFFFC000  }
.LBB2_12:
.Ltmp10:
0x87: {  	(pc) =	sbr.rel .LBB2_13-.Ltmp10, $2  }
0x88: {  	_ =	sdelay $0x2  }
0x89: {  	s1 =	simm.s32 $0x0;
	s21 =	smov.u32 s9  }
.LBB2_15:
0x8a: {  	s1 =	sadd.s32 $0x200, s1  }
0x8b: {  	p3 =	sne.s32 s1, $0x9E00  }
.Ltmp11:
0x8c: {  	_ = 	snop;
	(pc) =	sbr.rel @!p3 .LBB2_16-.Ltmp11, $2  }
0x8d: {  	_ =	sdelay $0x2  }
0x8e: {  	s21 =	sadd.s32 $0x20, s21  }
.LBB2_13:
0x8f: {  	p3 =	sgt.u32 s21, $0x9C3  }
.Ltmp12:
0x90: {  	_ = 	snop;
	(pc) =	sbr.rel @p3 .LBB2_15-.Ltmp12, $1  }
0x91: {  	_ =	sdelay $0x3  }
0x92: {  	s4 =	sadd.s32 s1, s20  }
0x93: {  	[tilespmem:s26], [sflag:$0x3] =	stream.linear.gather [hbm4b:s4+s3], $0x80, $0x38;
	[tilespmem:$0x12E40] =	vst v63  }
0x94: {  	_ =	swait.ge [sflag:s28], $0x80  }
0x95: {  	[sflag:s28] =	ssyncset.done $0x0  }
0x96: {  	s7 =	sadd.s32 s1, s19;
	[sflag:s28] =	ssyncadd.s32 $0xFFFFFF80  }
0x97: {  	[tilespmem:s29], [sflag:$0x3] =	stream.linear.gather [hbm4b:s7+s3], $0x80, $0x38;
	[tilespmem:$0x12E40] =	vst v63  }
0x98: {  	_ =	swait.ge [sflag:s28], $0x80  }
0x99: {  	[sflag:s28] =	ssyncset.done $0x0  }
0x9a: {  	[sflag:s28] =	ssyncadd.s32 $0xFFFFFF80  }
0x9b: {  	v0 =	vld [tilespmem:$0x80]  }
0x9c: {  	v1 =	vld [tilespmem:$0x100];
	_ =	sdelay $0x6  }
0x9d: {  	v2 =	vld.idx.msk [tilespmem:v0+s24+$0x0], $0xffff  }
0x9e: {  	v3 =	vld.idx.msk [tilespmem:v1+s24+$0x0], $0xffff  }
0x9f: {  	v0 =	vld.idx.msk [tilespmem:v0+s25+$0x0], $0xffff  }
0xa0: {  	v1 =	vld.idx.msk [tilespmem:v1+s25+$0x0], $0xffff;
	_ =	sdelay $0x4  }
0xa1: {  	v2 =	vsub.f32 v2, v3;
	v0 =	vsub.f32 v0, v1  }
0xa2: {  	v22 =	vld [tilespmem:$0x90]  }
0xa3: {  	v23 =	vld [tilespmem:$0x110];
	v2 =	vmul.f32 $6.666666410e+01, v2;
	v0 =	vmul.f32 $6.666666410e+01, v0;
	_ =	sdelay $0x1  }
0xa4: {  	v4 =	vmul.f32 v2, v2;
	v5 =	vmul.f32 v0, v0;
	_ =	sdelay $0x1  }
0xa5: {  	[tilespmem:$0x9080] =	vst v2;
	v24 =	vadd.f32 v5, v4  }
0xa6: {  	[tilespmem:$0x9100] =	vst v0  }
0xa7: {  	[tilespmem:$0x9180] =	vst v24  }
0xa8: {  	v0 =	vld.idx.msk [tilespmem:v22+s24+$0x0], $0xffff  }
0xa9: {  	v2 =	vld.idx.msk [tilespmem:v23+s24+$0x0], $0xffff  }
0xaa: {  	v1 =	vld.idx.msk [tilespmem:v22+s25+$0x0], $0xffff  }
0xab: {  	v3 =	vld.idx.msk [tilespmem:v23+s25+$0x0], $0xffff;
	_ =	sdelay $0x4  }
0xac: {  	v0 =	vsub.f32 v0, v2;
	v1 =	vsub.f32 v1, v3  }
0xad: {  	v25 =	vld [tilespmem:$0xA0]  }
0xae: {  	v26 =	vld [tilespmem:$0x120];
	v0 =	vmul.f32 $6.666666410e+01, v0;
	v1 =	vmul.f32 $6.666666410e+01, v1;
	_ =	sdelay $0x1  }
0xaf: {  	v27 =	vmul.f32 v0, v0;
	v28 =	vmul.f32 v1, v1;
	_ =	sdelay $0x1  }
0xb0: {  	[tilespmem:$0x9090] =	vst v0;
	v29 =	vadd.f32 v28, v27  }
0xb1: {  	[tilespmem:$0x9110] =	vst v1  }
0xb2: {  	[tilespmem:$0x9190] =	vst v29  }
0xb3: {  	v0 =	vld.idx.msk [tilespmem:v25+s24+$0x0], $0xffff  }
0xb4: {  	v1 =	vld.idx.msk [tilespmem:v26+s24+$0x0], $0xffff  }
0xb5: {  	v2 =	vld.idx.msk [tilespmem:v25+s25+$0x0], $0xffff  }
0xb6: {  	v3 =	vld.idx.msk [tilespmem:v26+s25+$0x0], $0xffff;
	_ =	sdelay $0x4  }
0xb7: {  	v0 =	vsub.f32 v0, v1;
	v30 =	vsub.f32 v2, v3  }
0xb8: {  	v31 =	vld [tilespmem:$0xB0]  }
0xb9: {  	v32 =	vld [tilespmem:$0x130];
	v0 =	vmul.f32 $6.666666410e+01, v0;
	v1 =	vmul.f32 $6.666666410e+01, v30;
	_ =	sdelay $0x1  }
0xba: {  	v33 =	vmul.f32 v0, v0;
	v34 =	vmul.f32 v1, v1;
	_ =	sdelay $0x1  }
0xbb: {  	[tilespmem:$0x90A0] =	vst v0;
	v35 =	vadd.f32 v34, v33  }
0xbc: {  	[tilespmem:$0x9120] =	vst v1  }
0xbd: {  	[tilespmem:$0x91A0] =	vst v35  }
0xbe: {  	v0 =	vld.idx.msk [tilespmem:v31+s24+$0x0], $0xffff  }
0xbf: {  	v1 =	vld.idx.msk [tilespmem:v32+s24+$0x0], $0xffff  }
0xc0: {  	v2 =	vld.idx.msk [tilespmem:v31+s25+$0x0], $0xffff  }
0xc1: {  	v3 =	vld.idx.msk [tilespmem:v32+s25+$0x0], $0xffff;
	_ =	sdelay $0x4  }
0xc2: {  	v0 =	vsub.f32 v0, v1;
	v36 =	vsub.f32 v2, v3  }
0xc3: {  	v37 =	vld [tilespmem:$0xC0]  }
0xc4: {  	v38 =	vld [tilespmem:$0x140];
	v0 =	vmul.f32 $6.666666410e+01, v0;
	v1 =	vmul.f32 $6.666666410e+01, v36;
	_ =	sdelay $0x1  }
0xc5: {  	v39 =	vmul.f32 v0, v0;
	v40 =	vmul.f32 v1, v1;
	_ =	sdelay $0x1  }
0xc6: {  	[tilespmem:$0x90B0] =	vst v0;
	v41 =	vadd.f32 v40, v39  }
0xc7: {  	[tilespmem:$0x9130] =	vst v1  }
0xc8: {  	[tilespmem:$0x91B0] =	vst v41  }
0xc9: {  	v0 =	vld.idx.msk [tilespmem:v37+s24+$0x0], $0xffff  }
0xca: {  	v1 =	vld.idx.msk [tilespmem:v38+s24+$0x0], $0xffff  }
0xcb: {  	v2 =	vld.idx.msk [tilespmem:v37+s25+$0x0], $0xffff  }
0xcc: {  	v3 =	vld.idx.msk [tilespmem:v38+s25+$0x0], $0xffff;
	_ =	sdelay $0x4  }
0xcd: {  	v0 =	vsub.f32 v0, v1;
	v42 =	vsub.f32 v2, v3  }
0xce: {  	v43 =	vld [tilespmem:$0xD0]  }
0xcf: {  	v44 =	vld [tilespmem:$0x150];
	v0 =	vmul.f32 $6.666666410e+01, v0;
	v1 =	vmul.f32 $6.666666410e+01, v42;
	_ =	sdelay $0x1  }
0xd0: {  	v45 =	vmul.f32 v0, v0;
	v46 =	vmul.f32 v1, v1;
	_ =	sdelay $0x1  }
0xd1: {  	[tilespmem:$0x90C0] =	vst v0;
	v47 =	vadd.f32 v46, v45  }
0xd2: {  	[tilespmem:$0x9140] =	vst v1  }
0xd3: {  	[tilespmem:$0x91C0] =	vst v47  }
0xd4: {  	v0 =	vld.idx.msk [tilespmem:v43+s24+$0x0], $0xffff  }
0xd5: {  	v1 =	vld.idx.msk [tilespmem:v44+s24+$0x0], $0xffff  }
0xd6: {  	v2 =	vld.idx.msk [tilespmem:v43+s25+$0x0], $0xffff  }
0xd7: {  	v3 =	vld.idx.msk [tilespmem:v44+s25+$0x0], $0xffff;
	_ =	sdelay $0x4  }
0xd8: {  	v0 =	vsub.f32 v0, v1;
	v48 =	vsub.f32 v2, v3  }
0xd9: {  	v49 =	vld [tilespmem:$0xE0]  }
0xda: {  	v50 =	vld [tilespmem:$0x160];
	v0 =	vmul.f32 $6.666666410e+01, v0;
	v1 =	vmul.f32 $6.666666410e+01, v48;
	_ =	sdelay $0x1  }
0xdb: {  	v51 =	vmul.f32 v0, v0;
	v52 =	vmul.f32 v1, v1;
	_ =	sdelay $0x1  }
0xdc: {  	[tilespmem:$0x90D0] =	vst v0;
	v53 =	vadd.f32 v52, v51  }
0xdd: {  	[tilespmem:$0x9150] =	vst v1  }
0xde: {  	[tilespmem:$0x91D0] =	vst v53  }
0xdf: {  	v0 =	vld.idx.msk [tilespmem:v49+s24+$0x0], $0xffff  }
0xe0: {  	v1 =	vld.idx.msk [tilespmem:v50+s24+$0x0], $0xffff  }
0xe1: {  	v2 =	vld.idx.msk [tilespmem:v49+s25+$0x0], $0xffff  }
0xe2: {  	v3 =	vld.idx.msk [tilespmem:v50+s25+$0x0], $0xffff;
	_ =	sdelay $0x4  }
0xe3: {  	v0 =	vsub.f32 v0, v1;
	v54 =	vsub.f32 v2, v3  }
0xe4: {  	v55 =	vld [tilespmem:$0xF0]  }
0xe5: {  	v56 =	vld [tilespmem:$0x170];
	v0 =	vmul.f32 $6.666666410e+01, v0;
	v1 =	vmul.f32 $6.666666410e+01, v54;
	_ =	sdelay $0x1  }
0xe6: {  	v57 =	vmul.f32 v0, v0;
	v58 =	vmul.f32 v1, v1;
	_ =	sdelay $0x1  }
0xe7: {  	[tilespmem:$0x90E0] =	vst v0;
	v59 =	vadd.f32 v58, v57  }
0xe8: {  	[tilespmem:$0x9160] =	vst v1  }
0xe9: {  	[tilespmem:$0x91E0] =	vst v59  }
0xea: {  	v0 =	vld.idx.msk [tilespmem:v55+s24+$0x0], $0xffff  }
0xeb: {  	v1 =	vld.idx.msk [tilespmem:v56+s24+$0x0], $0xffff  }
0xec: {  	v2 =	vld.idx.msk [tilespmem:v55+s25+$0x0], $0xffff  }
0xed: {  	v3 =	vld.idx.msk [tilespmem:v56+s25+$0x0], $0xffff;
	_ =	sdelay $0x4  }
0xee: {  	v0 =	vsub.f32 v0, v1;
	v60 =	vsub.f32 v2, v3;
	_ =	sdelay $0x1  }
0xef: {  	v0 =	vmul.f32 $6.666666410e+01, v0;
	v1 =	vmul.f32 $6.666666410e+01, v60;
	_ =	sdelay $0x1  }
0xf0: {  	v61 =	vmul.f32 v0, v0;
	v62 =	vmul.f32 v1, v1;
	_ =	sdelay $0x1  }
0xf1: {  	[tilespmem:$0x90F0] =	vst v0;
	v63 =	vadd.f32 v62, v61  }
0xf2: {  	[tilespmem:$0x9170] =	vst v1  }
0xf3: {  	s8 =	sadd.s32 s1, s18;
	[tilespmem:$0x91F0] =	vst v63  }
0xf4: {  	[hbm4b:s8+s3] =	stream.linear.scatter [tilespmem:s30], [sflag:$0x3], $0x80, $0x38;
	[tilespmem:$0x12E40] =	vst v63  }
0xf5: {  	_ =	swait.ge [sflag:s28], $0x80  }
0xf6: {  	[sflag:s28] =	ssyncset.done $0x0  }
0xf7: {  	s10 =	sadd.s32 s1, s17;
	[sflag:s28] =	ssyncadd.s32 $0xFFFFFF80  }
0xf8: {  	[hbm4b:s10+s3] =	stream.linear.scatter [tilespmem:s31], [sflag:$0x3], $0x80, $0x38;
	[tilespmem:$0x12E40] =	vst v63  }
0xf9: {  	_ =	swait.ge [sflag:s28], $0x80  }
0xfa: {  	[sflag:s28] =	ssyncset.done $0x0  }
.Ltmp13:
0xfb: {  	s11 =	sadd.s32 s1, s16;
	[sflag:s28] =	ssyncadd.s32 $0xFFFFFF80;
	(pc) =	sbr.rel .LBB2_15-.Ltmp13, $4  }
0xfc: {  	[hbm4b:s11+s3] =	stream.linear.scatter [tilespmem:s0], [sflag:$0x2], $0x80, $0x38;
	[tilespmem:$0x12E40] =	vst v63  }
0xfd: {  	_ =	swait.ge [sflag:s22], $0x80  }
0xfe: {  	[sflag:s22] =	ssyncset.done $0x0  }
0xff: {  	[sflag:s22] =	ssyncadd.s32 $0xFFFFFF80  }
.LBB2_17:
0x100: {  	_ =	sfence.sel $0x180000  }
0x101: {  	[bflag:$0x0] =	sbarrier.arrive $0xFFFF  }
0x102: {  	_ =	strace $0x90000047  }
0x103: {  	[bflag:$0x2] =	sbarrier.arrive $0xFFFF  }
0x104: {  	s0 =	rddreg [dreg:$0x3]  }
0x105: {  	s0 =	sadd.s32 @!p0 $0x100000, s0  }
0x106: {  	[sflag:s0] =	ssyncadd.tile.s32 @!p0 $0x1;
	_ =	shalt  }
.Lfunc_end2:
_tile_overlayer_lowered:
.L_overlay_start_2:
0x107: {  	(tag) =	ssettag $0x2  }
0x108: {  	s0 =	rddreg [dreg:$0x0];
	s2 =	stileid.u32  }
0x109: {  	s1 =	rddreg [dreg:$0x1];
	p0 =	sne.s32 s2, $0x0  }
0x10a: {  	s3 =	rddreg [dreg:$0x2];
	[bflag:$0x3] =	sbarrier.arrive $0xFFFF;
	s2 =	simm.s32 @!p0 $0x1C02  }
0x10b: {  	[timem:s3], [sflag:s2] =	dma.local @!p0 [hbm:s0], s1  }
0x10c: {  	s0 =	simm.s32 @!p0 $0x2  }
0x10d: {  	_ =	swait.ge @!p0 [sflag:s0], s1  }
0x10e: {  	s1 =	ssub.s32 @!p0 $0x0, s1;
	[sflag:s0] =	ssyncset.done @!p0 $0x0  }
0x10f: {  	[sflag:s0] =	ssyncadd.s32 @!p0 s1  }
0x110: {  	[bflag:$0x3] =	sbarrier.arrive $0xFFFF  }
0x111: {  	_ =	shalt  }

// kernel: kernel.14.cloned.1.call-start
scs
__scs_entry_jumppad:
0x0: {  	(pc) =	sbr.rel $0x88, $3  }
0x1: {  	(tag) =	ssettag $0x0;
	lr =	simm.s32 $0x1  }
0x2: {  	[smem:$0x3F73] =	sst lr;
	_ =	strace $0xD0000000  }
0x3: {  	_ = 	snop  }
0x4: {  	_ = 	snop  }
0x5: {  	_ = 	snop  }
0x6: {  	_ = 	snop  }
0x7: {  	_ = 	snop  }
__scs_overlays_trampoline_lowered:
0x8: {  	[smem:$0x3F82] =	sst s0  }
0x9: {  	[smem:$0x3F83] =	sst s1  }
0xa: {  	[smem:$0x3F84] =	sst s2  }
0xb: {  	[smem:$0x3F85] =	sst s3  }
0xc: {  	[smem:$0x3F86] =	sst s4  }
0xd: {  	[smem:$0x3F87] =	sst s5  }
0xe: {  	[smem:$0x3F88] =	sst s6  }
0xf: {  	[smem:$0x3F89] =	sst s7  }
0x10: {  	[smem:$0x3F8A] =	sst s8  }
0x11: {  	[smem:$0x3F8B] =	sst s9;
	s0 =	simm.s32 @!p0 $0x0  }
0x12: {  	s1 =	sld [smem:$0x3F71];
	s0 =	simm.s32 @p0 $0x1  }
0x13: {  	[smem:$0x3F8C] =	sst s0;
	s0 =	simm.s32 @!p1 $0x0  }
0x14: {  	s2 =	sld [smem:$0x3F70];
	s0 =	simm.s32 @p1 $0x1  }
0x15: {  	[smem:$0x3F8D] =	sst s0;
	s0 =	simm.s32 @!p2 $0x0  }
0x16: {  	s3 =	sld [smem:$0x3FDB];
	s0 =	simm.s32 @p2 $0x1  }
0x17: {  	s4 =	simm.s32 $0x1BF5;
	[smem:$0x3F8F] =	sst s0  }
0x18: {  	s0 =	sld [smem:$0x3F72];
	_ =	swait.ge [sflag:s4], $0x0  }
0x19: {  	s7 =	sld [smem:$0x3F73]  }
0x1a: {  	s8 =	sadd.s32 $0xFFFFE003, lr  }
0x1b: {  	s9 =	sadd.s32 $0xFFFFFEF7, lr;
	s5 =	simm.s32 $0xFFFFFFFF;
	p2 =	slt.u32 s8, $0xFFFFF086  }
0x1c: {  	p1 =	slt.u32 s9, $0xF7A;
	s5 =	simm.s32 @!p2 $0x0  }
0x1d: {  	s5 =	simm.s32 @p1 $0x1;
	p0 =	seq.s32 s7, s2  }
0x1e: {  	s7 =	smul.u32 @!p0 $0xF7A, s2;
	p2 =	seq.s32 @!p0 s5, $0x0  }
0x1f: {  	s9 =	smul.u32 $0xF7A, s1;
	s8 =	simm.s32 @!p0 $0x1BF5;
	p2 =	por !p2, p0  }
0x20: {  	[sflag:s8] =	ssyncset.s32 @!p0 $0xFFFFF086;
	s6 =	sadd.s32 @!p0 s3, s7;
	s7 =	simm.s32 @!p0 $0x108  }
0x21: {  	s3 =	sadd.s32 s3, s9;
	s6 =	sadd.s32 @!p0 $0x88, s6;
	s7 =	simm.s32 @p2 $0x1082  }
0x22: {  	[simem:s7], [sflag:s8] =	dma.local @!p0 [hbm:s6], $0xF7A  }
0x23: {  	s9 =	sor.u32 $0xD0000000, s2;
	s6 =	simm.s32 $0x108;
	_ =	swait.ge @!p0 [sflag:s8], $0x0  }
0x24: {  	s3 =	sadd.s32 $0x88, s3;
	s6 =	simm.s32 @!p1 $0x1082;
	[sflag:s4] =	ssyncset.s32 $0xFFFFF086  }
0x25: {  	[simem:s6], [sflag:s4] =	dma.local [hbm:s3], $0xF7A  }
0x26: {  	[smem:$0x3F73] =	sst s1;
	(tag) =	ssettag s2;
	_ =	strace s9  }
0x27: {  	s1 =	sld [smem:$0x3F83]  }
0x28: {  	s2 =	sld [smem:$0x3F84]  }
0x29: {  	s4 =	sld [smem:$0x3F86]  }
0x2a: {  	p0 =	seq.s32 s5, $0x0;
	s5 =	sld [smem:$0x3F87]  }
0x2b: {  	s6 =	sld [smem:$0x3F88]  }
0x2c: {  	s7 =	sld [smem:$0x3F89]  }
0x2d: {  	s3 =	simm.s32 $0x108;
	s8 =	sld [smem:$0x3F8A]  }
0x2e: {  	s3 =	simm.s32 @!p0 $0x1082;
	s9 =	sld [smem:$0x3F8B]  }
0x2f: {  	lr =	sadd.s32 s0, s3;
	s0 =	sld [smem:$0x3F82]  }
0x30: {  	s3 =	sld [smem:$0x3F85]  }
0x31: {  	[smem:$0x3F8E] =	sst s10  }
0x32: {  	s10 =	sld [smem:$0x3F8C];
	_ =	sdelay $0x3  }
0x33: {  	p0 =	seq.s32 s10, $0x1;
	s10 =	sld [smem:$0x3F8E];
	_ =	sdelay $0x3  }
0x34: {  	[smem:$0x3F8E] =	sst s10  }
0x35: {  	s10 =	sld [smem:$0x3F8D];
	_ =	sdelay $0x3  }
0x36: {  	p1 =	seq.s32 s10, $0x1;
	s10 =	sld [smem:$0x3F8E];
	_ =	sdelay $0x3  }
0x37: {  	[smem:$0x3F8E] =	sst s10  }
0x38: {  	s10 =	sld [smem:$0x3F8F]  }
0x39: {  	_ = 	snop;
	(pc) =	sbr.ind lr, $3  }
0x3a: {  	_ = 	snop  }
0x3b: {  	_ = 	snop  }
0x3c: {  	p2 =	seq.s32 s10, $0x1;
	s10 =	sld [smem:$0x3F8E]  }
0x3d: {  	_ =	shalt  }
0x3e: {  	_ =	shalt  }
0x3f: {  	_ =	shalt  }
0x40: {  	_ =	shalt  }
0x41: {  	_ =	shalt  }
0x42: {  	_ =	shalt  }
0x43: {  	_ =	shalt  }
0x44: {  	_ =	shalt  }
0x45: {  	_ =	shalt  }
0x46: {  	_ =	shalt  }
0x47: {  	_ =	shalt  }
0x48: {  	_ =	shalt  }
0x49: {  	_ =	shalt  }
0x4a: {  	_ =	shalt  }
0x4b: {  	_ =	shalt  }
0x4c: {  	_ =	shalt  }
0x4d: {  	_ =	shalt  }
0x4e: {  	_ =	shalt  }
0x4f: {  	_ =	shalt  }
0x50: {  	_ =	shalt  }
0x51: {  	_ =	shalt  }
0x52: {  	_ =	shalt  }
0x53: {  	_ =	shalt  }
0x54: {  	_ =	shalt  }
0x55: {  	_ =	shalt  }
0x56: {  	_ =	shalt  }
0x57: {  	_ =	shalt  }
0x58: {  	_ =	shalt  }
0x59: {  	_ =	shalt  }
0x5a: {  	_ =	shalt  }
0x5b: {  	_ =	shalt  }
0x5c: {  	_ =	shalt  }
0x5d: {  	_ =	shalt  }
0x5e: {  	_ =	shalt  }
0x5f: {  	_ =	shalt  }
0x60: {  	_ =	shalt  }
0x61: {  	_ =	shalt  }
0x62: {  	_ =	shalt  }
0x63: {  	_ =	shalt  }
0x64: {  	_ =	shalt  }
0x65: {  	_ =	shalt  }
0x66: {  	_ =	shalt  }
0x67: {  	_ =	shalt  }
0x68: {  	_ =	shalt  }
0x69: {  	_ =	shalt  }
0x6a: {  	_ =	shalt  }
0x6b: {  	_ =	shalt  }
0x6c: {  	_ =	shalt  }
0x6d: {  	_ =	shalt  }
0x6e: {  	_ =	shalt  }
0x6f: {  	_ =	shalt  }
0x70: {  	_ =	shalt  }
0x71: {  	_ =	shalt  }
0x72: {  	_ =	shalt  }
0x73: {  	_ =	shalt  }
0x74: {  	_ =	shalt  }
0x75: {  	_ =	shalt  }
0x76: {  	_ =	shalt  }
0x77: {  	_ =	shalt  }
0x78: {  	_ =	shalt  }
0x79: {  	_ =	shalt  }
0x7a: {  	_ =	shalt  }
0x7b: {  	_ =	shalt  }
0x7c: {  	_ =	shalt  }
0x7d: {  	_ =	shalt  }
0x7e: {  	_ =	shalt  }
0x7f: {  	_ =	shalt  }
0x80: {  	_ =	shalt  }
0x81: {  	_ =	shalt  }
0x82: {  	_ =	shalt  }
0x83: {  	_ =	shalt  }
0x84: {  	_ =	shalt  }
0x85: {  	_ =	shalt  }
0x86: {  	_ =	shalt  }
0x87: {  	_ =	shalt  }
.Lfunc_end0:
.L_simem_size_0:
called_computation.1_lowered:
.L_overlay_start_0:
0x88: {  	s2 =	sld [smem:$0x3FD9]  }
0x89: {  	s3 =	sld [smem:$0x3FFE];
	_ =	sdelay $0x1  }
0x8a: {  	s1 =	srdreg.scid  }
0x8b: {  	s0 =	sand.u32 $0x1, s1  }
0x8c: {  	s16 =	sshll.u32 s0, $0xA;
	s2 =	sadd.s32 s3, s2  }
0x8d: {  	s2 =	sadd.s32 s2, s16  }
0x8e: {  	[smem:$0x3F9A] =	sst s2  }
0x8f: {  	_ = 	snop  }
0x90: {  	(tm) =	ssettm $0x1  }
0x91: {  	s17 =	sld [smem:$0x3FFB];
	_ =	sdelay $0x3  }
0x92: {  	_ =	strace s17  }
0x93: {  	s2 =	sld [smem:$0x3FFC];
	_ =	sdelay $0x3  }
0x94: {  	_ =	strace s2  }
0x95: {  	s2 =	sld [smem:$0x3FFD];
	_ =	sdelay $0x3  }
0x96: {  	_ =	strace s2  }
0x97: {  	_ =	strace $0x8FFFFFFF  }
0x98: {  	s18 =	sld [smem:$0x3FDB];
	_ =	sdelay $0x1  }
0x99: {  	s19 =	simm.s32 $_scs_section_size  }
0x9a: {  	s4 =	simm.s32 $_size__tile_overlayer_lowered;
	s5 =	simm.s32 $_tile_overlayer_lowered  }
0x9b: {  	s22 =	simm.s32 $0x1BFF;
	s21 =	sshll.u32 s5, $0x1;
	s2 =	sadd.s32 s19, s18  }
0x9c: {  	s6 =	simm.s32 $0x0;
	s20 =	sshll.u32 s4, $0x1;
	s4 =	sadd.s32 s21, s2  }
0x9d: {  	[timem:s6], [sflag:s22] =	dma.local [hbm:s4], s20  }
0x9e: {  	_ =	swait.ge [sflag:s22], s20  }
0x9f: {  	s3 =	ssub.s32 $0x0, s20;
	[sflag:s22] =	ssyncset.done $0x0  }
0xa0: {  	[sflag:s22] =	ssyncadd.s32 s3;
	_ =	sdelay $0x1  }
0xa1: {  	s23 =	simm.s32 $0x1B8B  }
0xa2: {  	_ =	swait.ge [sflag:s23], $0x1  }
0xa3: {  	[sflag:s23] =	ssyncset.done $0x0  }
0xa4: {  	s25 =	simm.s32 $0x1B8E;
	s24 =	sld [smem:$0x3FFE];
	[sflag:s23] =	ssyncadd.s32 $0xFFFFFFFF  }
0xa5: {  	s26 =	simm.s32 $execute0_lowered;
	[smem:$0x3FD2] =	sst s25  }
0xa6: {  	s4 =	sshll.u32 s26, $0x1;
	_ =	strace $0x80000049;
	[dreg:$0x1] =	wrdreg $0xFFFFFFFF  }
0xa7: {  	s28 =	simm.s32 $_size_execute0_lowered;
	s2 =	sadd.s32 s2, s4;
	[dreg:$0x0] =	wrdreg $0x0  }
0xa8: {  	s4 =	sshll.u32 s28, $0x1;
	[dreg:$0x2] =	wrdreg s2  }
0xa9: {  	[dreg:$0x3] =	wrdreg s4  }
0xaa: {  	[dreg:$0x4] =	wrdreg $0xC0  }
0xab: {  	_ =	task [dreg:s6], $0x5FFFF  }
0xac: {  	[dreg:$0x1] =	wrdreg $0xFFFFFFFF  }
0xad: {  	[dreg:$0x0] =	wrdreg $0x60  }
0xae: {  	[dreg:$0x2] =	wrdreg s24  }
0xaf: {  	[dreg:$0x3] =	wrdreg $0x40800  }
0xb0: {  	[dreg:$0x4] =	wrdreg $0x9  }
0xb1: {  	_ =	task.clear_ibuf [dreg:s6], $0x5FFFF;
	_ =	strace $0x90000049  }
0xb2: {  	s29 =	simm.s32 $0x9;
	_ =	strace $0x8000004B  }
0xb3: {  	_ =	swait.ge [sflag:s29], $0x1  }
0xb4: {  	[sflag:s29] =	ssyncadd.s32 $0xFFFFFFFF  }
0xb5: {  	_ =	strace $0x9000004B  }
0xb6: {  	_ =	sfence  }
0xb7: {  	s30 =	sld [smem:$0x0];
	_ =	sdelay $0x2  }
0xb8: {  	s31 =	sshll.u32 s1, $0xD;
	s1 =	sshrl.u32 s1, $0x2  }
0xb9: {  	s3 =	sand.u32 $0x4000, s31;
	s1 =	sadd.s32 s1, s30  }
0xba: {  	s0 =	sor.u32 s3, s0;
	s1 =	sshll.u32 s1, $0x11  }
0xbb: {  	s0 =	sor.u32 s1, s0  }
0xbc: {  	s0 =	sadd.s32 $0x8F2B, s0  }
0xbd: {  	[sflag:s0] =	ssyncadd.remote.s32 $0x1  }
0xbe: {  	_ =	sfence.sel $0xFFFF  }
0xbf: {  	[dreg:$0x0] =	wrdreg $0xFFFFFFFF;
	(pc) =	sbr.abs _section_cstart, $3  }
0xc0: {  	[dreg:$0x1] =	wrdreg $0xFFFFFFFF  }
0xc1: {  	_ =	task.clear_ibuf [dreg:s6], $0x2FFFF;
	_ =	strace $0x9FFFFFFF  }
0xc2: {  	(tm) =	ssettm $0x7FFFFFFF  }
0xc3: {  	_ =	shalt  }
tec
execute0_lowered:
.L_overlay_start_1:
0x0: {  	(tag) =	ssettag $0x1  }
0x1: {  	s5 =	rddreg [dreg:$0x0]  }
0x2: {  	s1 =	rddreg [dreg:$0x1]  }
0x3: {  	s0 =	rddreg [dreg:$0x2]  }
0x4: {  	s2 =	simm.s32 $0x0;
	s3 =	srdreg.scid;
	s10 =	stileid.u32  }
0x5: {  	[smem:$0x7FF] =	sst s2;
	s13 =	smul.u32 $0x2700, s10  }
0x6: {  	s6 =	sand.u32 $0x1, s3;
	s9 =	smul.u32 $0x4E000, s10;
	s28 =	sshll.u32 s10, $0x6  }
0x7: {  	s16 =	sadd.s32 $0x138000, s1;
	s29 =	sshll.u32 s10, $0x4;
	s31 =	sshll.u32 s10, $0xB  }
0x8: {  	p0 =	sne.s32 s10, $0x0;
	_ =	strace $0x8000004A;
	s3 =	sshll.u32 s6, $0xF  }
0x9: {  	s23 =	sshll.u32 s6, $0x8;
	s4 =	smul.u32 $0x27100, s6;
	s24 =	ssub.s32 $0x2, s6  }
0xa: {  	s30 =	sshll.u32 s6, $0x4;
	s7 =	sadd.s32 s3, s5;
	s8 =	sadd.s32 s23, s5  }
0xb: {  	s11 =	sadd.s32 s13, s5;
	s25 =	sshrl.u32 s24, $0x1;
	s26 =	sshrl.u32 s9, $0x2  }
0xc: {  	s12 =	sadd.s32 s4, s5;
	s14 =	ssub.s32 s24, s25;
	s15 =	sadd.s32 s26, s1  }
0xd: {  	s3 =	sadd.s32 $0x6B800, s11;
	s4 =	sor.u32 $0x1C01, s28;
	s5 =	sadd.s32 $0x92800, s5  }
0xe: {  	s8 =	sadd.s32 s29, s8;
	s9 =	sadd.s32 s31, s7;
	s11 =	simm.s32 $0x1  }
0xf: {  	s17 =	sadd.s32 $0xB9C00, s12;
	s6 =	smax.u32 s14, $0x1;
	s7 =	sadd.s32 $0x61A00, s8  }
0x10: {  	s8 =	sadd.s32 $0x1941600, s9;
	s9 =	sor.u32 s30, s10;
	s10 =	sshrl.u32 s15, $0x3  }
0x11: {  	s12 =	sshrl.u32 @!p0 s16, $0x3;
	s13 =	sadd.s32 s13, s17;
	s14 =	sadd.s32 @!p0 $0x27000, s17  }
.LBB2_1:
0x12: {  	[spmem:s10], [sflag:s4] =	dma.local [hbm:s3], $0x2700  }
0x13: {  	_ =	swait.ge [sflag:s11], $0x2700  }
0x14: {  	[sflag:s11] =	ssyncset.done $0x0  }
0x15: {  	s15 =	simm.s32 @!p0 $0x1;
	[sflag:s11] =	ssyncadd.s32 $0xFFFFD900  }
0x16: {  	[spmem:s12], [sflag:s4] =	dma.local @!p0 [hbm:s5], $0x100  }
0x17: {  	_ =	swait.ge @!p0 [sflag:s15], $0x100  }
0x18: {  	s16 =	sadd.s32 $0x0, s9;
	[sflag:s15] =	ssyncset.done @!p0 $0x0  }
0x19: {  	p1 =	sgt.u32 s16, $0x9C3;
	[sflag:s15] =	ssyncadd.s32 @!p0 $0xFFFFFF00  }
0x1a: {  	s17 =	simm.s32 @!p1 $0x2;
	s15 =	simm.s32 @!p1 $0x0;
	[bflag:$0x0] =	sbarrier.arrive $0xFFFF  }
0x1b: {  	[tilespmem:s15], [sflag:$0x2] =	stream.linear.gather @!p1 [hbm4b:s7+s15], $0x80, $0x38;
	[tilespmem:$0xDCC0] =	vst v63  }
0x1c: {  	_ =	swait.ge @!p1 [sflag:s17], $0x80  }
0x1d: {  	[sflag:s17] =	ssyncset.done @!p1 $0x0;
	p1 =	por p1, p1  }
0x1e: {  	[sflag:s17] =	ssyncadd.s32 @!p1 $0xFFFFFF80;
	s19 =	simm.s32 @!p1 $0x80  }
0x1f: {  	[tilespmem:s19], [sflag:$0x2] =	stream.linear.gather @!p1 [hbm4b:s8+s15], $0x4000, $0x38;
	[tilespmem:$0xDCC0] =	vst v63  }
0x20: {  	_ =	swait.ge @!p1 [sflag:s17], $0x4000  }
0x21: {  	[sflag:s17] =	ssyncset.done @!p1 $0x0  }
0x22: {  	s31 =	sadd.s32 $0x20, s9;
	s18 =	simm.s32 @!p1 $0x1;
	[sflag:s17] =	ssyncadd.s32 @!p1 $0xFFFFC000  }
0x23: {  	[spmem:s1] =	stream.indirect.scatter.add.f32 @!p1 [tilespmem:s19], [sflag:$0x1], $0x40, s15, s19, $0xb8;
	[tilespmem:$0xDCC0] =	vst v63  }
0x24: {  	s16 =	simm.s32 $0x40;
	p2 =	sgt.u32 s31, $0x9C3;
	_ =	swait.ge @!p1 [sflag:s18], $0x2000  }
0x25: {  	s17 =	sadd.s32 $0x200, s7;
	s15 =	sadd.s32 $0x10000, s8;
	[sflag:s18] =	ssyncset.done @!p1 $0x0  }
.LBB2_2:
0x26: {  	s19 =	simm.s32 @!p2 $0x0;
	s20 =	simm.s32 @!p2 $0x2;
	[sflag:s18] =	ssyncadd.s32 @!p1 $0xFFFFE000  }
0x27: {  	[tilespmem:s19], [sflag:$0x2] =	stream.linear.gather @!p2 [hbm4b:s17+s19], $0x80, $0x38;
	[tilespmem:$0xDCC0] =	vst v63  }
0x28: {  	s21 =	smov.u32 s16;
	s16 =	sadd.s32 $0x20, s16;
	_ =	swait.ge @!p2 [sflag:s20], $0x80  }
0x29: {  	p1 =	por p2, p2;
	p3 =	sne.s32 s16, $0x9E0;
	[sflag:s20] =	ssyncset.done @!p2 $0x0  }
0x2a: {  	s22 =	simm.s32 @!p1 $0x80;
	[sflag:s20] =	ssyncadd.s32 @!p1 $0xFFFFFF80  }
0x2b: {  	[tilespmem:s22], [sflag:$0x2] =	stream.linear.gather @!p1 [hbm4b:s15+s19], $0x4000, $0x38;
	[tilespmem:$0xDCC0] =	vst v63  }
0x2c: {  	_ =	swait.ge @!p1 [sflag:s20], $0x4000  }
.Ltmp0:
0x2d: {  	[sflag:s20] =	ssyncset.done @!p1 $0x0;
	(pc) =	sbr.rel @p3 .LBB2_2-.Ltmp0, $4  }
0x2e: {  	s18 =	simm.s32 @!p1 $0x1;
	[sflag:s20] =	ssyncadd.s32 @!p1 $0xFFFFC000  }
0x2f: {  	[spmem:s1] =	stream.indirect.scatter.add.f32 @!p1 [tilespmem:s22], [sflag:$0x1], $0x40, s19, s22, $0xb8;
	[tilespmem:$0xDCC0] =	vst v63  }
0x30: {  	s15 =	sadd.s32 $0x10000, s15;
	s19 =	sadd.s32 s21, s9;
	_ =	swait.ge @!p1 [sflag:s18], $0x2000  }
0x31: {  	s17 =	sadd.s32 $0x200, s17;
	p2 =	sgt.u32 s19, $0x9C3;
	[sflag:s18] =	ssyncset.done @!p1 $0x0  }
0x32: {  	s16 =	simm.s32 @!p2 $0x0;
	s19 =	simm.s32 @!p2 $0x2;
	[sflag:s18] =	ssyncadd.s32 @!p1 $0xFFFFE000  }
0x33: {  	[tilespmem:s16], [sflag:$0x2] =	stream.linear.gather @!p2 [hbm4b:s17+s16], $0x80, $0x38;
	[tilespmem:$0xDCC0] =	vst v63  }
0x34: {  	_ =	swait.ge @!p2 [sflag:s19], $0x80  }
0x35: {  	p1 =	por p2, p2;
	[sflag:s19] =	ssyncset.done @!p2 $0x0  }
0x36: {  	s17 =	simm.s32 @!p1 $0x80;
	[sflag:s19] =	ssyncadd.s32 @!p1 $0xFFFFFF80  }
0x37: {  	[tilespmem:s17], [sflag:$0x2] =	stream.linear.gather @!p1 [hbm4b:s15+s16], $0x4000, $0x38;
	[tilespmem:$0xDCC0] =	vst v63  }
0x38: {  	_ =	swait.ge @!p1 [sflag:s19], $0x4000  }
0x39: {  	[sflag:s19] =	ssyncset.done @!p1 $0x0  }
0x3a: {  	s15 =	simm.s32 @!p1 $0x1;
	[sflag:s19] =	ssyncadd.s32 @!p1 $0xFFFFC000  }
0x3b: {  	[spmem:s1] =	stream.indirect.scatter.add.f32 @!p1 [tilespmem:s17], [sflag:$0x1], $0x40, s16, s17, $0xb8;
	[tilespmem:$0xDCC0] =	vst v63  }
0x3c: {  	_ =	swait.ge @!p1 [sflag:s15], $0x2000  }
0x3d: {  	[sflag:s15] =	ssyncset.done @!p1 $0x0  }
0x3e: {  	[sflag:s15] =	ssyncadd.s32 @!p1 $0xFFFFE000  }
0x3f: {  	[bflag:$0x0] =	sbarrier.arrive $0xFFFF  }
0x40: {  	[hbm:s13], [sflag:s4] =	dma.local [spmem:s10], $0x2700  }
0x41: {  	s2 =	sadd.s32 $0x1, s2;
	_ =	swait.ge [sflag:s11], $0x2700  }
0x42: {  	p1 =	sne.s32 s2, s6;
	[sflag:s11] =	ssyncset.done $0x0  }
.Ltmp1:
0x43: {  	s15 =	simm.s32 @!p0 $0x1;
	[sflag:s11] =	ssyncadd.s32 $0xFFFFD900;
	(pc) =	sbr.rel @p1 .LBB2_1-.Ltmp1, $4  }
0x44: {  	[hbm:s14], [sflag:s4] =	dma.local @!p0 [spmem:s12], $0x100  }
0x45: {  	_ =	swait.ge @!p0 [sflag:s15], $0x100  }
0x46: {  	[sflag:s15] =	ssyncset.done @!p0 $0x0  }
0x47: {  	[sflag:s15] =	ssyncadd.s32 @!p0 $0xFFFFFF00  }
0x48: {  	_ =	sfence.sel $0x180000  }
0x49: {  	[bflag:$0x0] =	sbarrier.arrive $0xFFFF  }
0x4a: {  	_ =	strace $0x9000004A  }
0x4b: {  	s0 =	sadd.s32 @!p0 $0x100000, s0;
	[bflag:$0x2] =	sbarrier.arrive $0xFFFF  }
0x4c: {  	[sflag:s0] =	ssyncadd.tile.s32 @!p0 $0x1;
	_ =	shalt  }
.Lfunc_end2:
_tile_overlayer_lowered:
.L_overlay_start_2:
0x4d: {  	(tag) =	ssettag $0x2  }
0x4e: {  	s0 =	rddreg [dreg:$0x0];
	s2 =	stileid.u32  }
0x4f: {  	s1 =	rddreg [dreg:$0x1];
	p0 =	sne.s32 s2, $0x0  }
0x50: {  	s3 =	rddreg [dreg:$0x2];
	[bflag:$0x3] =	sbarrier.arrive $0xFFFF;
	s2 =	simm.s32 @!p0 $0x1C01  }
0x51: {  	[timem:s3], [sflag:s2] =	dma.local @!p0 [hbm:s0], s1  }
0x52: {  	s0 =	simm.s32 @!p0 $0x1  }
0x53: {  	_ =	swait.ge @!p0 [sflag:s0], s1  }
0x54: {  	s1 =	ssub.s32 @!p0 $0x0, s1;
	[sflag:s0] =	ssyncset.done @!p0 $0x0  }
0x55: {  	[sflag:s0] =	ssyncadd.s32 @!p0 s1  }
0x56: {  	[bflag:$0x3] =	sbarrier.arrive $0xFFFF  }
0x57: {  	_ =	shalt  }

// kernel: kernel.17.cloned.1.call-start
scs
__scs_entry_jumppad:
0x0: {  	(pc) =	sbr.rel $0x88, $3  }
0x1: {  	(tag) =	ssettag $0x0;
	lr =	simm.s32 $0x1  }
0x2: {  	[smem:$0x3F73] =	sst lr;
	_ =	strace $0xD0000000  }
0x3: {  	_ = 	snop  }
0x4: {  	_ = 	snop  }
0x5: {  	_ = 	snop  }
0x6: {  	_ = 	snop  }
0x7: {  	_ = 	snop  }
__scs_overlays_trampoline_lowered:
0x8: {  	[smem:$0x3F82] =	sst s0  }
0x9: {  	[smem:$0x3F83] =	sst s1  }
0xa: {  	[smem:$0x3F84] =	sst s2  }
0xb: {  	[smem:$0x3F85] =	sst s3  }
0xc: {  	[smem:$0x3F86] =	sst s4  }
0xd: {  	[smem:$0x3F87] =	sst s5  }
0xe: {  	[smem:$0x3F88] =	sst s6  }
0xf: {  	[smem:$0x3F89] =	sst s7  }
0x10: {  	[smem:$0x3F8A] =	sst s8  }
0x11: {  	[smem:$0x3F8B] =	sst s9;
	s0 =	simm.s32 @!p0 $0x0  }
0x12: {  	s1 =	sld [smem:$0x3F71];
	s0 =	simm.s32 @p0 $0x1  }
0x13: {  	[smem:$0x3F8C] =	sst s0;
	s0 =	simm.s32 @!p1 $0x0  }
0x14: {  	s2 =	sld [smem:$0x3F70];
	s0 =	simm.s32 @p1 $0x1  }
0x15: {  	[smem:$0x3F8D] =	sst s0;
	s0 =	simm.s32 @!p2 $0x0  }
0x16: {  	s3 =	sld [smem:$0x3FDB];
	s0 =	simm.s32 @p2 $0x1  }
0x17: {  	s4 =	simm.s32 $0x1BF5;
	[smem:$0x3F8F] =	sst s0  }
0x18: {  	s0 =	sld [smem:$0x3F72];
	_ =	swait.ge [sflag:s4], $0x0  }
0x19: {  	s7 =	sld [smem:$0x3F73]  }
0x1a: {  	s8 =	sadd.s32 $0xFFFFE003, lr  }
0x1b: {  	s9 =	sadd.s32 $0xFFFFFEF7, lr;
	s5 =	simm.s32 $0xFFFFFFFF;
	p2 =	slt.u32 s8, $0xFFFFF086  }
0x1c: {  	p1 =	slt.u32 s9, $0xF7A;
	s5 =	simm.s32 @!p2 $0x0  }
0x1d: {  	s5 =	simm.s32 @p1 $0x1;
	p0 =	seq.s32 s7, s2  }
0x1e: {  	s7 =	smul.u32 @!p0 $0xF7A, s2;
	p2 =	seq.s32 @!p0 s5, $0x0  }
0x1f: {  	s9 =	smul.u32 $0xF7A, s1;
	s8 =	simm.s32 @!p0 $0x1BF5;
	p2 =	por !p2, p0  }
0x20: {  	[sflag:s8] =	ssyncset.s32 @!p0 $0xFFFFF086;
	s6 =	sadd.s32 @!p0 s3, s7;
	s7 =	simm.s32 @!p0 $0x108  }
0x21: {  	s3 =	sadd.s32 s3, s9;
	s6 =	sadd.s32 @!p0 $0x88, s6;
	s7 =	simm.s32 @p2 $0x1082  }
0x22: {  	[simem:s7], [sflag:s8] =	dma.local @!p0 [hbm:s6], $0xF7A  }
0x23: {  	s9 =	sor.u32 $0xD0000000, s2;
	s6 =	simm.s32 $0x108;
	_ =	swait.ge @!p0 [sflag:s8], $0x0  }
0x24: {  	s3 =	sadd.s32 $0x88, s3;
	s6 =	simm.s32 @!p1 $0x1082;
	[sflag:s4] =	ssyncset.s32 $0xFFFFF086  }
0x25: {  	[simem:s6], [sflag:s4] =	dma.local [hbm:s3], $0xF7A  }
0x26: {  	[smem:$0x3F73] =	sst s1;
	(tag) =	ssettag s2;
	_ =	strace s9  }
0x27: {  	s1 =	sld [smem:$0x3F83]  }
0x28: {  	s2 =	sld [smem:$0x3F84]  }
0x29: {  	s4 =	sld [smem:$0x3F86]  }
0x2a: {  	p0 =	seq.s32 s5, $0x0;
	s5 =	sld [smem:$0x3F87]  }
0x2b: {  	s6 =	sld [smem:$0x3F88]  }
0x2c: {  	s7 =	sld [smem:$0x3F89]  }
0x2d: {  	s3 =	simm.s32 $0x108;
	s8 =	sld [smem:$0x3F8A]  }
0x2e: {  	s3 =	simm.s32 @!p0 $0x1082;
	s9 =	sld [smem:$0x3F8B]  }
0x2f: {  	lr =	sadd.s32 s0, s3;
	s0 =	sld [smem:$0x3F82]  }
0x30: {  	s3 =	sld [smem:$0x3F85]  }
0x31: {  	[smem:$0x3F8E] =	sst s10  }
0x32: {  	s10 =	sld [smem:$0x3F8C];
	_ =	sdelay $0x3  }
0x33: {  	p0 =	seq.s32 s10, $0x1;
	s10 =	sld [smem:$0x3F8E];
	_ =	sdelay $0x3  }
0x34: {  	[smem:$0x3F8E] =	sst s10  }
0x35: {  	s10 =	sld [smem:$0x3F8D];
	_ =	sdelay $0x3  }
0x36: {  	p1 =	seq.s32 s10, $0x1;
	s10 =	sld [smem:$0x3F8E];
	_ =	sdelay $0x3  }
0x37: {  	[smem:$0x3F8E] =	sst s10  }
0x38: {  	s10 =	sld [smem:$0x3F8F]  }
0x39: {  	_ = 	snop;
	(pc) =	sbr.ind lr, $3  }
0x3a: {  	_ = 	snop  }
0x3b: {  	_ = 	snop  }
0x3c: {  	p2 =	seq.s32 s10, $0x1;
	s10 =	sld [smem:$0x3F8E]  }
0x3d: {  	_ =	shalt  }
0x3e: {  	_ =	shalt  }
0x3f: {  	_ =	shalt  }
0x40: {  	_ =	shalt  }
0x41: {  	_ =	shalt  }
0x42: {  	_ =	shalt  }
0x43: {  	_ =	shalt  }
0x44: {  	_ =	shalt  }
0x45: {  	_ =	shalt  }
0x46: {  	_ =	shalt  }
0x47: {  	_ =	shalt  }
0x48: {  	_ =	shalt  }
0x49: {  	_ =	shalt  }
0x4a: {  	_ =	shalt  }
0x4b: {  	_ =	shalt  }
0x4c: {  	_ =	shalt  }
0x4d: {  	_ =	shalt  }
0x4e: {  	_ =	shalt  }
0x4f: {  	_ =	shalt  }
0x50: {  	_ =	shalt  }
0x51: {  	_ =	shalt  }
0x52: {  	_ =	shalt  }
0x53: {  	_ =	shalt  }
0x54: {  	_ =	shalt  }
0x55: {  	_ =	shalt  }
0x56: {  	_ =	shalt  }
0x57: {  	_ =	shalt  }
0x58: {  	_ =	shalt  }
0x59: {  	_ =	shalt  }
0x5a: {  	_ =	shalt  }
0x5b: {  	_ =	shalt  }
0x5c: {  	_ =	shalt  }
0x5d: {  	_ =	shalt  }
0x5e: {  	_ =	shalt  }
0x5f: {  	_ =	shalt  }
0x60: {  	_ =	shalt  }
0x61: {  	_ =	shalt  }
0x62: {  	_ =	shalt  }
0x63: {  	_ =	shalt  }
0x64: {  	_ =	shalt  }
0x65: {  	_ =	shalt  }
0x66: {  	_ =	shalt  }
0x67: {  	_ =	shalt  }
0x68: {  	_ =	shalt  }
0x69: {  	_ =	shalt  }
0x6a: {  	_ =	shalt  }
0x6b: {  	_ =	shalt  }
0x6c: {  	_ =	shalt  }
0x6d: {  	_ =	shalt  }
0x6e: {  	_ =	shalt  }
0x6f: {  	_ =	shalt  }
0x70: {  	_ =	shalt  }
0x71: {  	_ =	shalt  }
0x72: {  	_ =	shalt  }
0x73: {  	_ =	shalt  }
0x74: {  	_ =	shalt  }
0x75: {  	_ =	shalt  }
0x76: {  	_ =	shalt  }
0x77: {  	_ =	shalt  }
0x78: {  	_ =	shalt  }
0x79: {  	_ =	shalt  }
0x7a: {  	_ =	shalt  }
0x7b: {  	_ =	shalt  }
0x7c: {  	_ =	shalt  }
0x7d: {  	_ =	shalt  }
0x7e: {  	_ =	shalt  }
0x7f: {  	_ =	shalt  }
0x80: {  	_ =	shalt  }
0x81: {  	_ =	shalt  }
0x82: {  	_ =	shalt  }
0x83: {  	_ =	shalt  }
0x84: {  	_ =	shalt  }
0x85: {  	_ =	shalt  }
0x86: {  	_ =	shalt  }
0x87: {  	_ =	shalt  }
.Lfunc_end0:
.L_simem_size_0:
called_computation.2_lowered:
.L_overlay_start_0:
0x88: {  	s2 =	sld [smem:$0x3FD9]  }
0x89: {  	s3 =	sld [smem:$0x3FFE];
	_ =	sdelay $0x1  }
0x8a: {  	s1 =	srdreg.scid  }
0x8b: {  	s0 =	sand.u32 $0x1, s1  }
0x8c: {  	s16 =	sshll.u32 s0, $0xA;
	s2 =	sadd.s32 s3, s2  }
0x8d: {  	s2 =	sadd.s32 s2, s16  }
0x8e: {  	[smem:$0x3F9A] =	sst s2  }
0x8f: {  	_ = 	snop  }
0x90: {  	(tm) =	ssettm $0x1  }
0x91: {  	s17 =	sld [smem:$0x3FFB];
	_ =	sdelay $0x3  }
0x92: {  	_ =	strace s17  }
0x93: {  	s2 =	sld [smem:$0x3FFC];
	_ =	sdelay $0x3  }
0x94: {  	_ =	strace s2  }
0x95: {  	s2 =	sld [smem:$0x3FFD];
	_ =	sdelay $0x3  }
0x96: {  	_ =	strace s2  }
0x97: {  	_ =	strace $0x8FFFFFFF  }
0x98: {  	s18 =	sld [smem:$0x3FDB];
	_ =	sdelay $0x1  }
0x99: {  	s19 =	simm.s32 $_scs_section_size  }
0x9a: {  	s4 =	simm.s32 $_size__tile_overlayer_lowered;
	s5 =	simm.s32 $_tile_overlayer_lowered  }
0x9b: {  	s22 =	simm.s32 $0x1BFF;
	s21 =	sshll.u32 s5, $0x1;
	s2 =	sadd.s32 s19, s18  }
0x9c: {  	s6 =	simm.s32 $0x0;
	s20 =	sshll.u32 s4, $0x1;
	s4 =	sadd.s32 s21, s2  }
0x9d: {  	[timem:s6], [sflag:s22] =	dma.local [hbm:s4], s20  }
0x9e: {  	_ =	swait.ge [sflag:s22], s20  }
0x9f: {  	s3 =	ssub.s32 $0x0, s20;
	[sflag:s22] =	ssyncset.done $0x0  }
0xa0: {  	[sflag:s22] =	ssyncadd.s32 s3;
	_ =	sdelay $0x1  }
0xa1: {  	s23 =	simm.s32 $0x1B8B  }
0xa2: {  	_ =	swait.ge [sflag:s23], $0x1  }
0xa3: {  	[sflag:s23] =	ssyncset.done $0x0  }
0xa4: {  	s25 =	simm.s32 $0x1B8E;
	s24 =	sld [smem:$0x3FFE];
	[sflag:s23] =	ssyncadd.s32 $0xFFFFFFFF  }
0xa5: {  	s26 =	simm.s32 $execute0_lowered;
	[smem:$0x3FD2] =	sst s25  }
0xa6: {  	s4 =	sshll.u32 s26, $0x1;
	_ =	strace $0x8000004C;
	[dreg:$0x1] =	wrdreg $0xFFFFFFFF  }
0xa7: {  	s28 =	simm.s32 $_size_execute0_lowered;
	s2 =	sadd.s32 s2, s4;
	[dreg:$0x0] =	wrdreg $0x0  }
0xa8: {  	s4 =	sshll.u32 s28, $0x1;
	[dreg:$0x2] =	wrdreg s2  }
0xa9: {  	[dreg:$0x3] =	wrdreg s4  }
0xaa: {  	[dreg:$0x4] =	wrdreg $0xC0  }
0xab: {  	_ =	task [dreg:s6], $0x5FFFF  }
0xac: {  	[dreg:$0x1] =	wrdreg $0xFFFFFFFF  }
0xad: {  	[dreg:$0x0] =	wrdreg $0x60  }
0xae: {  	[dreg:$0x2] =	wrdreg s24  }
0xaf: {  	[dreg:$0x3] =	wrdreg $0x40800  }
0xb0: {  	[dreg:$0x4] =	wrdreg $0x9  }
0xb1: {  	_ =	task.clear_ibuf [dreg:s6], $0x5FFFF;
	_ =	strace $0x9000004C  }
0xb2: {  	s29 =	simm.s32 $0x9;
	_ =	strace $0x8000004E  }
0xb3: {  	_ =	swait.ge [sflag:s29], $0x1  }
0xb4: {  	[sflag:s29] =	ssyncadd.s32 $0xFFFFFFFF  }
0xb5: {  	_ =	strace $0x9000004E  }
0xb6: {  	_ =	sfence  }
0xb7: {  	s30 =	sld [smem:$0x0];
	_ =	sdelay $0x2  }
0xb8: {  	s31 =	sshll.u32 s1, $0xD;
	s1 =	sshrl.u32 s1, $0x2  }
0xb9: {  	s3 =	sand.u32 $0x4000, s31;
	s1 =	sadd.s32 s1, s30  }
0xba: {  	s0 =	sor.u32 s3, s0;
	s1 =	sshll.u32 s1, $0x11  }
0xbb: {  	s0 =	sor.u32 s1, s0  }
0xbc: {  	s0 =	sadd.s32 $0x8F2B, s0  }
0xbd: {  	[sflag:s0] =	ssyncadd.remote.s32 $0x1  }
0xbe: {  	_ =	sfence.sel $0xFFFF  }
0xbf: {  	[dreg:$0x0] =	wrdreg $0xFFFFFFFF;
	(pc) =	sbr.abs _section_cstart, $3  }
0xc0: {  	[dreg:$0x1] =	wrdreg $0xFFFFFFFF  }
0xc1: {  	_ =	task.clear_ibuf [dreg:s6], $0x2FFFF;
	_ =	strace $0x9FFFFFFF  }
0xc2: {  	(tm) =	ssettm $0x7FFFFFFF  }
0xc3: {  	_ =	shalt  }
tec
execute0_lowered:
.L_overlay_start_1:
0x0: {  	(tag) =	ssettag $0x1  }
0x1: {  	s7 =	rddreg [dreg:$0x0]  }
0x2: {  	s1 =	rddreg [dreg:$0x1];
	s2 =	stileid.u32  }
0x3: {  	s0 =	rddreg [dreg:$0x2];
	s3 =	simm.s32 $0x0;
	s5 =	srdreg.scid  }
0x4: {  	s4 =	smul.u32 $0x2700, s2;
	[smem:$0x7FF] =	sst s3;
	s13 =	sand.u32 $0x1, s5  }
0x5: {  	s29 =	sshll.u32 s2, $0x4;
	s8 =	smul.u32 $0x4E000, s2;
	s30 =	sshll.u32 s2, $0xB  }
0x6: {  	s16 =	sadd.s32 $0x138000, s1;
	s15 =	sshll.u32 s2, $0x6;
	p0 =	sne.s32 s2, $0x0  }
0x7: {  	_ =	strace $0x8000004D;
	s5 =	ssub.s32 $0x2, s13;
	s11 =	sadd.s32 s29, s7  }
0x8: {  	s12 =	sadd.s32 s30, s7;
	p1 =	sne.s32 s13, $0x0;
	s13 =	sor.u32 $0x1C02, s15  }
0x9: {  	s15 =	simm.s32 $0x2;
	s16 =	sshrl.u32 @!p0 s16, $0x3;
	s6 =	sadd.s32 s4, s7  }
.Ltmp0:
0xa: {  	s9 =	sshrl.u32 s5, $0x1;
	s31 =	sshrl.u32 s8, $0x2;
	(pc) =	sbr.rel .LBB2_1-.Ltmp0, $4  }
0xb: {  	s10 =	sadd.s32 $0x5C2E00, s12;
	s12 =	sadd.s32 $0xE0E00, s12;
	s9 =	ssub.s32 s5, s9  }
0xc: {  	s14 =	sadd.s32 s31, s1;
	s4 =	sadd.s32 $0x92A00, s6;
	s5 =	sadd.s32 $0xB9A00, s7  }
0xd: {  	s6 =	sadd.s32 $0x30400, s6;
	s7 =	sadd.s32 $0x57400, s7;
	s8 =	smax.u32 s9, $0x1  }
0xe: {  	s9 =	sadd.s32 $0x61A00, s11;
	s11 =	sadd.s32 $0x57C00, s11;
	s14 =	sshrl.u32 s14, $0x3  }
.LBB2_7:
0xf: {  	s18 =	simm.s32 @!p3 $0x0;
	s21 =	simm.s32 @!p3 $0x3;
	[sflag:s20] =	ssyncadd.s32 @!p2 $0xFFFFC000  }
0x10: {  	[tilespmem:s18], [sflag:$0x3] =	stream.linear.gather @!p3 [hbm4b:s19+s18], $0x80, $0x38;
	[tilespmem:$0xDCC0] =	vst v63  }
0x11: {  	_ =	swait.ge @!p3 [sflag:s21], $0x80  }
0x12: {  	p2 =	por p3, p3;
	[sflag:s21] =	ssyncset.done @!p3 $0x0  }
0x13: {  	s19 =	simm.s32 @!p2 $0x80;
	s20 =	simm.s32 @!p2 $0x1;
	[sflag:s21] =	ssyncadd.s32 @!p2 $0xFFFFFF80  }
0x14: {  	[tilespmem:s19], [sflag:$0x1] =	stream.indirect.gather @!p2 [spmem:s1], $0x40, s18, s19, $0xb8;
	[tilespmem:$0xDCC0] =	vst v63  }
0x15: {  	_ =	swait.ge @!p2 [sflag:s20], $0x2000  }
0x16: {  	[sflag:s20] =	ssyncset.done @!p2 $0x0  }
0x17: {  	[sflag:s20] =	ssyncadd.s32 @!p2 $0xFFFFE000;
	s20 =	simm.s32 @!p2 $0x2  }
0x18: {  	[hbm4b:s17+s18] =	stream.linear.scatter @!p2 [tilespmem:s19], [sflag:$0x2], $0x4000, $0x38;
	[tilespmem:$0xDCC0] =	vst v63  }
0x19: {  	_ =	swait.ge @!p2 [sflag:s20], $0x4000  }
0x1a: {  	[sflag:s20] =	ssyncset.done @!p2 $0x0  }
0x1b: {  	[sflag:s20] =	ssyncadd.s32 @!p2 $0xFFFFC000  }
.LBB2_8:
0x1c: {  	s3 =	sadd.s32 $0x1, s3  }
0x1d: {  	p2 =	sne.s32 s3, s8  }
.Ltmp1:
0x1e: {  	_ = 	snop;
	(pc) =	sbr.rel @!p2 .LBB2_9-.Ltmp1, $1  }
0x1f: {  	_ =	sdelay $0x3  }
.LBB2_1:
.Ltmp2:
0x20: {  	(pc) =	sbr.rel @p1 .LBB2_5-.Ltmp2, $1  }
0x21: {  	_ =	sdelay $0x3  }
0x22: {  	[spmem:s14], [sflag:s13] =	dma.local [hbm:s6], $0x2700  }
0x23: {  	_ =	swait.ge [sflag:s15], $0x2700  }
0x24: {  	[sflag:s15] =	ssyncset.done $0x0  }
0x25: {  	s17 =	simm.s32 @!p0 $0x2;
	[sflag:s15] =	ssyncadd.s32 $0xFFFFD900  }
0x26: {  	[spmem:s16], [sflag:s13] =	dma.local @!p0 [hbm:s7], $0x100  }
0x27: {  	_ =	swait.ge @!p0 [sflag:s17], $0x100  }
0x28: {  	s30 =	sadd.s32 $0x0, s2;
	[sflag:s17] =	ssyncset.done @!p0 $0x0  }
0x29: {  	p2 =	sgt.u32 s30, $0x9C3;
	[sflag:s17] =	ssyncadd.s32 @!p0 $0xFFFFFF00  }
0x2a: {  	s18 =	simm.s32 @!p2 $0x3;
	s17 =	simm.s32 @!p2 $0x0;
	[bflag:$0x0] =	sbarrier.arrive $0xFFFF  }
0x2b: {  	[tilespmem:s17], [sflag:$0x3] =	stream.linear.gather @!p2 [hbm4b:s11+s17], $0x80, $0x38;
	[tilespmem:$0xDCC0] =	vst v63  }
0x2c: {  	_ =	swait.ge @!p2 [sflag:s18], $0x80  }
0x2d: {  	[sflag:s18] =	ssyncset.done @!p2 $0x0;
	p2 =	por p2, p2  }
0x2e: {  	[sflag:s18] =	ssyncadd.s32 @!p2 $0xFFFFFF80;
	s19 =	simm.s32 @!p2 $0x80;
	s20 =	simm.s32 @!p2 $0x1  }
0x2f: {  	[tilespmem:s19], [sflag:$0x1] =	stream.indirect.gather @!p2 [spmem:s1], $0x40, s17, s19, $0xb8;
	[tilespmem:$0xDCC0] =	vst v63  }
0x30: {  	_ =	swait.ge @!p2 [sflag:s20], $0x2000  }
0x31: {  	[sflag:s20] =	ssyncset.done @!p2 $0x0  }
0x32: {  	s31 =	sadd.s32 $0x10, s2;
	[sflag:s20] =	ssyncadd.s32 @!p2 $0xFFFFE000;
	s20 =	simm.s32 @!p2 $0x2  }
0x33: {  	[hbm4b:s12+s17] =	stream.linear.scatter @!p2 [tilespmem:s19], [sflag:$0x2], $0x4000, $0x38;
	[tilespmem:$0xDCC0] =	vst v63  }
0x34: {  	p3 =	sgt.u32 s31, $0x9C3;
	s18 =	simm.s32 $0x20;
	_ =	swait.ge @!p2 [sflag:s20], $0x4000  }
0x35: {  	s17 =	sadd.s32 $0x8000, s12;
	s19 =	sadd.s32 $0x100, s11;
	[sflag:s20] =	ssyncset.done @!p2 $0x0  }
.LBB2_3:
0x36: {  	s21 =	simm.s32 @!p3 $0x0;
	s22 =	simm.s32 @!p3 $0x3;
	[sflag:s20] =	ssyncadd.s32 @!p2 $0xFFFFC000  }
0x37: {  	[tilespmem:s21], [sflag:$0x3] =	stream.linear.gather @!p3 [hbm4b:s19+s21], $0x80, $0x38;
	[tilespmem:$0xDCC0] =	vst v63  }
0x38: {  	s23 =	smov.u32 s18;
	s18 =	sadd.s32 $0x10, s18;
	_ =	swait.ge @!p3 [sflag:s22], $0x80  }
0x39: {  	p2 =	por p3, p3;
	p4 =	seq.s32 s18, $0x9D0;
	[sflag:s22] =	ssyncset.done @!p3 $0x0  }
0x3a: {  	s20 =	simm.s32 @!p2 $0x1;
	[sflag:s22] =	ssyncadd.s32 @!p2 $0xFFFFFF80;
	s22 =	simm.s32 @!p2 $0x80  }
0x3b: {  	[tilespmem:s22], [sflag:$0x1] =	stream.indirect.gather @!p2 [spmem:s1], $0x40, s21, s22, $0xb8;
	[tilespmem:$0xDCC0] =	vst v63  }
0x3c: {  	_ =	swait.ge @!p2 [sflag:s20], $0x2000  }
.Ltmp3:
0x3d: {  	[sflag:s20] =	ssyncset.done @!p2 $0x0;
	(pc) =	sbr.rel @!p4 .LBB2_3-.Ltmp3, $4  }
0x3e: {  	[sflag:s20] =	ssyncadd.s32 @!p2 $0xFFFFE000;
	s20 =	simm.s32 @!p2 $0x2  }
0x3f: {  	[hbm4b:s17+s21] =	stream.linear.scatter @!p2 [tilespmem:s22], [sflag:$0x2], $0x4000, $0x38;
	[tilespmem:$0xDCC0] =	vst v63  }
0x40: {  	s21 =	sadd.s32 s23, s2;
	s17 =	sadd.s32 $0x8000, s17;
	_ =	swait.ge @!p2 [sflag:s20], $0x4000  }
0x41: {  	s19 =	sadd.s32 $0x100, s19;
	p3 =	sgt.u32 s21, $0x9C3;
	[sflag:s20] =	ssyncset.done @!p2 $0x0  }
0x42: {  	s18 =	simm.s32 @!p3 $0x0;
	s21 =	simm.s32 @!p3 $0x3;
	[sflag:s20] =	ssyncadd.s32 @!p2 $0xFFFFC000  }
0x43: {  	[tilespmem:s18], [sflag:$0x3] =	stream.linear.gather @!p3 [hbm4b:s19+s18], $0x80, $0x38;
	[tilespmem:$0xDCC0] =	vst v63  }
0x44: {  	_ =	swait.ge @!p3 [sflag:s21], $0x80  }
0x45: {  	p2 =	por p3, p3;
	[sflag:s21] =	ssyncset.done @!p3 $0x0  }
0x46: {  	s19 =	simm.s32 @!p2 $0x80;
	s20 =	simm.s32 @!p2 $0x1;
	[sflag:s21] =	ssyncadd.s32 @!p2 $0xFFFFFF80  }
0x47: {  	[tilespmem:s19], [sflag:$0x1] =	stream.indirect.gather @!p2 [spmem:s1], $0x40, s18, s19, $0xb8;
	[tilespmem:$0xDCC0] =	vst v63  }
0x48: {  	_ =	swait.ge @!p2 [sflag:s20], $0x2000  }
0x49: {  	[sflag:s20] =	ssyncset.done @!p2 $0x0  }
.Ltmp4:
0x4a: {  	[sflag:s20] =	ssyncadd.s32 @!p2 $0xFFFFE000;
	s20 =	simm.s32 @!p2 $0x2;
	(pc) =	sbr.rel .LBB2_8-.Ltmp4, $4  }
0x4b: {  	[hbm4b:s17+s18] =	stream.linear.scatter @!p2 [tilespmem:s19], [sflag:$0x2], $0x4000, $0x38;
	[tilespmem:$0xDCC0] =	vst v63  }
0x4c: {  	_ =	swait.ge @!p2 [sflag:s20], $0x4000  }
0x4d: {  	[sflag:s20] =	ssyncset.done @!p2 $0x0  }
0x4e: {  	[sflag:s20] =	ssyncadd.s32 @!p2 $0xFFFFC000  }
.LBB2_5:
0x4f: {  	[spmem:s14], [sflag:s13] =	dma.local [hbm:s4], $0x2700  }
0x50: {  	_ =	swait.ge [sflag:s15], $0x2700  }
0x51: {  	[sflag:s15] =	ssyncset.done $0x0  }
0x52: {  	s17 =	simm.s32 @!p0 $0x2;
	[sflag:s15] =	ssyncadd.s32 $0xFFFFD900  }
0x53: {  	[spmem:s16], [sflag:s13] =	dma.local @!p0 [hbm:s5], $0x100  }
0x54: {  	_ =	swait.ge @!p0 [sflag:s17], $0x100  }
0x55: {  	s30 =	sadd.s32 $0x0, s2;
	[sflag:s17] =	ssyncset.done @!p0 $0x0  }
0x56: {  	p2 =	sgt.u32 s30, $0x9C3;
	[sflag:s17] =	ssyncadd.s32 @!p0 $0xFFFFFF00  }
0x57: {  	s18 =	simm.s32 @!p2 $0x3;
	s17 =	simm.s32 @!p2 $0x0;
	[bflag:$0x0] =	sbarrier.arrive $0xFFFF  }
0x58: {  	[tilespmem:s17], [sflag:$0x3] =	stream.linear.gather @!p2 [hbm4b:s9+s17], $0x80, $0x38;
	[tilespmem:$0xDCC0] =	vst v63  }
0x59: {  	_ =	swait.ge @!p2 [sflag:s18], $0x80  }
0x5a: {  	[sflag:s18] =	ssyncset.done @!p2 $0x0;
	p2 =	por p2, p2  }
0x5b: {  	[sflag:s18] =	ssyncadd.s32 @!p2 $0xFFFFFF80;
	s19 =	simm.s32 @!p2 $0x80;
	s20 =	simm.s32 @!p2 $0x1  }
0x5c: {  	[tilespmem:s19], [sflag:$0x1] =	stream.indirect.gather @!p2 [spmem:s1], $0x40, s17, s19, $0xb8;
	[tilespmem:$0xDCC0] =	vst v63  }
0x5d: {  	_ =	swait.ge @!p2 [sflag:s20], $0x2000  }
0x5e: {  	[sflag:s20] =	ssyncset.done @!p2 $0x0  }
0x5f: {  	s31 =	sadd.s32 $0x10, s2;
	[sflag:s20] =	ssyncadd.s32 @!p2 $0xFFFFE000;
	s20 =	simm.s32 @!p2 $0x2  }
0x60: {  	[hbm4b:s10+s17] =	stream.linear.scatter @!p2 [tilespmem:s19], [sflag:$0x2], $0x4000, $0x38;
	[tilespmem:$0xDCC0] =	vst v63  }
0x61: {  	p3 =	sgt.u32 s31, $0x9C3;
	s18 =	simm.s32 $0x20;
	_ =	swait.ge @!p2 [sflag:s20], $0x4000  }
0x62: {  	s17 =	sadd.s32 $0x8000, s10;
	s19 =	sadd.s32 $0x100, s9;
	[sflag:s20] =	ssyncset.done @!p2 $0x0  }
.LBB2_6:
0x63: {  	s21 =	simm.s32 @!p3 $0x0;
	s22 =	simm.s32 @!p3 $0x3;
	[sflag:s20] =	ssyncadd.s32 @!p2 $0xFFFFC000  }
0x64: {  	[tilespmem:s21], [sflag:$0x3] =	stream.linear.gather @!p3 [hbm4b:s19+s21], $0x80, $0x38;
	[tilespmem:$0xDCC0] =	vst v63  }
0x65: {  	s23 =	smov.u32 s18;
	s18 =	sadd.s32 $0x10, s18;
	_ =	swait.ge @!p3 [sflag:s22], $0x80  }
0x66: {  	p2 =	por p3, p3;
	p4 =	sne.s32 s18, $0x9D0;
	[sflag:s22] =	ssyncset.done @!p3 $0x0  }
0x67: {  	s20 =	simm.s32 @!p2 $0x1;
	[sflag:s22] =	ssyncadd.s32 @!p2 $0xFFFFFF80;
	s22 =	simm.s32 @!p2 $0x80  }
0x68: {  	[tilespmem:s22], [sflag:$0x1] =	stream.indirect.gather @!p2 [spmem:s1], $0x40, s21, s22, $0xb8;
	[tilespmem:$0xDCC0] =	vst v63  }
0x69: {  	_ =	swait.ge @!p2 [sflag:s20], $0x2000  }
.Ltmp5:
0x6a: {  	[sflag:s20] =	ssyncset.done @!p2 $0x0;
	(pc) =	sbr.rel @p4 .LBB2_6-.Ltmp5, $4  }
0x6b: {  	[sflag:s20] =	ssyncadd.s32 @!p2 $0xFFFFE000;
	s20 =	simm.s32 @!p2 $0x2  }
0x6c: {  	[hbm4b:s17+s21] =	stream.linear.scatter @!p2 [tilespmem:s22], [sflag:$0x2], $0x4000, $0x38;
	[tilespmem:$0xDCC0] =	vst v63  }
0x6d: {  	s21 =	sadd.s32 s23, s2;
	s17 =	sadd.s32 $0x8000, s17;
	_ =	swait.ge @!p2 [sflag:s20], $0x4000  }
0x6e: {  	s19 =	sadd.s32 $0x100, s19;
	p3 =	sgt.u32 s21, $0x9C3;
	[sflag:s20] =	ssyncset.done @!p2 $0x0  }
.Ltmp6:
0x6f: {  	_ = 	snop;
	(pc) =	sbr.rel .LBB2_7-.Ltmp6, $1  }
0x70: {  	_ =	sdelay $0x3  }
.LBB2_9:
0x71: {  	_ =	sfence.sel $0x180000  }
0x72: {  	[bflag:$0x0] =	sbarrier.arrive $0xFFFF  }
0x73: {  	_ =	strace $0x9000004D  }
0x74: {  	s0 =	sadd.s32 @!p0 $0x100000, s0;
	[bflag:$0x2] =	sbarrier.arrive $0xFFFF  }
0x75: {  	[sflag:s0] =	ssyncadd.tile.s32 @!p0 $0x1;
	_ =	shalt  }
.Lfunc_end2:
_tile_overlayer_lowered:
.L_overlay_start_2:
0x76: {  	(tag) =	ssettag $0x2  }
0x77: {  	s0 =	rddreg [dreg:$0x0];
	s2 =	stileid.u32  }
0x78: {  	s1 =	rddreg [dreg:$0x1];
	p0 =	sne.s32 s2, $0x0  }
0x79: {  	s3 =	rddreg [dreg:$0x2];
	[bflag:$0x3] =	sbarrier.arrive $0xFFFF;
	s2 =	simm.s32 @!p0 $0x1C02  }
0x7a: {  	[timem:s3], [sflag:s2] =	dma.local @!p0 [hbm:s0], s1  }
0x7b: {  	s0 =	simm.s32 @!p0 $0x2  }
0x7c: {  	_ =	swait.ge @!p0 [sflag:s0], s1  }
0x7d: {  	s1 =	ssub.s32 @!p0 $0x0, s1;
	[sflag:s0] =	ssyncset.done @!p0 $0x0  }
0x7e: {  	[sflag:s0] =	ssyncadd.s32 @!p0 s1  }
0x7f: {  	[bflag:$0x3] =	sbarrier.arrive $0xFFFF  }
0x80: {  	_ =	shalt  }

// kernel: kernel.20.cloned.1.call-start
scs
__scs_entry_jumppad:
0x0: {  	(pc) =	sbr.rel $0x88, $3  }
0x1: {  	(tag) =	ssettag $0x0;
	lr =	simm.s32 $0x1  }
0x2: {  	[smem:$0x3F73] =	sst lr;
	_ =	strace $0xD0000000  }
0x3: {  	_ = 	snop  }
0x4: {  	_ = 	snop  }
0x5: {  	_ = 	snop  }
0x6: {  	_ = 	snop  }
0x7: {  	_ = 	snop  }
__scs_overlays_trampoline_lowered:
0x8: {  	[smem:$0x3F82] =	sst s0  }
0x9: {  	[smem:$0x3F83] =	sst s1  }
0xa: {  	[smem:$0x3F84] =	sst s2  }
0xb: {  	[smem:$0x3F85] =	sst s3  }
0xc: {  	[smem:$0x3F86] =	sst s4  }
0xd: {  	[smem:$0x3F87] =	sst s5  }
0xe: {  	[smem:$0x3F88] =	sst s6  }
0xf: {  	[smem:$0x3F89] =	sst s7  }
0x10: {  	[smem:$0x3F8A] =	sst s8  }
0x11: {  	[smem:$0x3F8B] =	sst s9;
	s0 =	simm.s32 @!p0 $0x0  }
0x12: {  	s1 =	sld [smem:$0x3F71];
	s0 =	simm.s32 @p0 $0x1  }
0x13: {  	[smem:$0x3F8C] =	sst s0;
	s0 =	simm.s32 @!p1 $0x0  }
0x14: {  	s2 =	sld [smem:$0x3F70];
	s0 =	simm.s32 @p1 $0x1  }
0x15: {  	[smem:$0x3F8D] =	sst s0;
	s0 =	simm.s32 @!p2 $0x0  }
0x16: {  	s3 =	sld [smem:$0x3FDB];
	s0 =	simm.s32 @p2 $0x1  }
0x17: {  	s4 =	simm.s32 $0x1BF5;
	[smem:$0x3F8F] =	sst s0  }
0x18: {  	s0 =	sld [smem:$0x3F72];
	_ =	swait.ge [sflag:s4], $0x0  }
0x19: {  	s7 =	sld [smem:$0x3F73]  }
0x1a: {  	s8 =	sadd.s32 $0xFFFFE003, lr  }
0x1b: {  	s9 =	sadd.s32 $0xFFFFFEF7, lr;
	s5 =	simm.s32 $0xFFFFFFFF;
	p2 =	slt.u32 s8, $0xFFFFF086  }
0x1c: {  	p1 =	slt.u32 s9, $0xF7A;
	s5 =	simm.s32 @!p2 $0x0  }
0x1d: {  	s5 =	simm.s32 @p1 $0x1;
	p0 =	seq.s32 s7, s2  }
0x1e: {  	s7 =	smul.u32 @!p0 $0xF7A, s2;
	p2 =	seq.s32 @!p0 s5, $0x0  }
0x1f: {  	s9 =	smul.u32 $0xF7A, s1;
	s8 =	simm.s32 @!p0 $0x1BF5;
	p2 =	por !p2, p0  }
0x20: {  	[sflag:s8] =	ssyncset.s32 @!p0 $0xFFFFF086;
	s6 =	sadd.s32 @!p0 s3, s7;
	s7 =	simm.s32 @!p0 $0x108  }
0x21: {  	s3 =	sadd.s32 s3, s9;
	s6 =	sadd.s32 @!p0 $0x88, s6;
	s7 =	simm.s32 @p2 $0x1082  }
0x22: {  	[simem:s7], [sflag:s8] =	dma.local @!p0 [hbm:s6], $0xF7A  }
0x23: {  	s9 =	sor.u32 $0xD0000000, s2;
	s6 =	simm.s32 $0x108;
	_ =	swait.ge @!p0 [sflag:s8], $0x0  }
0x24: {  	s3 =	sadd.s32 $0x88, s3;
	s6 =	simm.s32 @!p1 $0x1082;
	[sflag:s4] =	ssyncset.s32 $0xFFFFF086  }
0x25: {  	[simem:s6], [sflag:s4] =	dma.local [hbm:s3], $0xF7A  }
0x26: {  	[smem:$0x3F73] =	sst s1;
	(tag) =	ssettag s2;
	_ =	strace s9  }
0x27: {  	s1 =	sld [smem:$0x3F83]  }
0x28: {  	s2 =	sld [smem:$0x3F84]  }
0x29: {  	s4 =	sld [smem:$0x3F86]  }
0x2a: {  	p0 =	seq.s32 s5, $0x0;
	s5 =	sld [smem:$0x3F87]  }
0x2b: {  	s6 =	sld [smem:$0x3F88]  }
0x2c: {  	s7 =	sld [smem:$0x3F89]  }
0x2d: {  	s3 =	simm.s32 $0x108;
	s8 =	sld [smem:$0x3F8A]  }
0x2e: {  	s3 =	simm.s32 @!p0 $0x1082;
	s9 =	sld [smem:$0x3F8B]  }
0x2f: {  	lr =	sadd.s32 s0, s3;
	s0 =	sld [smem:$0x3F82]  }
0x30: {  	s3 =	sld [smem:$0x3F85]  }
0x31: {  	[smem:$0x3F8E] =	sst s10  }
0x32: {  	s10 =	sld [smem:$0x3F8C];
	_ =	sdelay $0x3  }
0x33: {  	p0 =	seq.s32 s10, $0x1;
	s10 =	sld [smem:$0x3F8E];
	_ =	sdelay $0x3  }
0x34: {  	[smem:$0x3F8E] =	sst s10  }
0x35: {  	s10 =	sld [smem:$0x3F8D];
	_ =	sdelay $0x3  }
0x36: {  	p1 =	seq.s32 s10, $0x1;
	s10 =	sld [smem:$0x3F8E];
	_ =	sdelay $0x3  }
0x37: {  	[smem:$0x3F8E] =	sst s10  }
0x38: {  	s10 =	sld [smem:$0x3F8F]  }
0x39: {  	_ = 	snop;
	(pc) =	sbr.ind lr, $3  }
0x3a: {  	_ = 	snop  }
0x3b: {  	_ = 	snop  }
0x3c: {  	p2 =	seq.s32 s10, $0x1;
	s10 =	sld [smem:$0x3F8E]  }
0x3d: {  	_ =	shalt  }
0x3e: {  	_ =	shalt  }
0x3f: {  	_ =	shalt  }
0x40: {  	_ =	shalt  }
0x41: {  	_ =	shalt  }
0x42: {  	_ =	shalt  }
0x43: {  	_ =	shalt  }
0x44: {  	_ =	shalt  }
0x45: {  	_ =	shalt  }
0x46: {  	_ =	shalt  }
0x47: {  	_ =	shalt  }
0x48: {  	_ =	shalt  }
0x49: {  	_ =	shalt  }
0x4a: {  	_ =	shalt  }
0x4b: {  	_ =	shalt  }
0x4c: {  	_ =	shalt  }
0x4d: {  	_ =	shalt  }
0x4e: {  	_ =	shalt  }
0x4f: {  	_ =	shalt  }
0x50: {  	_ =	shalt  }
0x51: {  	_ =	shalt  }
0x52: {  	_ =	shalt  }
0x53: {  	_ =	shalt  }
0x54: {  	_ =	shalt  }
0x55: {  	_ =	shalt  }
0x56: {  	_ =	shalt  }
0x57: {  	_ =	shalt  }
0x58: {  	_ =	shalt  }
0x59: {  	_ =	shalt  }
0x5a: {  	_ =	shalt  }
0x5b: {  	_ =	shalt  }
0x5c: {  	_ =	shalt  }
0x5d: {  	_ =	shalt  }
0x5e: {  	_ =	shalt  }
0x5f: {  	_ =	shalt  }
0x60: {  	_ =	shalt  }
0x61: {  	_ =	shalt  }
0x62: {  	_ =	shalt  }
0x63: {  	_ =	shalt  }
0x64: {  	_ =	shalt  }
0x65: {  	_ =	shalt  }
0x66: {  	_ =	shalt  }
0x67: {  	_ =	shalt  }
0x68: {  	_ =	shalt  }
0x69: {  	_ =	shalt  }
0x6a: {  	_ =	shalt  }
0x6b: {  	_ =	shalt  }
0x6c: {  	_ =	shalt  }
0x6d: {  	_ =	shalt  }
0x6e: {  	_ =	shalt  }
0x6f: {  	_ =	shalt  }
0x70: {  	_ =	shalt  }
0x71: {  	_ =	shalt  }
0x72: {  	_ =	shalt  }
0x73: {  	_ =	shalt  }
0x74: {  	_ =	shalt  }
0x75: {  	_ =	shalt  }
0x76: {  	_ =	shalt  }
0x77: {  	_ =	shalt  }
0x78: {  	_ =	shalt  }
0x79: {  	_ =	shalt  }
0x7a: {  	_ =	shalt  }
0x7b: {  	_ =	shalt  }
0x7c: {  	_ =	shalt  }
0x7d: {  	_ =	shalt  }
0x7e: {  	_ =	shalt  }
0x7f: {  	_ =	shalt  }
0x80: {  	_ =	shalt  }
0x81: {  	_ =	shalt  }
0x82: {  	_ =	shalt  }
0x83: {  	_ =	shalt  }
0x84: {  	_ =	shalt  }
0x85: {  	_ =	shalt  }
0x86: {  	_ =	shalt  }
0x87: {  	_ =	shalt  }
.Lfunc_end0:
.L_simem_size_0:
called_computation.3_lowered:
.L_overlay_start_0:
0x88: {  	s2 =	sld [smem:$0x3FD9]  }
0x89: {  	s3 =	sld [smem:$0x3FFE];
	_ =	sdelay $0x1  }
0x8a: {  	s1 =	srdreg.scid  }
0x8b: {  	s0 =	sand.u32 $0x1, s1  }
0x8c: {  	s16 =	sshll.u32 s0, $0xA;
	s2 =	sadd.s32 s3, s2  }
0x8d: {  	s2 =	sadd.s32 s2, s16  }
0x8e: {  	[smem:$0x3F9A] =	sst s2  }
0x8f: {  	_ = 	snop  }
0x90: {  	(tm) =	ssettm $0x1  }
0x91: {  	s17 =	sld [smem:$0x3FFB];
	_ =	sdelay $0x3  }
0x92: {  	_ =	strace s17  }
0x93: {  	s2 =	sld [smem:$0x3FFC];
	_ =	sdelay $0x3  }
0x94: {  	_ =	strace s2  }
0x95: {  	s2 =	sld [smem:$0x3FFD];
	_ =	sdelay $0x3  }
0x96: {  	_ =	strace s2  }
0x97: {  	_ =	strace $0x8FFFFFFF  }
0x98: {  	s18 =	sld [smem:$0x3FDB];
	_ =	sdelay $0x1  }
0x99: {  	s19 =	simm.s32 $_scs_section_size  }
0x9a: {  	s4 =	simm.s32 $_size__tile_overlayer_lowered;
	s5 =	simm.s32 $_tile_overlayer_lowered  }
0x9b: {  	s22 =	simm.s32 $0x1BFF;
	s21 =	sshll.u32 s5, $0x1;
	s2 =	sadd.s32 s19, s18  }
0x9c: {  	s6 =	simm.s32 $0x0;
	s20 =	sshll.u32 s4, $0x1;
	s4 =	sadd.s32 s21, s2  }
0x9d: {  	[timem:s6], [sflag:s22] =	dma.local [hbm:s4], s20  }
0x9e: {  	_ =	swait.ge [sflag:s22], s20  }
0x9f: {  	s3 =	ssub.s32 $0x0, s20;
	[sflag:s22] =	ssyncset.done $0x0  }
0xa0: {  	[sflag:s22] =	ssyncadd.s32 s3;
	_ =	sdelay $0x1  }
0xa1: {  	s23 =	simm.s32 $0x1B8B  }
0xa2: {  	_ =	swait.ge [sflag:s23], $0x1  }
0xa3: {  	[sflag:s23] =	ssyncset.done $0x0  }
0xa4: {  	s25 =	simm.s32 $0x1B8E;
	s24 =	sld [smem:$0x3FFE];
	[sflag:s23] =	ssyncadd.s32 $0xFFFFFFFF  }
0xa5: {  	s26 =	simm.s32 $execute0_lowered;
	[smem:$0x3FD2] =	sst s25  }
0xa6: {  	s4 =	sshll.u32 s26, $0x1;
	_ =	strace $0x8000004F;
	[dreg:$0x1] =	wrdreg $0xFFFFFFFF  }
0xa7: {  	s28 =	simm.s32 $_size_execute0_lowered;
	s2 =	sadd.s32 s2, s4;
	[dreg:$0x0] =	wrdreg $0x0  }
0xa8: {  	s4 =	sshll.u32 s28, $0x1;
	[dreg:$0x2] =	wrdreg s2  }
0xa9: {  	[dreg:$0x3] =	wrdreg s4  }
0xaa: {  	[dreg:$0x4] =	wrdreg $0xC0  }
0xab: {  	_ =	task [dreg:s6], $0x5FFFF  }
0xac: {  	[dreg:$0x1] =	wrdreg $0xFFFFFFFF  }
0xad: {  	[dreg:$0x0] =	wrdreg $0x60  }
0xae: {  	[dreg:$0x2] =	wrdreg s24  }
0xaf: {  	[dreg:$0x3] =	wrdreg $0x40800  }
0xb0: {  	[dreg:$0x4] =	wrdreg $0x9  }
0xb1: {  	_ =	task.clear_ibuf [dreg:s6], $0x5FFFF;
	_ =	strace $0x9000004F  }
0xb2: {  	s29 =	simm.s32 $0x9;
	_ =	strace $0x80000051  }
0xb3: {  	_ =	swait.ge [sflag:s29], $0x1  }
0xb4: {  	[sflag:s29] =	ssyncadd.s32 $0xFFFFFFFF  }
0xb5: {  	_ =	strace $0x90000051  }
0xb6: {  	_ =	sfence  }
0xb7: {  	s30 =	sld [smem:$0x0];
	_ =	sdelay $0x2  }
0xb8: {  	s31 =	sshll.u32 s1, $0xD;
	s1 =	sshrl.u32 s1, $0x2  }
0xb9: {  	s3 =	sand.u32 $0x4000, s31;
	s1 =	sadd.s32 s1, s30  }
0xba: {  	s0 =	sor.u32 s3, s0;
	s1 =	sshll.u32 s1, $0x11  }
0xbb: {  	s0 =	sor.u32 s1, s0  }
0xbc: {  	s0 =	sadd.s32 $0x8F2B, s0  }
0xbd: {  	[sflag:s0] =	ssyncadd.remote.s32 $0x1  }
0xbe: {  	_ =	sfence.sel $0xFFFF  }
0xbf: {  	[dreg:$0x0] =	wrdreg $0xFFFFFFFF;
	(pc) =	sbr.abs _section_cstart, $3  }
0xc0: {  	[dreg:$0x1] =	wrdreg $0xFFFFFFFF  }
0xc1: {  	_ =	task.clear_ibuf [dreg:s6], $0x2FFFF;
	_ =	strace $0x9FFFFFFF  }
0xc2: {  	(tm) =	ssettm $0x7FFFFFFF  }
0xc3: {  	_ =	shalt  }
tec
execute0_lowered:
.L_overlay_start_1:
0x0: {  	(tag) =	ssettag $0x1  }
0x1: {  	s5 =	rddreg [dreg:$0x0]  }
0x2: {  	s1 =	rddreg [dreg:$0x1]  }
0x3: {  	s0 =	rddreg [dreg:$0x2]  }
0x4: {  	s2 =	simm.s32 $0x0;
	s3 =	srdreg.scid;
	s10 =	stileid.u32  }
0x5: {  	[smem:$0x7FF] =	sst s2;
	s13 =	smul.u32 $0x2700, s10  }
0x6: {  	s6 =	sand.u32 $0x1, s3;
	s9 =	smul.u32 $0x4E000, s10;
	s28 =	sshll.u32 s10, $0x6  }
0x7: {  	s16 =	sadd.s32 $0x138000, s1;
	s29 =	sshll.u32 s10, $0x4;
	s31 =	sshll.u32 s10, $0xB  }
0x8: {  	p0 =	sne.s32 s10, $0x0;
	_ =	strace $0x80000050;
	s3 =	sshll.u32 s6, $0xF  }
0x9: {  	s23 =	sshll.u32 s6, $0x8;
	s4 =	smul.u32 $0x27100, s6;
	s24 =	ssub.s32 $0x2, s6  }
0xa: {  	s30 =	sshll.u32 s6, $0x4;
	s7 =	sadd.s32 s3, s5;
	s8 =	sadd.s32 s23, s5  }
0xb: {  	s11 =	sadd.s32 s13, s5;
	s25 =	sshrl.u32 s24, $0x1;
	s26 =	sshrl.u32 s9, $0x2  }
0xc: {  	s12 =	sadd.s32 s4, s5;
	s14 =	ssub.s32 s24, s25;
	s15 =	sadd.s32 s26, s1  }
0xd: {  	s3 =	sadd.s32 $0x6B800, s11;
	s4 =	sor.u32 $0x1C01, s28;
	s5 =	sadd.s32 $0x92800, s5  }
0xe: {  	s8 =	sadd.s32 s29, s8;
	s9 =	sadd.s32 s31, s7;
	s11 =	simm.s32 $0x1  }
0xf: {  	s17 =	sadd.s32 $0xE0E00, s12;
	s6 =	smax.u32 s14, $0x1;
	s7 =	sadd.s32 $0x61A00, s8  }
0x10: {  	s8 =	sadd.s32 $0xAA4E00, s9;
	s9 =	sor.u32 s30, s10;
	s10 =	sshrl.u32 s15, $0x3  }
0x11: {  	s12 =	sshrl.u32 @!p0 s16, $0x3;
	s13 =	sadd.s32 s13, s17;
	s14 =	sadd.s32 @!p0 $0x27000, s17  }
.LBB2_1:
0x12: {  	[spmem:s10], [sflag:s4] =	dma.local [hbm:s3], $0x2700  }
0x13: {  	_ =	swait.ge [sflag:s11], $0x2700  }
0x14: {  	[sflag:s11] =	ssyncset.done $0x0  }
0x15: {  	s15 =	simm.s32 @!p0 $0x1;
	[sflag:s11] =	ssyncadd.s32 $0xFFFFD900  }
0x16: {  	[spmem:s12], [sflag:s4] =	dma.local @!p0 [hbm:s5], $0x100  }
0x17: {  	_ =	swait.ge @!p0 [sflag:s15], $0x100  }
0x18: {  	s16 =	sadd.s32 $0x0, s9;
	[sflag:s15] =	ssyncset.done @!p0 $0x0  }
0x19: {  	p1 =	sgt.u32 s16, $0x9C3;
	[sflag:s15] =	ssyncadd.s32 @!p0 $0xFFFFFF00  }
0x1a: {  	s17 =	simm.s32 @!p1 $0x2;
	s15 =	simm.s32 @!p1 $0x0;
	[bflag:$0x0] =	sbarrier.arrive $0xFFFF  }
0x1b: {  	[tilespmem:s15], [sflag:$0x2] =	stream.linear.gather @!p1 [hbm4b:s7+s15], $0x80, $0x38;
	[tilespmem:$0xDCC0] =	vst v63  }
0x1c: {  	_ =	swait.ge @!p1 [sflag:s17], $0x80  }
0x1d: {  	[sflag:s17] =	ssyncset.done @!p1 $0x0;
	p1 =	por p1, p1  }
0x1e: {  	[sflag:s17] =	ssyncadd.s32 @!p1 $0xFFFFFF80;
	s19 =	simm.s32 @!p1 $0x80  }
0x1f: {  	[tilespmem:s19], [sflag:$0x2] =	stream.linear.gather @!p1 [hbm4b:s8+s15], $0x4000, $0x38;
	[tilespmem:$0xDCC0] =	vst v63  }
0x20: {  	_ =	swait.ge @!p1 [sflag:s17], $0x4000  }
0x21: {  	[sflag:s17] =	ssyncset.done @!p1 $0x0  }
0x22: {  	s31 =	sadd.s32 $0x20, s9;
	s18 =	simm.s32 @!p1 $0x1;
	[sflag:s17] =	ssyncadd.s32 @!p1 $0xFFFFC000  }
0x23: {  	[spmem:s1] =	stream.indirect.scatter.add.f32 @!p1 [tilespmem:s19], [sflag:$0x1], $0x40, s15, s19, $0xb8;
	[tilespmem:$0xDCC0] =	vst v63  }
0x24: {  	s16 =	simm.s32 $0x40;
	p2 =	sgt.u32 s31, $0x9C3;
	_ =	swait.ge @!p1 [sflag:s18], $0x2000  }
0x25: {  	s17 =	sadd.s32 $0x200, s7;
	s15 =	sadd.s32 $0x10000, s8;
	[sflag:s18] =	ssyncset.done @!p1 $0x0  }
.LBB2_2:
0x26: {  	s19 =	simm.s32 @!p2 $0x0;
	s20 =	simm.s32 @!p2 $0x2;
	[sflag:s18] =	ssyncadd.s32 @!p1 $0xFFFFE000  }
0x27: {  	[tilespmem:s19], [sflag:$0x2] =	stream.linear.gather @!p2 [hbm4b:s17+s19], $0x80, $0x38;
	[tilespmem:$0xDCC0] =	vst v63  }
0x28: {  	s21 =	smov.u32 s16;
	s16 =	sadd.s32 $0x20, s16;
	_ =	swait.ge @!p2 [sflag:s20], $0x80  }
0x29: {  	p1 =	por p2, p2;
	p3 =	sne.s32 s16, $0x9E0;
	[sflag:s20] =	ssyncset.done @!p2 $0x0  }
0x2a: {  	s22 =	simm.s32 @!p1 $0x80;
	[sflag:s20] =	ssyncadd.s32 @!p1 $0xFFFFFF80  }
0x2b: {  	[tilespmem:s22], [sflag:$0x2] =	stream.linear.gather @!p1 [hbm4b:s15+s19], $0x4000, $0x38;
	[tilespmem:$0xDCC0] =	vst v63  }
0x2c: {  	_ =	swait.ge @!p1 [sflag:s20], $0x4000  }
.Ltmp0:
0x2d: {  	[sflag:s20] =	ssyncset.done @!p1 $0x0;
	(pc) =	sbr.rel @p3 .LBB2_2-.Ltmp0, $4  }
0x2e: {  	s18 =	simm.s32 @!p1 $0x1;
	[sflag:s20] =	ssyncadd.s32 @!p1 $0xFFFFC000  }
0x2f: {  	[spmem:s1] =	stream.indirect.scatter.add.f32 @!p1 [tilespmem:s22], [sflag:$0x1], $0x40, s19, s22, $0xb8;
	[tilespmem:$0xDCC0] =	vst v63  }
0x30: {  	s15 =	sadd.s32 $0x10000, s15;
	s19 =	sadd.s32 s21, s9;
	_ =	swait.ge @!p1 [sflag:s18], $0x2000  }
0x31: {  	s17 =	sadd.s32 $0x200, s17;
	p2 =	sgt.u32 s19, $0x9C3;
	[sflag:s18] =	ssyncset.done @!p1 $0x0  }
0x32: {  	s16 =	simm.s32 @!p2 $0x0;
	s19 =	simm.s32 @!p2 $0x2;
	[sflag:s18] =	ssyncadd.s32 @!p1 $0xFFFFE000  }
0x33: {  	[tilespmem:s16], [sflag:$0x2] =	stream.linear.gather @!p2 [hbm4b:s17+s16], $0x80, $0x38;
	[tilespmem:$0xDCC0] =	vst v63  }
0x34: {  	_ =	swait.ge @!p2 [sflag:s19], $0x80  }
0x35: {  	p1 =	por p2, p2;
	[sflag:s19] =	ssyncset.done @!p2 $0x0  }
0x36: {  	s17 =	simm.s32 @!p1 $0x80;
	[sflag:s19] =	ssyncadd.s32 @!p1 $0xFFFFFF80  }
0x37: {  	[tilespmem:s17], [sflag:$0x2] =	stream.linear.gather @!p1 [hbm4b:s15+s16], $0x4000, $0x38;
	[tilespmem:$0xDCC0] =	vst v63  }
0x38: {  	_ =	swait.ge @!p1 [sflag:s19], $0x4000  }
0x39: {  	[sflag:s19] =	ssyncset.done @!p1 $0x0  }
0x3a: {  	s15 =	simm.s32 @!p1 $0x1;
	[sflag:s19] =	ssyncadd.s32 @!p1 $0xFFFFC000  }
0x3b: {  	[spmem:s1] =	stream.indirect.scatter.add.f32 @!p1 [tilespmem:s17], [sflag:$0x1], $0x40, s16, s17, $0xb8;
	[tilespmem:$0xDCC0] =	vst v63  }
0x3c: {  	_ =	swait.ge @!p1 [sflag:s15], $0x2000  }
0x3d: {  	[sflag:s15] =	ssyncset.done @!p1 $0x0  }
0x3e: {  	[sflag:s15] =	ssyncadd.s32 @!p1 $0xFFFFE000  }
0x3f: {  	[bflag:$0x0] =	sbarrier.arrive $0xFFFF  }
0x40: {  	[hbm:s13], [sflag:s4] =	dma.local [spmem:s10], $0x2700  }
0x41: {  	s2 =	sadd.s32 $0x1, s2;
	_ =	swait.ge [sflag:s11], $0x2700  }
0x42: {  	p1 =	sne.s32 s2, s6;
	[sflag:s11] =	ssyncset.done $0x0  }
.Ltmp1:
0x43: {  	s15 =	simm.s32 @!p0 $0x1;
	[sflag:s11] =	ssyncadd.s32 $0xFFFFD900;
	(pc) =	sbr.rel @p1 .LBB2_1-.Ltmp1, $4  }
0x44: {  	[hbm:s14], [sflag:s4] =	dma.local @!p0 [spmem:s12], $0x100  }
0x45: {  	_ =	swait.ge @!p0 [sflag:s15], $0x100  }
0x46: {  	[sflag:s15] =	ssyncset.done @!p0 $0x0  }
0x47: {  	[sflag:s15] =	ssyncadd.s32 @!p0 $0xFFFFFF00  }
0x48: {  	_ =	sfence.sel $0x180000  }
0x49: {  	[bflag:$0x0] =	sbarrier.arrive $0xFFFF  }
0x4a: {  	_ =	strace $0x90000050  }
0x4b: {  	s0 =	sadd.s32 @!p0 $0x100000, s0;
	[bflag:$0x2] =	sbarrier.arrive $0xFFFF  }
0x4c: {  	[sflag:s0] =	ssyncadd.tile.s32 @!p0 $0x1;
	_ =	shalt  }
.Lfunc_end2:
_tile_overlayer_lowered:
.L_overlay_start_2:
0x4d: {  	(tag) =	ssettag $0x2  }
0x4e: {  	s0 =	rddreg [dreg:$0x0];
	s2 =	stileid.u32  }
0x4f: {  	s1 =	rddreg [dreg:$0x1];
	p0 =	sne.s32 s2, $0x0  }
0x50: {  	s3 =	rddreg [dreg:$0x2];
	[bflag:$0x3] =	sbarrier.arrive $0xFFFF;
	s2 =	simm.s32 @!p0 $0x1C01  }
0x51: {  	[timem:s3], [sflag:s2] =	dma.local @!p0 [hbm:s0], s1  }
0x52: {  	s0 =	simm.s32 @!p0 $0x1  }
0x53: {  	_ =	swait.ge @!p0 [sflag:s0], s1  }
0x54: {  	s1 =	ssub.s32 @!p0 $0x0, s1;
	[sflag:s0] =	ssyncset.done @!p0 $0x0  }
0x55: {  	[sflag:s0] =	ssyncadd.s32 @!p0 s1  }
0x56: {  	[bflag:$0x3] =	sbarrier.arrive $0xFFFF  }
0x57: {  	_ =	shalt  }

</sc_bundles>
